<compile_context>
chip_gen: v7x
topology: tpu7x:2x2x1
jax: 0.10.2.dev20260603
libtpu: 0.0.44.dev20260713+nightly
codegen_flags: <defaults>
</compile_context>

<pallas_src>
import jax
import jax.numpy as jnp
from jax import lax
from jax.experimental import pallas as pl
from jax.experimental.pallas import tpu as pltpu
from jax.experimental.pallas import tpu_sc as plsc

T, D, E, K, FF, FFS = 64, 1024, 64, 2, 512, 1024

_NSUB = 16
_TPS = T // _NSUB
_L = 16
_NCH = E // _L


def _pre_body(x_ref, gw_ref, sg_ref, su_ref, sd_ref, logits_ref, shared_ref):
    logits_ref[...] = jnp.dot(x_ref[...], gw_ref[...].T,
                              preferred_element_type=jnp.float32)
    xb = x_ref[...].astype(jnp.bfloat16)
    sg = jnp.dot(xb, sg_ref[...].astype(jnp.bfloat16),
                 preferred_element_type=jnp.float32)
    su = jnp.dot(xb, su_ref[...].astype(jnp.bfloat16),
                 preferred_element_type=jnp.float32)
    sh = jax.nn.silu(sg) * su
    shared_ref[...] = jnp.dot(sh.astype(jnp.bfloat16),
                              sd_ref[...].astype(jnp.bfloat16),
                              preferred_element_type=jnp.float32)


def _ids_body(act_ref, ids_ref):
    actT = act_ref[...].T
    active_rows = jnp.sum(actT, axis=1, keepdims=True) > 0.0
    jj = jax.lax.broadcasted_iota(jnp.int32, (E, E), 0)
    ii = jax.lax.broadcasted_iota(jnp.int32, (E, E), 1)
    val = jnp.where((jj <= ii) & active_rows, jj, -1)
    eid_raw = jnp.max(val, axis=0, keepdims=True)
    jcol = jax.lax.broadcasted_iota(jnp.int32, (E, 1), 0)
    first_active = jnp.min(jnp.where(active_rows, jcol, E))
    ids_ref[...] = jnp.where(eid_raw < 0, first_active, eid_raw)


def _sc_router(logits_hbm, bias_hbm, comb_hbm, act_hbm,
               scores_v, comb_v, bias_v, act_v):
    cid = lax.axis_index("c")
    sid = lax.axis_index("s")

    @pl.when(cid == 0)
    def _route():
        pltpu.sync_copy(logits_hbm.at[pl.ds(sid * _TPS, _TPS)], scores_v)
        pltpu.sync_copy(bias_hbm, bias_v)
        acc = [jnp.zeros((_L,), jnp.float32) for _ in range(_NCH)]
        for lt in range(_TPS):
            sig_c, sc_c, m_c, i_c = [], [], [], []
            for c in range(_NCH):
                v = scores_v[lt, pl.ds(c * _L, _L)]
                sig = 1.0 / (1.0 + jnp.exp(-v))
                scc = sig + bias_v[pl.ds(c * _L, _L)]
                gidx = lax.iota(jnp.int32, _L) + c * _L
                m = jnp.max(scc)
                i = jnp.min(jnp.where(scc == m, gidx, E))
                sig_c.append(sig), sc_c.append(scc)
                m_c.append(m), i_c.append(i)
            m1, i1 = m_c[0], i_c[0]
            for c in range(1, _NCH):
                better = (m_c[c] > m1) | ((m_c[c] == m1) & (i_c[c] < i1))
                m1 = jnp.where(better, m_c[c], m1)
                i1 = jnp.where(better, i_c[c], i1)
            m2 = jnp.float32(-3e38)
            i2 = jnp.int32(E)
            for c in range(_NCH):
                gidx = lax.iota(jnp.int32, _L) + c * _L
                scm = jnp.where(gidx == i1, -3e38, sc_c[c])
                m = jnp.max(scm)
                i = jnp.min(jnp.where(scm == m, gidx, E))
                better = (m > m2) | ((m == m2) & (i < i2))
                m2 = jnp.where(better, m, m2)
                i2 = jnp.where(better, i, i2)
            w1 = jnp.float32(0.0)
            w2 = jnp.float32(0.0)
            for c in range(_NCH):
                gidx = lax.iota(jnp.int32, _L) + c * _L
                w1 = w1 + jnp.sum(jnp.where(gidx == i1, sig_c[c], 0.0))
                w2 = w2 + jnp.sum(jnp.where(gidx == i2, sig_c[c], 0.0))
            den = w1 + w2
            for c in range(_NCH):
                gidx = lax.iota(jnp.int32, _L) + c * _L
                row = (jnp.where(gidx == i1, w1, 0.0)
                       + jnp.where(gidx == i2, w2, 0.0)) / den
                comb_v[lt, pl.ds(c * _L, _L)] = row
                acc[c] = jnp.maximum(acc[c], row)
        pltpu.sync_copy(comb_v, comb_hbm.at[pl.ds(sid * _TPS, _TPS)])
        for c in range(_NCH):
            act_v[pl.ds(c * _L, _L)] = acc[c]
        pltpu.sync_copy(act_v, act_hbm.at[sid])


_NSH = 4
_SHC = FFS // _NSH


def _expert_step(ids_ref, comb_ref, x_ref, shared_ref,
                 wg_ref, wu_ref, wd_ref, out_ref):
    i = pl.program_id(0)
    e = ids_ref[i]

    @pl.when(i == 0)
    def _init():
        out_ref[...] = shared_ref[...]

    @pl.when(e == i)
    def _acc():
        xb = x_ref[...].astype(jnp.bfloat16)
        g = jnp.dot(xb, wg_ref[0].astype(jnp.bfloat16),
                    preferred_element_type=jnp.float32)
        u = jnp.dot(xb, wu_ref[0].astype(jnp.bfloat16),
                    preferred_element_type=jnp.float32)
        h = jax.nn.silu(g) * u
        lane = jax.lax.broadcasted_iota(jnp.int32, (T, E), 1)
        ce = jnp.sum(jnp.where(lane == i, comb_ref[...], 0.0), axis=1,
                     keepdims=True)
        out_ref[...] += jnp.dot((h * ce).astype(jnp.bfloat16),
                                wd_ref[0].astype(jnp.bfloat16),
                                preferred_element_type=jnp.float32)


def kernel(hidden_states, gate_w, w_gate, w_up, w_down, shared_gate,
           shared_up, shared_down, e_score_correction_bias):
    orig_shape = hidden_states.shape
    x = hidden_states.reshape(-1, orig_shape[-1])

    logits, shared = pl.pallas_call(
        _pre_body,
        out_shape=[
            jax.ShapeDtypeStruct((T, E), jnp.float32),
            jax.ShapeDtypeStruct((T, D), jnp.float32),
        ],
    )(x, gate_w, shared_gate, shared_up, shared_down)

    mesh = plsc.VectorSubcoreMesh(core_axis_name="c", subcore_axis_name="s")
    comb, act = pl.kernel(
        _sc_router,
        out_type=(
            jax.ShapeDtypeStruct((T, E), jnp.float32),
            jax.ShapeDtypeStruct((_NSUB, E), jnp.float32),
        ),
        mesh=mesh,
        compiler_params=pltpu.CompilerParams(needs_layout_passes=False),
        scratch_types=[
            pltpu.VMEM((_TPS, E), jnp.float32),
            pltpu.VMEM((_TPS, E), jnp.float32),
            pltpu.VMEM((E,), jnp.float32),
            pltpu.VMEM((E,), jnp.float32),
        ],
    )(logits, e_score_correction_bias)
    ids = pl.pallas_call(
        _ids_body,
        out_shape=jax.ShapeDtypeStruct((1, E), jnp.int32),
    )(act)

    grid_spec = pltpu.PrefetchScalarGridSpec(
        num_scalar_prefetch=1,
        grid=(E,),
        in_specs=[
            pl.BlockSpec((T, E), lambda i, ids: (0, 0)),
            pl.BlockSpec((T, D), lambda i, ids: (0, 0)),
            pl.BlockSpec((T, D), lambda i, ids: (0, 0)),
            pl.BlockSpec((1, D, FF), lambda i, ids: (ids[i], 0, 0)),
            pl.BlockSpec((1, D, FF), lambda i, ids: (ids[i], 0, 0)),
            pl.BlockSpec((1, FF, D), lambda i, ids: (ids[i], 0, 0)),
        ],
        out_specs=pl.BlockSpec((T, D), lambda i, ids: (0, 0)),
    )
    out = pl.pallas_call(
        _expert_step,
        grid_spec=grid_spec,
        out_shape=jax.ShapeDtypeStruct((T, D), jnp.float32),
    )(ids.reshape(E), comb, x, shared, w_gate, w_up, w_down)
    return out.reshape(orig_shape)

# --- scband reference (transcript-rebuilt; emitter-appended) ---
"""Pipeline reference for scband-laguna-mo-e-27462020891146 (READ-ONLY COPY).

The authoritative reference and input builder live on the scoring server;
editing this copy changes nothing except your own understanding.
"""

import jax, jax.numpy as jnp
import numpy as np

T, D, E, K, FF, FFS = 64, 1024, 64, 2, 512, 1024

def setup_inputs(seed: int = 0) -> dict:
    key = jax.random.key(seed)
    ks = jax.random.split(key, 9)
    x = jax.random.normal(ks[0], (T, D), dtype=jnp.float32)
    gate_w = jax.random.normal(ks[1], (E, D), dtype=jnp.float32) * 0.02
    w_gate = jax.random.normal(ks[2], (E, D, FF), dtype=jnp.float32) * 0.02
    w_up = jax.random.normal(ks[3], (E, D, FF), dtype=jnp.float32) * 0.02
    w_down = jax.random.normal(ks[4], (E, FF, D), dtype=jnp.float32) * 0.02
    shared_gate = jax.random.normal(ks[5], (D, FFS), dtype=jnp.float32) * 0.02
    shared_up = jax.random.normal(ks[6], (D, FFS), dtype=jnp.float32) * 0.02
    shared_down = jax.random.normal(ks[7], (FFS, D), dtype=jnp.float32) * 0.02
    e_score_correction_bias = jnp.zeros((E,), dtype=jnp.float32)
    return {
        'hidden_states': x,
        'gate_w': gate_w,
        'w_gate': w_gate,
        'w_up': w_up,
        'w_down': w_down,
        'shared_gate': shared_gate,
        'shared_up': shared_up,
        'shared_down': shared_down,
        'e_score_correction_bias': e_score_correction_bias,
    }

def reference(hidden_states, gate_w, w_gate, w_up, w_down, shared_gate, shared_up, shared_down, e_score_correction_bias):
    orig_shape = hidden_states.shape
    x = hidden_states.reshape(-1, orig_shape[-1])
    n_tok = x.shape[0]
    # router (ReplicatedLinear, no bias), logits in float32
    router_logits = (x @ gate_w.T).astype(jnp.float32)
    # softcap = 0.0 -> no tanh softcapping
    # sigmoid scoring (scoring_func='sigmoid')
    scores = jax.nn.sigmoid(router_logits)
    scores_for_choice = scores + e_score_correction_bias[None, :]
    _, topk_idx = jax.lax.top_k(scores_for_choice, K)
    topk_w = jnp.take_along_axis(scores, topk_idx, axis=1)
    # renormalize (norm_topk_prob=True)
    topk_w = topk_w / jnp.sum(topk_w, axis=1, keepdims=True)
    # dense combine weights [T, E]
    comb = jnp.zeros((n_tok, E), dtype=jnp.float32).at[jnp.arange(n_tok)[:, None], topk_idx].add(topk_w)
    # routed experts: SwiGLU MLP per expert
    g = jnp.einsum('td,edf->etf', x, w_gate)
    u = jnp.einsum('td,edf->etf', x, w_up)
    h = jax.nn.silu(g) * u
    expert_out = jnp.einsum('etf,efd->etd', h, w_down)
    routed = jnp.einsum('te,etd->td', comb, expert_out)
    # routed_scaling_factor = 1.0, apply_routed_scale_to_output=True
    routed = routed * 1.0
    # shared expert runs in parallel and is added
    shared = (jax.nn.silu(x @ shared_gate) * (x @ shared_up)) @ shared_down
    out = shared + routed
    return out.reshape(orig_shape)

if __name__ == "__main__":
    import jax
    _d = setup_inputs()
    print(jax.jit(kernel)(*tuple(_d.values())))

</pallas_src>

<mosaic_0001>
#map = affine_map<(d0, d1) -> (0, 0)>
#map1 = affine_map<(d0, d1) -> (0)>
module attributes {stable_mosaic.version = 14 : i64} {
  func.func @_sc_router(%arg0: i32, %arg1: i32, %arg2: memref<64x64xf32, #tpu.memory_space<hbm>>, %arg3: memref<64xf32, #tpu.memory_space<hbm>>, %arg4: memref<64x64xf32, #tpu.memory_space<hbm>>, %arg5: memref<16x64xf32, #tpu.memory_space<hbm>>, %arg6: memref<4x64xf32, #tpu.memory_space<vmem>>, %arg7: memref<4x64xf32, #tpu.memory_space<vmem>>, %arg8: memref<64xf32, #tpu.memory_space<vmem>>, %arg9: memref<64xf32, #tpu.memory_space<vmem>>) attributes {dimension_semantics = [#tpu.dimension_semantics<core_parallel>, #tpu.dimension_semantics<subcore_parallel>], iteration_bounds = array<i64: 2, 16>, scalar_prefetch = 0 : i64, scratch_operands = 4 : i64, tpu.core_type = #tpu.core_type<sc_vector_subcore>, window_params = [{transform_indices = #map}, {transform_indices = #map1}, {transform_indices = #map}, {transform_indices = #map}]} {
    %eq3A = arith.constant 0 : i32
    %eq3A_0 = arith.cmpi eq, %arg0, %eq3A : i32
    %convert_element_type3A = arith.extui %eq3A_0 : i1 to i32
    %cond3A = arith.constant 0 : i32
    %cond3A_1 = arith.cmpi ne, %convert_element_type3A, %cond3A : i32
    scf.if %cond3A_1 {
      %mul3A = arith.constant 4 : i32
      %mul3A_2 = arith.muli %arg1, %mul3A : i32
      "tpu.region"() ({
        %run_scoped3A = tpu.sem_alloc : memref<!tpu.dma_semaphore, #tpu.memory_space<semaphore_mem>>
        %dma_start3A = arith.constant 0 : i32
        %dma_start3A_2023 = tpu.memref_slice %arg2[%mul3A_2, %dma_start3A] : memref<64x64xf32, #tpu.memory_space<hbm>> -> memref<4x64xf32, #tpu.memory_space<hbm>>
        %dma_start3A_2024 = arith.constant 0 : i32
        %dma_start3A_2025 = tpu.memref_slice %arg2[%mul3A_2, %dma_start3A_2024] : memref<64x64xf32, #tpu.memory_space<hbm>> -> memref<4x64xf32, #tpu.memory_space<hbm>>
        tpu.enqueue_dma source(%dma_start3A_2025 : memref<4x64xf32, #tpu.memory_space<hbm>>) target(%arg6 : memref<4x64xf32, #tpu.memory_space<vmem>>) target_semaphore(%run_scoped3A : memref<!tpu.dma_semaphore, #tpu.memory_space<semaphore_mem>>)
        %dma_wait3A = arith.constant 0 : i32
        %dma_wait3A_2026 = tpu.memref_slice %arg2[%mul3A_2, %dma_wait3A] : memref<64x64xf32, #tpu.memory_space<hbm>> -> memref<4x64xf32, #tpu.memory_space<hbm>>
        %dma_wait3A_2027 = arith.constant 0 : i32
        %dma_wait3A_2028 = tpu.memref_slice %arg2[%mul3A_2, %dma_wait3A_2027] : memref<64x64xf32, #tpu.memory_space<hbm>> -> memref<4x64xf32, #tpu.memory_space<hbm>>
        tpu.wait_dma2 semaphore(%run_scoped3A : memref<!tpu.dma_semaphore, #tpu.memory_space<semaphore_mem>>) src(%dma_wait3A_2028 : memref<4x64xf32, #tpu.memory_space<hbm>>) dst(%arg6 : memref<4x64xf32, #tpu.memory_space<vmem>>)
        tpu.yield
      }) : () -> ()
      "tpu.region"() ({
        %run_scoped3A = tpu.sem_alloc : memref<!tpu.dma_semaphore, #tpu.memory_space<semaphore_mem>>
        tpu.enqueue_dma source(%arg3 : memref<64xf32, #tpu.memory_space<hbm>>) target(%arg8 : memref<64xf32, #tpu.memory_space<vmem>>) target_semaphore(%run_scoped3A : memref<!tpu.dma_semaphore, #tpu.memory_space<semaphore_mem>>)
        tpu.wait_dma2 semaphore(%run_scoped3A : memref<!tpu.dma_semaphore, #tpu.memory_space<semaphore_mem>>) src(%arg3 : memref<64xf32, #tpu.memory_space<hbm>>) dst(%arg8 : memref<64xf32, #tpu.memory_space<vmem>>)
        tpu.yield
      }) : () -> ()
      %broadcast_in_dim3A = arith.constant 0.000000e+00 : f32
      %broadcast_in_dim3A_3 = vector.broadcast %broadcast_in_dim3A : f32 to vector<16xf32>
      %broadcast_in_dim3A_4 = arith.constant 0.000000e+00 : f32
      %broadcast_in_dim3A_5 = vector.broadcast %broadcast_in_dim3A_4 : f32 to vector<16xf32>
      %broadcast_in_dim3A_6 = arith.constant 0.000000e+00 : f32
      %broadcast_in_dim3A_7 = vector.broadcast %broadcast_in_dim3A_6 : f32 to vector<16xf32>
      %broadcast_in_dim3A_8 = arith.constant 0.000000e+00 : f32
      %broadcast_in_dim3A_9 = vector.broadcast %broadcast_in_dim3A_8 : f32 to vector<16xf32>
      %get3A = arith.constant 0 : i32
      %get3A_10 = arith.index_cast %get3A : i32 to index
      %get3A_11 = arith.constant 0 : index
      %get3A_12 = tpu.vector_load %arg6[%get3A_10, %get3A_11] {strides = array<i32>} : memref<4x64xf32, #tpu.memory_space<vmem>>, vector<16xf32>,
      %neg3A = arith.constant 0.000000e+00 : f32
      %neg3A_13 = vector.broadcast %neg3A : f32 to vector<16xf32>
      %neg3A_14 = arith.subf %neg3A_13, %get3A_12 : vector<16xf32>
      %exp3A = math.exp %neg3A_14 : vector<16xf32>
      %add3A = arith.constant 1.000000e+00 : f32
      %add3A_15 = vector.broadcast %add3A : f32 to vector<16xf32>
      %add3A_16 = arith.addf %add3A_15, %exp3A : vector<16xf32>
      %div3A = arith.constant 1.000000e+00 : f32
      %div3A_17 = vector.broadcast %div3A : f32 to vector<16xf32>
      %div3A_18 = arith.divf %div3A_17, %add3A_16 : vector<16xf32>
      %get3A_19 = arith.constant 0 : index
      %get3A_20 = tpu.vector_load %arg8[%get3A_19] {strides = array<i32>} : memref<64xf32, #tpu.memory_space<vmem>>, vector<16xf32>,
      %add3A_21 = arith.addf %div3A_18, %get3A_20 : vector<16xf32>
      %iota3A = tpu.iota {dimensions = array<i32: 0>} : vector<16xi32>
      %add3A_22 = arith.constant 0 : i32
      %add3A_23 = vector.broadcast %add3A_22 : i32 to vector<16xi32>
      %add3A_24 = arith.addi %iota3A, %add3A_23 : vector<16xi32>
      %reduce_max3A = arith.constant true
      %reduce_max3A_25 = vector.broadcast %reduce_max3A : i1 to vector<16xi1>
      %reduce_max3A_26 = tpu.scan <max>, %add3A_21 masked %reduce_max3A_25 : vector<16xf32>, vector<16xi1> -> vector<16xf32>
      %reduce_max3A_27 = vector.extract %reduce_max3A_26[15] : f32 from vector<16xf32>
      %eq3A_28 = vector.broadcast %reduce_max3A_27 : f32 to vector<16xf32>
      %eq3A_29 = arith.cmpf oeq, %add3A_21, %eq3A_28 : vector<16xf32>
      %jit3A = arith.constant 64 : i32
      %broadcast_in_dim3A_30 = vector.broadcast %jit3A : i32 to vector<16xi32>
      %select_n3A = arith.select %eq3A_29, %add3A_24, %broadcast_in_dim3A_30 : vector<16xi1>, vector<16xi32>
      %reduce_min3A = arith.constant true
      %reduce_min3A_31 = vector.broadcast %reduce_min3A : i1 to vector<16xi1>
      %reduce_min3A_32 = arith.constant -2147483648 : i32
      %reduce_min3A_33 = vector.broadcast %reduce_min3A_32 : i32 to vector<16xi32>
      %reduce_min3A_34 = arith.xori %select_n3A, %reduce_min3A_33 : vector<16xi32>
      %reduce_min3A_35 = tpu.scan <min>, %reduce_min3A_34 masked %reduce_min3A_31 : vector<16xi32>, vector<16xi1> -> vector<16xi32>
      %reduce_min3A_36 = arith.xori %reduce_min3A_35, %reduce_min3A_33 : vector<16xi32>
      %reduce_min3A_37 = vector.extract %reduce_min3A_36[15] : i32 from vector<16xi32>
      %get3A_38 = arith.constant 0 : i32
      %get3A_39 = arith.index_cast %get3A_38 : i32 to index
      %get3A_40 = arith.constant 16 : index
      %get3A_41 = tpu.vector_load %arg6[%get3A_39, %get3A_40] {strides = array<i32>} : memref<4x64xf32, #tpu.memory_space<vmem>>, vector<16xf32>,
      %neg3A_42 = arith.constant 0.000000e+00 : f32
      %neg3A_43 = vector.broadcast %neg3A_42 : f32 to vector<16xf32>
      %neg3A_44 = arith.subf %neg3A_43, %get3A_41 : vector<16xf32>
      %exp3A_45 = math.exp %neg3A_44 : vector<16xf32>
      %add3A_46 = arith.constant 1.000000e+00 : f32
      %add3A_47 = vector.broadcast %add3A_46 : f32 to vector<16xf32>
      %add3A_48 = arith.addf %add3A_47, %exp3A_45 : vector<16xf32>
      %div3A_49 = arith.constant 1.000000e+00 : f32
      %div3A_50 = vector.broadcast %div3A_49 : f32 to vector<16xf32>
      %div3A_51 = arith.divf %div3A_50, %add3A_48 : vector<16xf32>
      %get3A_52 = arith.constant 16 : index
      %get3A_53 = tpu.vector_load %arg8[%get3A_52] {strides = array<i32>} : memref<64xf32, #tpu.memory_space<vmem>>, vector<16xf32>,
      %add3A_54 = arith.addf %div3A_51, %get3A_53 : vector<16xf32>
      %iota3A_55 = tpu.iota {dimensions = array<i32: 0>} : vector<16xi32>
      %add3A_56 = arith.constant 16 : i32
      %add3A_57 = vector.broadcast %add3A_56 : i32 to vector<16xi32>
      %add3A_58 = arith.addi %iota3A_55, %add3A_57 : vector<16xi32>
      %reduce_max3A_59 = arith.constant true
      %reduce_max3A_60 = vector.broadcast %reduce_max3A_59 : i1 to vector<16xi1>
      %reduce_max3A_61 = tpu.scan <max>, %add3A_54 masked %reduce_max3A_60 : vector<16xf32>, vector<16xi1> -> vector<16xf32>
      %reduce_max3A_62 = vector.extract %reduce_max3A_61[15] : f32 from vector<16xf32>
      %eq3A_63 = vector.broadcast %reduce_max3A_62 : f32 to vector<16xf32>
      %eq3A_64 = arith.cmpf oeq, %add3A_54, %eq3A_63 : vector<16xf32>
      %jit3A_65 = arith.constant 64 : i32
      %broadcast_in_dim3A_66 = vector.broadcast %jit3A_65 : i32 to vector<16xi32>
      %select_n3A_67 = arith.select %eq3A_64, %add3A_58, %broadcast_in_dim3A_66 : vector<16xi1>, vector<16xi32>
      %reduce_min3A_68 = arith.constant true
      %reduce_min3A_69 = vector.broadcast %reduce_min3A_68 : i1 to vector<16xi1>
      %reduce_min3A_70 = arith.constant -2147483648 : i32
      %reduce_min3A_71 = vector.broadcast %reduce_min3A_70 : i32 to vector<16xi32>
      %reduce_min3A_72 = arith.xori %select_n3A_67, %reduce_min3A_71 : vector<16xi32>
      %reduce_min3A_73 = tpu.scan <min>, %reduce_min3A_72 masked %reduce_min3A_69 : vector<16xi32>, vector<16xi1> -> vector<16xi32>
      %reduce_min3A_74 = arith.xori %reduce_min3A_73, %reduce_min3A_71 : vector<16xi32>
      %reduce_min3A_75 = vector.extract %reduce_min3A_74[15] : i32 from vector<16xi32>
      %get3A_76 = arith.constant 0 : i32
      %get3A_77 = arith.index_cast %get3A_76 : i32 to index
      %get3A_78 = arith.constant 32 : index
      %get3A_79 = tpu.vector_load %arg6[%get3A_77, %get3A_78] {strides = array<i32>} : memref<4x64xf32, #tpu.memory_space<vmem>>, vector<16xf32>,
      %neg3A_80 = arith.constant 0.000000e+00 : f32
      %neg3A_81 = vector.broadcast %neg3A_80 : f32 to vector<16xf32>
      %neg3A_82 = arith.subf %neg3A_81, %get3A_79 : vector<16xf32>
      %exp3A_83 = math.exp %neg3A_82 : vector<16xf32>
      %add3A_84 = arith.constant 1.000000e+00 : f32
      %add3A_85 = vector.broadcast %add3A_84 : f32 to vector<16xf32>
      %add3A_86 = arith.addf %add3A_85, %exp3A_83 : vector<16xf32>
      %div3A_87 = arith.constant 1.000000e+00 : f32
      %div3A_88 = vector.broadcast %div3A_87 : f32 to vector<16xf32>
      %div3A_89 = arith.divf %div3A_88, %add3A_86 : vector<16xf32>
      %get3A_90 = arith.constant 32 : index
      %get3A_91 = tpu.vector_load %arg8[%get3A_90] {strides = array<i32>} : memref<64xf32, #tpu.memory_space<vmem>>, vector<16xf32>,
      %add3A_92 = arith.addf %div3A_89, %get3A_91 : vector<16xf32>
      %iota3A_93 = tpu.iota {dimensions = array<i32: 0>} : vector<16xi32>
      %add3A_94 = arith.constant 32 : i32
      %add3A_95 = vector.broadcast %add3A_94 : i32 to vector<16xi32>
      %add3A_96 = arith.addi %iota3A_93, %add3A_95 : vector<16xi32>
      %reduce_max3A_97 = arith.constant true
      %reduce_max3A_98 = vector.broadcast %reduce_max3A_97 : i1 to vector<16xi1>
      %reduce_max3A_99 = tpu.scan <max>, %add3A_92 masked %reduce_max3A_98 : vector<16xf32>, vector<16xi1> -> vector<16xf32>
      %reduce_max3A_100 = vector.extract %reduce_max3A_99[15] : f32 from vector<16xf32>
      %eq3A_101 = vector.broadcast %reduce_max3A_100 : f32 to vector<16xf32>
      %eq3A_102 = arith.cmpf oeq, %add3A_92, %eq3A_101 : vector<16xf32>
      %jit3A_103 = arith.constant 64 : i32
      %broadcast_in_dim3A_104 = vector.broadcast %jit3A_103 : i32 to vector<16xi32>
      %select_n3A_105 = arith.select %eq3A_102, %add3A_96, %broadcast_in_dim3A_104 : vector<16xi1>, vector<16xi32>
      %reduce_min3A_106 = arith.constant true
      %reduce_min3A_107 = vector.broadcast %reduce_min3A_106 : i1 to vector<16xi1>
      %reduce_min3A_108 = arith.constant -2147483648 : i32
      %reduce_min3A_109 = vector.broadcast %reduce_min3A_108 : i32 to vector<16xi32>
      %reduce_min3A_110 = arith.xori %select_n3A_105, %reduce_min3A_109 : vector<16xi32>
      %reduce_min3A_111 = tpu.scan <min>, %reduce_min3A_110 masked %reduce_min3A_107 : vector<16xi32>, vector<16xi1> -> vector<16xi32>
      %reduce_min3A_112 = arith.xori %reduce_min3A_111, %reduce_min3A_109 : vector<16xi32>
      %reduce_min3A_113 = vector.extract %reduce_min3A_112[15] : i32 from vector<16xi32>
      %get3A_114 = arith.constant 0 : i32
      %get3A_115 = arith.index_cast %get3A_114 : i32 to index
      %get3A_116 = arith.constant 48 : index
      %get3A_117 = tpu.vector_load %arg6[%get3A_115, %get3A_116] {strides = array<i32>} : memref<4x64xf32, #tpu.memory_space<vmem>>, vector<16xf32>,
      %neg3A_118 = arith.constant 0.000000e+00 : f32
      %neg3A_119 = vector.broadcast %neg3A_118 : f32 to vector<16xf32>
      %neg3A_120 = arith.subf %neg3A_119, %get3A_117 : vector<16xf32>
      %exp3A_121 = math.exp %neg3A_120 : vector<16xf32>
      %add3A_122 = arith.constant 1.000000e+00 : f32
      %add3A_123 = vector.broadcast %add3A_122 : f32 to vector<16xf32>
      %add3A_124 = arith.addf %add3A_123, %exp3A_121 : vector<16xf32>
      %div3A_125 = arith.constant 1.000000e+00 : f32
      %div3A_126 = vector.broadcast %div3A_125 : f32 to vector<16xf32>
      %div3A_127 = arith.divf %div3A_126, %add3A_124 : vector<16xf32>
      %get3A_128 = arith.constant 48 : index
      %get3A_129 = tpu.vector_load %arg8[%get3A_128] {strides = array<i32>} : memref<64xf32, #tpu.memory_space<vmem>>, vector<16xf32>,
      %add3A_130 = arith.addf %div3A_127, %get3A_129 : vector<16xf32>
      %iota3A_131 = tpu.iota {dimensions = array<i32: 0>} : vector<16xi32>
      %add3A_132 = arith.constant 48 : i32
      %add3A_133 = vector.broadcast %add3A_132 : i32 to vector<16xi32>
      %add3A_134 = arith.addi %iota3A_131, %add3A_133 : vector<16xi32>
      %reduce_max3A_135 = arith.constant true
      %reduce_max3A_136 = vector.broadcast %reduce_max3A_135 : i1 to vector<16xi1>
      %reduce_max3A_137 = tpu.scan <max>, %add3A_130 masked %reduce_max3A_136 : vector<16xf32>, vector<16xi1> -> vector<16xf32>
      %reduce_max3A_138 = vector.extract %reduce_max3A_137[15] : f32 from vector<16xf32>
      %eq3A_139 = vector.broadcast %reduce_max3A_138 : f32 to vector<16xf32>
      %eq3A_140 = arith.cmpf oeq, %add3A_130, %eq3A_139 : vector<16xf32>
      %jit3A_141 = arith.constant 64 : i32
      %broadcast_in_dim3A_142 = vector.broadcast %jit3A_141 : i32 to vector<16xi32>
      %select_n3A_143 = arith.select %eq3A_140, %add3A_134, %broadcast_in_dim3A_142 : vector<16xi1>, vector<16xi32>
      %reduce_min3A_144 = arith.constant true
      %reduce_min3A_145 = vector.broadcast %reduce_min3A_144 : i1 to vector<16xi1>
      %reduce_min3A_146 = arith.constant -2147483648 : i32
      %reduce_min3A_147 = vector.broadcast %reduce_min3A_146 : i32 to vector<16xi32>
      %reduce_min3A_148 = arith.xori %select_n3A_143, %reduce_min3A_147 : vector<16xi32>
      %reduce_min3A_149 = tpu.scan <min>, %reduce_min3A_148 masked %reduce_min3A_145 : vector<16xi32>, vector<16xi1> -> vector<16xi32>
      %reduce_min3A_150 = arith.xori %reduce_min3A_149, %reduce_min3A_147 : vector<16xi32>
      %reduce_min3A_151 = vector.extract %reduce_min3A_150[15] : i32 from vector<16xi32>
      %gt3A = arith.cmpf ogt, %reduce_max3A_62, %reduce_max3A_27 : f32
      %eq3A_152 = arith.cmpf oeq, %reduce_max3A_62, %reduce_max3A_27 : f32
      %lt3A = arith.cmpi slt, %reduce_min3A_75, %reduce_min3A_37 : i32
      %and3A = arith.andi %eq3A_152, %lt3A : i1
      %or3A = arith.ori %gt3A, %and3A : i1
      %select_n3A_153 = arith.select %or3A, %reduce_max3A_62, %reduce_max3A_27 : f32
      %select_n3A_154 = arith.select %or3A, %reduce_min3A_75, %reduce_min3A_37 : i32
      %gt3A_155 = arith.cmpf ogt, %reduce_max3A_100, %select_n3A_153 : f32
      %eq3A_156 = arith.cmpf oeq, %reduce_max3A_100, %select_n3A_153 : f32
      %lt3A_157 = arith.cmpi slt, %reduce_min3A_113, %select_n3A_154 : i32
      %and3A_158 = arith.andi %eq3A_156, %lt3A_157 : i1
      %or3A_159 = arith.ori %gt3A_155, %and3A_158 : i1
      %select_n3A_160 = arith.select %or3A_159, %reduce_max3A_100, %select_n3A_153 : f32
      %select_n3A_161 = arith.select %or3A_159, %reduce_min3A_113, %select_n3A_154 : i32
      %gt3A_162 = arith.cmpf ogt, %reduce_max3A_138, %select_n3A_160 : f32
      %eq3A_163 = arith.cmpf oeq, %reduce_max3A_138, %select_n3A_160 : f32
      %lt3A_164 = arith.cmpi slt, %reduce_min3A_151, %select_n3A_161 : i32
      %and3A_165 = arith.andi %eq3A_163, %lt3A_164 : i1
      %or3A_166 = arith.ori %gt3A_162, %and3A_165 : i1
      %select_n3A_167 = arith.select %or3A_166, %reduce_max3A_138, %select_n3A_160 : f32
      %select_n3A_168 = arith.select %or3A_166, %reduce_min3A_151, %select_n3A_161 : i32
      %iota3A_169 = tpu.iota {dimensions = array<i32: 0>} : vector<16xi32>
      %add3A_170 = arith.constant 0 : i32
      %add3A_171 = vector.broadcast %add3A_170 : i32 to vector<16xi32>
      %add3A_172 = arith.addi %iota3A_169, %add3A_171 : vector<16xi32>
      %eq3A_173 = vector.broadcast %select_n3A_168 : i32 to vector<16xi32>
      %eq3A_174 = arith.cmpi eq, %add3A_172, %eq3A_173 : vector<16xi32>
      %jit3A_175 = arith.constant -3.000000e+38 : f32
      %broadcast_in_dim3A_176 = vector.broadcast %jit3A_175 : f32 to vector<16xf32>
      %select_n3A_177 = arith.select %eq3A_174, %broadcast_in_dim3A_176, %add3A_21 : vector<16xi1>, vector<16xf32>
      %reduce_max3A_178 = arith.constant true
      %reduce_max3A_179 = vector.broadcast %reduce_max3A_178 : i1 to vector<16xi1>
      %reduce_max3A_180 = tpu.scan <max>, %select_n3A_177 masked %reduce_max3A_179 : vector<16xf32>, vector<16xi1> -> vector<16xf32>
      %reduce_max3A_181 = vector.extract %reduce_max3A_180[15] : f32 from vector<16xf32>
      %eq3A_182 = vector.broadcast %reduce_max3A_181 : f32 to vector<16xf32>
      %eq3A_183 = arith.cmpf oeq, %select_n3A_177, %eq3A_182 : vector<16xf32>
      %jit3A_184 = arith.constant 64 : i32
      %broadcast_in_dim3A_185 = vector.broadcast %jit3A_184 : i32 to vector<16xi32>
      %select_n3A_186 = arith.select %eq3A_183, %add3A_172, %broadcast_in_dim3A_185 : vector<16xi1>, vector<16xi32>
      %reduce_min3A_187 = arith.constant true
      %reduce_min3A_188 = vector.broadcast %reduce_min3A_187 : i1 to vector<16xi1>
      %reduce_min3A_189 = arith.constant -2147483648 : i32
      %reduce_min3A_190 = vector.broadcast %reduce_min3A_189 : i32 to vector<16xi32>
      %reduce_min3A_191 = arith.xori %select_n3A_186, %reduce_min3A_190 : vector<16xi32>
      %reduce_min3A_192 = tpu.scan <min>, %reduce_min3A_191 masked %reduce_min3A_188 : vector<16xi32>, vector<16xi1> -> vector<16xi32>
      %reduce_min3A_193 = arith.xori %reduce_min3A_192, %reduce_min3A_190 : vector<16xi32>
      %reduce_min3A_194 = vector.extract %reduce_min3A_193[15] : i32 from vector<16xi32>
      %gt3A_195 = arith.constant -3.000000e+38 : f32
      %gt3A_196 = arith.cmpf ogt, %reduce_max3A_181, %gt3A_195 : f32
      %eq3A_197 = arith.constant -3.000000e+38 : f32
      %eq3A_198 = arith.cmpf oeq, %reduce_max3A_181, %eq3A_197 : f32
      %lt3A_199 = arith.constant 64 : i32
      %lt3A_200 = arith.cmpi slt, %reduce_min3A_194, %lt3A_199 : i32
      %and3A_201 = arith.andi %eq3A_198, %lt3A_200 : i1
      %or3A_202 = arith.ori %gt3A_196, %and3A_201 : i1
      %jit3A_203 = arith.constant -3.000000e+38 : f32
      %select_n3A_204 = arith.select %or3A_202, %reduce_max3A_181, %jit3A_203 : f32
      %jit3A_205 = arith.constant 64 : i32
      %select_n3A_206 = arith.select %or3A_202, %reduce_min3A_194, %jit3A_205 : i32
      %iota3A_207 = tpu.iota {dimensions = array<i32: 0>} : vector<16xi32>
      %add3A_208 = arith.constant 16 : i32
      %add3A_209 = vector.broadcast %add3A_208 : i32 to vector<16xi32>
      %add3A_210 = arith.addi %iota3A_207, %add3A_209 : vector<16xi32>
      %eq3A_211 = vector.broadcast %select_n3A_168 : i32 to vector<16xi32>
      %eq3A_212 = arith.cmpi eq, %add3A_210, %eq3A_211 : vector<16xi32>
      %jit3A_213 = arith.constant -3.000000e+38 : f32
      %broadcast_in_dim3A_214 = vector.broadcast %jit3A_213 : f32 to vector<16xf32>
      %select_n3A_215 = arith.select %eq3A_212, %broadcast_in_dim3A_214, %add3A_54 : vector<16xi1>, vector<16xf32>
      %reduce_max3A_216 = arith.constant true
      %reduce_max3A_217 = vector.broadcast %reduce_max3A_216 : i1 to vector<16xi1>
      %reduce_max3A_218 = tpu.scan <max>, %select_n3A_215 masked %reduce_max3A_217 : vector<16xf32>, vector<16xi1> -> vector<16xf32>
      %reduce_max3A_219 = vector.extract %reduce_max3A_218[15] : f32 from vector<16xf32>
      %eq3A_220 = vector.broadcast %reduce_max3A_219 : f32 to vector<16xf32>
      %eq3A_221 = arith.cmpf oeq, %select_n3A_215, %eq3A_220 : vector<16xf32>
      %jit3A_222 = arith.constant 64 : i32
      %broadcast_in_dim3A_223 = vector.broadcast %jit3A_222 : i32 to vector<16xi32>
      %select_n3A_224 = arith.select %eq3A_221, %add3A_210, %broadcast_in_dim3A_223 : vector<16xi1>, vector<16xi32>
      %reduce_min3A_225 = arith.constant true
      %reduce_min3A_226 = vector.broadcast %reduce_min3A_225 : i1 to vector<16xi1>
      %reduce_min3A_227 = arith.constant -2147483648 : i32
      %reduce_min3A_228 = vector.broadcast %reduce_min3A_227 : i32 to vector<16xi32>
      %reduce_min3A_229 = arith.xori %select_n3A_224, %reduce_min3A_228 : vector<16xi32>
      %reduce_min3A_230 = tpu.scan <min>, %reduce_min3A_229 masked %reduce_min3A_226 : vector<16xi32>, vector<16xi1> -> vector<16xi32>
      %reduce_min3A_231 = arith.xori %reduce_min3A_230, %reduce_min3A_228 : vector<16xi32>
      %reduce_min3A_232 = vector.extract %reduce_min3A_231[15] : i32 from vector<16xi32>
      %gt3A_233 = arith.cmpf ogt, %reduce_max3A_219, %select_n3A_204 : f32
      %eq3A_234 = arith.cmpf oeq, %reduce_max3A_219, %select_n3A_204 : f32
      %lt3A_235 = arith.cmpi slt, %reduce_min3A_232, %select_n3A_206 : i32
      %and3A_236 = arith.andi %eq3A_234, %lt3A_235 : i1
      %or3A_237 = arith.ori %gt3A_233, %and3A_236 : i1
      %select_n3A_238 = arith.select %or3A_237, %reduce_max3A_219, %select_n3A_204 : f32
      %select_n3A_239 = arith.select %or3A_237, %reduce_min3A_232, %select_n3A_206 : i32
      %iota3A_240 = tpu.iota {dimensions = array<i32: 0>} : vector<16xi32>
      %add3A_241 = arith.constant 32 : i32
      %add3A_242 = vector.broadcast %add3A_241 : i32 to vector<16xi32>
      %add3A_243 = arith.addi %iota3A_240, %add3A_242 : vector<16xi32>
      %eq3A_244 = vector.broadcast %select_n3A_168 : i32 to vector<16xi32>
      %eq3A_245 = arith.cmpi eq, %add3A_243, %eq3A_244 : vector<16xi32>
      %jit3A_246 = arith.constant -3.000000e+38 : f32
      %broadcast_in_dim3A_247 = vector.broadcast %jit3A_246 : f32 to vector<16xf32>
      %select_n3A_248 = arith.select %eq3A_245, %broadcast_in_dim3A_247, %add3A_92 : vector<16xi1>, vector<16xf32>
      %reduce_max3A_249 = arith.constant true
      %reduce_max3A_250 = vector.broadcast %reduce_max3A_249 : i1 to vector<16xi1>
      %reduce_max3A_251 = tpu.scan <max>, %select_n3A_248 masked %reduce_max3A_250 : vector<16xf32>, vector<16xi1> -> vector<16xf32>
      %reduce_max3A_252 = vector.extract %reduce_max3A_251[15] : f32 from vector<16xf32>
      %eq3A_253 = vector.broadcast %reduce_max3A_252 : f32 to vector<16xf32>
      %eq3A_254 = arith.cmpf oeq, %select_n3A_248, %eq3A_253 : vector<16xf32>
      %jit3A_255 = arith.constant 64 : i32
      %broadcast_in_dim3A_256 = vector.broadcast %jit3A_255 : i32 to vector<16xi32>
      %select_n3A_257 = arith.select %eq3A_254, %add3A_243, %broadcast_in_dim3A_256 : vector<16xi1>, vector<16xi32>
      %reduce_min3A_258 = arith.constant true
      %reduce_min3A_259 = vector.broadcast %reduce_min3A_258 : i1 to vector<16xi1>
      %reduce_min3A_260 = arith.constant -2147483648 : i32
      %reduce_min3A_261 = vector.broadcast %reduce_min3A_260 : i32 to vector<16xi32>
      %reduce_min3A_262 = arith.xori %select_n3A_257, %reduce_min3A_261 : vector<16xi32>
      %reduce_min3A_263 = tpu.scan <min>, %reduce_min3A_262 masked %reduce_min3A_259 : vector<16xi32>, vector<16xi1> -> vector<16xi32>
      %reduce_min3A_264 = arith.xori %reduce_min3A_263, %reduce_min3A_261 : vector<16xi32>
      %reduce_min3A_265 = vector.extract %reduce_min3A_264[15] : i32 from vector<16xi32>
      %gt3A_266 = arith.cmpf ogt, %reduce_max3A_252, %select_n3A_238 : f32
      %eq3A_267 = arith.cmpf oeq, %reduce_max3A_252, %select_n3A_238 : f32
      %lt3A_268 = arith.cmpi slt, %reduce_min3A_265, %select_n3A_239 : i32
      %and3A_269 = arith.andi %eq3A_267, %lt3A_268 : i1
      %or3A_270 = arith.ori %gt3A_266, %and3A_269 : i1
      %select_n3A_271 = arith.select %or3A_270, %reduce_max3A_252, %select_n3A_238 : f32
      %select_n3A_272 = arith.select %or3A_270, %reduce_min3A_265, %select_n3A_239 : i32
      %iota3A_273 = tpu.iota {dimensions = array<i32: 0>} : vector<16xi32>
      %add3A_274 = arith.constant 48 : i32
      %add3A_275 = vector.broadcast %add3A_274 : i32 to vector<16xi32>
      %add3A_276 = arith.addi %iota3A_273, %add3A_275 : vector<16xi32>
      %eq3A_277 = vector.broadcast %select_n3A_168 : i32 to vector<16xi32>
      %eq3A_278 = arith.cmpi eq, %add3A_276, %eq3A_277 : vector<16xi32>
      %jit3A_279 = arith.constant -3.000000e+38 : f32
      %broadcast_in_dim3A_280 = vector.broadcast %jit3A_279 : f32 to vector<16xf32>
      %select_n3A_281 = arith.select %eq3A_278, %broadcast_in_dim3A_280, %add3A_130 : vector<16xi1>, vector<16xf32>
      %reduce_max3A_282 = arith.constant true
      %reduce_max3A_283 = vector.broadcast %reduce_max3A_282 : i1 to vector<16xi1>
      %reduce_max3A_284 = tpu.scan <max>, %select_n3A_281 masked %reduce_max3A_283 : vector<16xf32>, vector<16xi1> -> vector<16xf32>
      %reduce_max3A_285 = vector.extract %reduce_max3A_284[15] : f32 from vector<16xf32>
      %eq3A_286 = vector.broadcast %reduce_max3A_285 : f32 to vector<16xf32>
      %eq3A_287 = arith.cmpf oeq, %select_n3A_281, %eq3A_286 : vector<16xf32>
      %jit3A_288 = arith.constant 64 : i32
      %broadcast_in_dim3A_289 = vector.broadcast %jit3A_288 : i32 to vector<16xi32>
      %select_n3A_290 = arith.select %eq3A_287, %add3A_276, %broadcast_in_dim3A_289 : vector<16xi1>, vector<16xi32>
      %reduce_min3A_291 = arith.constant true
      %reduce_min3A_292 = vector.broadcast %reduce_min3A_291 : i1 to vector<16xi1>
      %reduce_min3A_293 = arith.constant -2147483648 : i32
      %reduce_min3A_294 = vector.broadcast %reduce_min3A_293 : i32 to vector<16xi32>
      %reduce_min3A_295 = arith.xori %select_n3A_290, %reduce_min3A_294 : vector<16xi32>
      %reduce_min3A_296 = tpu.scan <min>, %reduce_min3A_295 masked %reduce_min3A_292 : vector<16xi32>, vector<16xi1> -> vector<16xi32>
      %reduce_min3A_297 = arith.xori %reduce_min3A_296, %reduce_min3A_294 : vector<16xi32>
      %reduce_min3A_298 = vector.extract %reduce_min3A_297[15] : i32 from vector<16xi32>
      %gt3A_299 = arith.cmpf ogt, %reduce_max3A_285, %select_n3A_271 : f32
      %eq3A_300 = arith.cmpf oeq, %reduce_max3A_285, %select_n3A_271 : f32
      %lt3A_301 = arith.cmpi slt, %reduce_min3A_298, %select_n3A_272 : i32
      %and3A_302 = arith.andi %eq3A_300, %lt3A_301 : i1
      %or3A_303 = arith.ori %gt3A_299, %and3A_302 : i1
      %select_n3A_304 = arith.select %or3A_303, %reduce_max3A_285, %select_n3A_271 : f32
      %select_n3A_305 = arith.select %or3A_303, %reduce_min3A_298, %select_n3A_272 : i32
      %iota3A_306 = tpu.iota {dimensions = array<i32: 0>} : vector<16xi32>
      %add3A_307 = arith.constant 0 : i32
      %add3A_308 = vector.broadcast %add3A_307 : i32 to vector<16xi32>
      %add3A_309 = arith.addi %iota3A_306, %add3A_308 : vector<16xi32>
      %eq3A_310 = vector.broadcast %select_n3A_168 : i32 to vector<16xi32>
      %eq3A_311 = arith.cmpi eq, %add3A_309, %eq3A_310 : vector<16xi32>
      %jit3A_312 = arith.constant 0.000000e+00 : f32
      %broadcast_in_dim3A_313 = vector.broadcast %jit3A_312 : f32 to vector<16xf32>
      %select_n3A_314 = arith.select %eq3A_311, %div3A_18, %broadcast_in_dim3A_313 : vector<16xi1>, vector<16xf32>
      %reduce_sum3A = arith.constant true
      %reduce_sum3A_315 = vector.broadcast %reduce_sum3A : i1 to vector<16xi1>
      %reduce_sum3A_316 = tpu.scan <sum>, %select_n3A_314 masked %reduce_sum3A_315 : vector<16xf32>, vector<16xi1> -> vector<16xf32>
      %reduce_sum3A_317 = vector.extract %reduce_sum3A_316[15] : f32 from vector<16xf32>
      %add3A_318 = arith.constant 0.000000e+00 : f32
      %add3A_319 = arith.addf %add3A_318, %reduce_sum3A_317 : f32
      %eq3A_320 = vector.broadcast %select_n3A_305 : i32 to vector<16xi32>
      %eq3A_321 = arith.cmpi eq, %add3A_309, %eq3A_320 : vector<16xi32>
      %jit3A_322 = arith.constant 0.000000e+00 : f32
      %broadcast_in_dim3A_323 = vector.broadcast %jit3A_322 : f32 to vector<16xf32>
      %select_n3A_324 = arith.select %eq3A_321, %div3A_18, %broadcast_in_dim3A_323 : vector<16xi1>, vector<16xf32>
      %reduce_sum3A_325 = arith.constant true
      %reduce_sum3A_326 = vector.broadcast %reduce_sum3A_325 : i1 to vector<16xi1>
      %reduce_sum3A_327 = tpu.scan <sum>, %select_n3A_324 masked %reduce_sum3A_326 : vector<16xf32>, vector<16xi1> -> vector<16xf32>
      %reduce_sum3A_328 = vector.extract %reduce_sum3A_327[15] : f32 from vector<16xf32>
      %add3A_329 = arith.constant 0.000000e+00 : f32
      %add3A_330 = arith.addf %add3A_329, %reduce_sum3A_328 : f32
      %iota3A_331 = tpu.iota {dimensions = array<i32: 0>} : vector<16xi32>
      %add3A_332 = arith.constant 16 : i32
      %add3A_333 = vector.broadcast %add3A_332 : i32 to vector<16xi32>
      %add3A_334 = arith.addi %iota3A_331, %add3A_333 : vector<16xi32>
      %eq3A_335 = vector.broadcast %select_n3A_168 : i32 to vector<16xi32>
      %eq3A_336 = arith.cmpi eq, %add3A_334, %eq3A_335 : vector<16xi32>
      %jit3A_337 = arith.constant 0.000000e+00 : f32
      %broadcast_in_dim3A_338 = vector.broadcast %jit3A_337 : f32 to vector<16xf32>
      %select_n3A_339 = arith.select %eq3A_336, %div3A_51, %broadcast_in_dim3A_338 : vector<16xi1>, vector<16xf32>
      %reduce_sum3A_340 = arith.constant true
      %reduce_sum3A_341 = vector.broadcast %reduce_sum3A_340 : i1 to vector<16xi1>
      %reduce_sum3A_342 = tpu.scan <sum>, %select_n3A_339 masked %reduce_sum3A_341 : vector<16xf32>, vector<16xi1> -> vector<16xf32>
      %reduce_sum3A_343 = vector.extract %reduce_sum3A_342[15] : f32 from vector<16xf32>
      %add3A_344 = arith.addf %add3A_319, %reduce_sum3A_343 : f32
      %eq3A_345 = vector.broadcast %select_n3A_305 : i32 to vector<16xi32>
      %eq3A_346 = arith.cmpi eq, %add3A_334, %eq3A_345 : vector<16xi32>
      %jit3A_347 = arith.constant 0.000000e+00 : f32
      %broadcast_in_dim3A_348 = vector.broadcast %jit3A_347 : f32 to vector<16xf32>
      %select_n3A_349 = arith.select %eq3A_346, %div3A_51, %broadcast_in_dim3A_348 : vector<16xi1>, vector<16xf32>
      %reduce_sum3A_350 = arith.constant true
      %reduce_sum3A_351 = vector.broadcast %reduce_sum3A_350 : i1 to vector<16xi1>
      %reduce_sum3A_352 = tpu.scan <sum>, %select_n3A_349 masked %reduce_sum3A_351 : vector<16xf32>, vector<16xi1> -> vector<16xf32>
      %reduce_sum3A_353 = vector.extract %reduce_sum3A_352[15] : f32 from vector<16xf32>
      %add3A_354 = arith.addf %add3A_330, %reduce_sum3A_353 : f32
      %iota3A_355 = tpu.iota {dimensions = array<i32: 0>} : vector<16xi32>
      %add3A_356 = arith.constant 32 : i32
      %add3A_357 = vector.broadcast %add3A_356 : i32 to vector<16xi32>
      %add3A_358 = arith.addi %iota3A_355, %add3A_357 : vector<16xi32>
      %eq3A_359 = vector.broadcast %select_n3A_168 : i32 to vector<16xi32>
      %eq3A_360 = arith.cmpi eq, %add3A_358, %eq3A_359 : vector<16xi32>
      %jit3A_361 = arith.constant 0.000000e+00 : f32
      %broadcast_in_dim3A_362 = vector.broadcast %jit3A_361 : f32 to vector<16xf32>
      %select_n3A_363 = arith.select %eq3A_360, %div3A_89, %broadcast_in_dim3A_362 : vector<16xi1>, vector<16xf32>
      %reduce_sum3A_364 = arith.constant true
      %reduce_sum3A_365 = vector.broadcast %reduce_sum3A_364 : i1 to vector<16xi1>
      %reduce_sum3A_366 = tpu.scan <sum>, %select_n3A_363 masked %reduce_sum3A_365 : vector<16xf32>, vector<16xi1> -> vector<16xf32>
      %reduce_sum3A_367 = vector.extract %reduce_sum3A_366[15] : f32 from vector<16xf32>
      %add3A_368 = arith.addf %add3A_344, %reduce_sum3A_367 : f32
      %eq3A_369 = vector.broadcast %select_n3A_305 : i32 to vector<16xi32>
      %eq3A_370 = arith.cmpi eq, %add3A_358, %eq3A_369 : vector<16xi32>
      %jit3A_371 = arith.constant 0.000000e+00 : f32
      %broadcast_in_dim3A_372 = vector.broadcast %jit3A_371 : f32 to vector<16xf32>
      %select_n3A_373 = arith.select %eq3A_370, %div3A_89, %broadcast_in_dim3A_372 : vector<16xi1>, vector<16xf32>
      %reduce_sum3A_374 = arith.constant true
      %reduce_sum3A_375 = vector.broadcast %reduce_sum3A_374 : i1 to vector<16xi1>
      %reduce_sum3A_376 = tpu.scan <sum>, %select_n3A_373 masked %reduce_sum3A_375 : vector<16xf32>, vector<16xi1> -> vector<16xf32>
      %reduce_sum3A_377 = vector.extract %reduce_sum3A_376[15] : f32 from vector<16xf32>
      %add3A_378 = arith.addf %add3A_354, %reduce_sum3A_377 : f32
      %iota3A_379 = tpu.iota {dimensions = array<i32: 0>} : vector<16xi32>
      %add3A_380 = arith.constant 48 : i32
      %add3A_381 = vector.broadcast %add3A_380 : i32 to vector<16xi32>
      %add3A_382 = arith.addi %iota3A_379, %add3A_381 : vector<16xi32>
      %eq3A_383 = vector.broadcast %select_n3A_168 : i32 to vector<16xi32>
      %eq3A_384 = arith.cmpi eq, %add3A_382, %eq3A_383 : vector<16xi32>
      %jit3A_385 = arith.constant 0.000000e+00 : f32
      %broadcast_in_dim3A_386 = vector.broadcast %jit3A_385 : f32 to vector<16xf32>
      %select_n3A_387 = arith.select %eq3A_384, %div3A_127, %broadcast_in_dim3A_386 : vector<16xi1>, vector<16xf32>
      %reduce_sum3A_388 = arith.constant true
      %reduce_sum3A_389 = vector.broadcast %reduce_sum3A_388 : i1 to vector<16xi1>
      %reduce_sum3A_390 = tpu.scan <sum>, %select_n3A_387 masked %reduce_sum3A_389 : vector<16xf32>, vector<16xi1> -> vector<16xf32>
      %reduce_sum3A_391 = vector.extract %reduce_sum3A_390[15] : f32 from vector<16xf32>
      %add3A_392 = arith.addf %add3A_368, %reduce_sum3A_391 : f32
      %eq3A_393 = vector.broadcast %select_n3A_305 : i32 to vector<16xi32>
      %eq3A_394 = arith.cmpi eq, %add3A_382, %eq3A_393 : vector<16xi32>
      %jit3A_395 = arith.constant 0.000000e+00 : f32
      %broadcast_in_dim3A_396 = vector.broadcast %jit3A_395 : f32 to vector<16xf32>
      %select_n3A_397 = arith.select %eq3A_394, %div3A_127, %broadcast_in_dim3A_396 : vector<16xi1>, vector<16xf32>
      %reduce_sum3A_398 = arith.constant true
      %reduce_sum3A_399 = vector.broadcast %reduce_sum3A_398 : i1 to vector<16xi1>
      %reduce_sum3A_400 = tpu.scan <sum>, %select_n3A_397 masked %reduce_sum3A_399 : vector<16xf32>, vector<16xi1> -> vector<16xf32>
      %reduce_sum3A_401 = vector.extract %reduce_sum3A_400[15] : f32 from vector<16xf32>
      %add3A_402 = arith.addf %add3A_378, %reduce_sum3A_401 : f32
      %add3A_403 = arith.addf %add3A_392, %add3A_402 : f32
      %iota3A_404 = tpu.iota {dimensions = array<i32: 0>} : vector<16xi32>
      %add3A_405 = arith.constant 0 : i32
      %add3A_406 = vector.broadcast %add3A_405 : i32 to vector<16xi32>
      %add3A_407 = arith.addi %iota3A_404, %add3A_406 : vector<16xi32>
      %eq3A_408 = vector.broadcast %select_n3A_168 : i32 to vector<16xi32>
      %eq3A_409 = arith.cmpi eq, %add3A_407, %eq3A_408 : vector<16xi32>
      %jit3A_410 = arith.constant 0.000000e+00 : f32
      %broadcast_in_dim3A_411 = vector.broadcast %add3A_392 : f32 to vector<16xf32>
      %broadcast_in_dim3A_412 = vector.broadcast %jit3A_410 : f32 to vector<16xf32>
      %select_n3A_413 = arith.select %eq3A_409, %broadcast_in_dim3A_411, %broadcast_in_dim3A_412 : vector<16xi1>, vector<16xf32>
      %eq3A_414 = vector.broadcast %select_n3A_305 : i32 to vector<16xi32>
      %eq3A_415 = arith.cmpi eq, %add3A_407, %eq3A_414 : vector<16xi32>
      %jit3A_416 = arith.constant 0.000000e+00 : f32
      %broadcast_in_dim3A_417 = vector.broadcast %add3A_402 : f32 to vector<16xf32>
      %broadcast_in_dim3A_418 = vector.broadcast %jit3A_416 : f32 to vector<16xf32>
      %select_n3A_419 = arith.select %eq3A_415, %broadcast_in_dim3A_417, %broadcast_in_dim3A_418 : vector<16xi1>, vector<16xf32>
      %add3A_420 = arith.addf %select_n3A_413, %select_n3A_419 : vector<16xf32>
      %div3A_421 = vector.broadcast %add3A_403 : f32 to vector<16xf32>
      %div3A_422 = arith.divf %add3A_420, %div3A_421 : vector<16xf32>
      %swap3A = arith.constant 0 : i32
      %swap3A_423 = arith.index_cast %swap3A : i32 to index
      %swap3A_424 = arith.constant 0 : index
      %swap3A_425 = tpu.vector_load %arg7[%swap3A_423, %swap3A_424] {strides = array<i32>} : memref<4x64xf32, #tpu.memory_space<vmem>>, vector<16xf32>,
      tpu.vector_store %arg7[%swap3A_423, %swap3A_424], %div3A_422 {strides = array<i32>} : memref<4x64xf32, #tpu.memory_space<vmem>>, vector<16xf32>,
      %max3A = arith.maximumf %broadcast_in_dim3A_3, %div3A_422 : vector<16xf32>
      %iota3A_426 = tpu.iota {dimensions = array<i32: 0>} : vector<16xi32>
      %add3A_427 = arith.constant 16 : i32
      %add3A_428 = vector.broadcast %add3A_427 : i32 to vector<16xi32>
      %add3A_429 = arith.addi %iota3A_426, %add3A_428 : vector<16xi32>
      %eq3A_430 = vector.broadcast %select_n3A_168 : i32 to vector<16xi32>
      %eq3A_431 = arith.cmpi eq, %add3A_429, %eq3A_430 : vector<16xi32>
      %jit3A_432 = arith.constant 0.000000e+00 : f32
      %broadcast_in_dim3A_433 = vector.broadcast %add3A_392 : f32 to vector<16xf32>
      %broadcast_in_dim3A_434 = vector.broadcast %jit3A_432 : f32 to vector<16xf32>
      %select_n3A_435 = arith.select %eq3A_431, %broadcast_in_dim3A_433, %broadcast_in_dim3A_434 : vector<16xi1>, vector<16xf32>
      %eq3A_436 = vector.broadcast %select_n3A_305 : i32 to vector<16xi32>
      %eq3A_437 = arith.cmpi eq, %add3A_429, %eq3A_436 : vector<16xi32>
      %jit3A_438 = arith.constant 0.000000e+00 : f32
      %broadcast_in_dim3A_439 = vector.broadcast %add3A_402 : f32 to vector<16xf32>
      %broadcast_in_dim3A_440 = vector.broadcast %jit3A_438 : f32 to vector<16xf32>
      %select_n3A_441 = arith.select %eq3A_437, %broadcast_in_dim3A_439, %broadcast_in_dim3A_440 : vector<16xi1>, vector<16xf32>
      %add3A_442 = arith.addf %select_n3A_435, %select_n3A_441 : vector<16xf32>
      %div3A_443 = vector.broadcast %add3A_403 : f32 to vector<16xf32>
      %div3A_444 = arith.divf %add3A_442, %div3A_443 : vector<16xf32>
      %swap3A_445 = arith.constant 0 : i32
      %swap3A_446 = arith.index_cast %swap3A_445 : i32 to index
      %swap3A_447 = arith.constant 16 : index
      %swap3A_448 = tpu.vector_load %arg7[%swap3A_446, %swap3A_447] {strides = array<i32>} : memref<4x64xf32, #tpu.memory_space<vmem>>, vector<16xf32>,
      tpu.vector_store %arg7[%swap3A_446, %swap3A_447], %div3A_444 {strides = array<i32>} : memref<4x64xf32, #tpu.memory_space<vmem>>, vector<16xf32>,
      %max3A_449 = arith.maximumf %broadcast_in_dim3A_5, %div3A_444 : vector<16xf32>
      %iota3A_450 = tpu.iota {dimensions = array<i32: 0>} : vector<16xi32>
      %add3A_451 = arith.constant 32 : i32
      %add3A_452 = vector.broadcast %add3A_451 : i32 to vector<16xi32>
      %add3A_453 = arith.addi %iota3A_450, %add3A_452 : vector<16xi32>
      %eq3A_454 = vector.broadcast %select_n3A_168 : i32 to vector<16xi32>
      %eq3A_455 = arith.cmpi eq, %add3A_453, %eq3A_454 : vector<16xi32>
      %jit3A_456 = arith.constant 0.000000e+00 : f32
      %broadcast_in_dim3A_457 = vector.broadcast %add3A_392 : f32 to vector<16xf32>
      %broadcast_in_dim3A_458 = vector.broadcast %jit3A_456 : f32 to vector<16xf32>
      %select_n3A_459 = arith.select %eq3A_455, %broadcast_in_dim3A_457, %broadcast_in_dim3A_458 : vector<16xi1>, vector<16xf32>
      %eq3A_460 = vector.broadcast %select_n3A_305 : i32 to vector<16xi32>
      %eq3A_461 = arith.cmpi eq, %add3A_453, %eq3A_460 : vector<16xi32>
      %jit3A_462 = arith.constant 0.000000e+00 : f32
      %broadcast_in_dim3A_463 = vector.broadcast %add3A_402 : f32 to vector<16xf32>
      %broadcast_in_dim3A_464 = vector.broadcast %jit3A_462 : f32 to vector<16xf32>
      %select_n3A_465 = arith.select %eq3A_461, %broadcast_in_dim3A_463, %broadcast_in_dim3A_464 : vector<16xi1>, vector<16xf32>
      %add3A_466 = arith.addf %select_n3A_459, %select_n3A_465 : vector<16xf32>
      %div3A_467 = vector.broadcast %add3A_403 : f32 to vector<16xf32>
      %div3A_468 = arith.divf %add3A_466, %div3A_467 : vector<16xf32>
      %swap3A_469 = arith.constant 0 : i32
      %swap3A_470 = arith.index_cast %swap3A_469 : i32 to index
      %swap3A_471 = arith.constant 32 : index
      %swap3A_472 = tpu.vector_load %arg7[%swap3A_470, %swap3A_471] {strides = array<i32>} : memref<4x64xf32, #tpu.memory_space<vmem>>, vector<16xf32>,
      tpu.vector_store %arg7[%swap3A_470, %swap3A_471], %div3A_468 {strides = array<i32>} : memref<4x64xf32, #tpu.memory_space<vmem>>, vector<16xf32>,
      %max3A_473 = arith.maximumf %broadcast_in_dim3A_7, %div3A_468 : vector<16xf32>
      %iota3A_474 = tpu.iota {dimensions = array<i32: 0>} : vector<16xi32>
      %add3A_475 = arith.constant 48 : i32
      %add3A_476 = vector.broadcast %add3A_475 : i32 to vector<16xi32>
      %add3A_477 = arith.addi %iota3A_474, %add3A_476 : vector<16xi32>
      %eq3A_478 = vector.broadcast %select_n3A_168 : i32 to vector<16xi32>
      %eq3A_479 = arith.cmpi eq, %add3A_477, %eq3A_478 : vector<16xi32>
      %jit3A_480 = arith.constant 0.000000e+00 : f32
      %broadcast_in_dim3A_481 = vector.broadcast %add3A_392 : f32 to vector<16xf32>
      %broadcast_in_dim3A_482 = vector.broadcast %jit3A_480 : f32 to vector<16xf32>
      %select_n3A_483 = arith.select %eq3A_479, %broadcast_in_dim3A_481, %broadcast_in_dim3A_482 : vector<16xi1>, vector<16xf32>
      %eq3A_484 = vector.broadcast %select_n3A_305 : i32 to vector<16xi32>
      %eq3A_485 = arith.cmpi eq, %add3A_477, %eq3A_484 : vector<16xi32>
      %jit3A_486 = arith.constant 0.000000e+00 : f32
      %broadcast_in_dim3A_487 = vector.broadcast %add3A_402 : f32 to vector<16xf32>
      %broadcast_in_dim3A_488 = vector.broadcast %jit3A_486 : f32 to vector<16xf32>
      %select_n3A_489 = arith.select %eq3A_485, %broadcast_in_dim3A_487, %broadcast_in_dim3A_488 : vector<16xi1>, vector<16xf32>
      %add3A_490 = arith.addf %select_n3A_483, %select_n3A_489 : vector<16xf32>
      %div3A_491 = vector.broadcast %add3A_403 : f32 to vector<16xf32>
      %div3A_492 = arith.divf %add3A_490, %div3A_491 : vector<16xf32>
      %swap3A_493 = arith.constant 0 : i32
      %swap3A_494 = arith.index_cast %swap3A_493 : i32 to index
      %swap3A_495 = arith.constant 48 : index
      %swap3A_496 = tpu.vector_load %arg7[%swap3A_494, %swap3A_495] {strides = array<i32>} : memref<4x64xf32, #tpu.memory_space<vmem>>, vector<16xf32>,
      tpu.vector_store %arg7[%swap3A_494, %swap3A_495], %div3A_492 {strides = array<i32>} : memref<4x64xf32, #tpu.memory_space<vmem>>, vector<16xf32>,
      %max3A_497 = arith.maximumf %broadcast_in_dim3A_9, %div3A_492 : vector<16xf32>
      %get3A_498 = arith.constant 1 : i32
      %get3A_499 = arith.index_cast %get3A_498 : i32 to index
      %get3A_500 = arith.constant 0 : index
      %get3A_501 = tpu.vector_load %arg6[%get3A_499, %get3A_500] {strides = array<i32>} : memref<4x64xf32, #tpu.memory_space<vmem>>, vector<16xf32>,
      %neg3A_502 = arith.constant 0.000000e+00 : f32
      %neg3A_503 = vector.broadcast %neg3A_502 : f32 to vector<16xf32>
      %neg3A_504 = arith.subf %neg3A_503, %get3A_501 : vector<16xf32>
      %exp3A_505 = math.exp %neg3A_504 : vector<16xf32>
      %add3A_506 = arith.constant 1.000000e+00 : f32
      %add3A_507 = vector.broadcast %add3A_506 : f32 to vector<16xf32>
      %add3A_508 = arith.addf %add3A_507, %exp3A_505 : vector<16xf32>
      %div3A_509 = arith.constant 1.000000e+00 : f32
      %div3A_510 = vector.broadcast %div3A_509 : f32 to vector<16xf32>
      %div3A_511 = arith.divf %div3A_510, %add3A_508 : vector<16xf32>
      %get3A_512 = arith.constant 0 : index
      %get3A_513 = tpu.vector_load %arg8[%get3A_512] {strides = array<i32>} : memref<64xf32, #tpu.memory_space<vmem>>, vector<16xf32>,
      %add3A_514 = arith.addf %div3A_511, %get3A_513 : vector<16xf32>
      %iota3A_515 = tpu.iota {dimensions = array<i32: 0>} : vector<16xi32>
      %add3A_516 = arith.constant 0 : i32
      %add3A_517 = vector.broadcast %add3A_516 : i32 to vector<16xi32>
      %add3A_518 = arith.addi %iota3A_515, %add3A_517 : vector<16xi32>
      %reduce_max3A_519 = arith.constant true
      %reduce_max3A_520 = vector.broadcast %reduce_max3A_519 : i1 to vector<16xi1>
      %reduce_max3A_521 = tpu.scan <max>, %add3A_514 masked %reduce_max3A_520 : vector<16xf32>, vector<16xi1> -> vector<16xf32>
      %reduce_max3A_522 = vector.extract %reduce_max3A_521[15] : f32 from vector<16xf32>
      %eq3A_523 = vector.broadcast %reduce_max3A_522 : f32 to vector<16xf32>
      %eq3A_524 = arith.cmpf oeq, %add3A_514, %eq3A_523 : vector<16xf32>
      %jit3A_525 = arith.constant 64 : i32
      %broadcast_in_dim3A_526 = vector.broadcast %jit3A_525 : i32 to vector<16xi32>
      %select_n3A_527 = arith.select %eq3A_524, %add3A_518, %broadcast_in_dim3A_526 : vector<16xi1>, vector<16xi32>
      %reduce_min3A_528 = arith.constant true
      %reduce_min3A_529 = vector.broadcast %reduce_min3A_528 : i1 to vector<16xi1>
      %reduce_min3A_530 = arith.constant -2147483648 : i32
      %reduce_min3A_531 = vector.broadcast %reduce_min3A_530 : i32 to vector<16xi32>
      %reduce_min3A_532 = arith.xori %select_n3A_527, %reduce_min3A_531 : vector<16xi32>
      %reduce_min3A_533 = tpu.scan <min>, %reduce_min3A_532 masked %reduce_min3A_529 : vector<16xi32>, vector<16xi1> -> vector<16xi32>
      %reduce_min3A_534 = arith.xori %reduce_min3A_533, %reduce_min3A_531 : vector<16xi32>
      %reduce_min3A_535 = vector.extract %reduce_min3A_534[15] : i32 from vector<16xi32>
      %get3A_536 = arith.constant 1 : i32
      %get3A_537 = arith.index_cast %get3A_536 : i32 to index
      %get3A_538 = arith.constant 16 : index
      %get3A_539 = tpu.vector_load %arg6[%get3A_537, %get3A_538] {strides = array<i32>} : memref<4x64xf32, #tpu.memory_space<vmem>>, vector<16xf32>,
      %neg3A_540 = arith.constant 0.000000e+00 : f32
      %neg3A_541 = vector.broadcast %neg3A_540 : f32 to vector<16xf32>
      %neg3A_542 = arith.subf %neg3A_541, %get3A_539 : vector<16xf32>
      %exp3A_543 = math.exp %neg3A_542 : vector<16xf32>
      %add3A_544 = arith.constant 1.000000e+00 : f32
      %add3A_545 = vector.broadcast %add3A_544 : f32 to vector<16xf32>
      %add3A_546 = arith.addf %add3A_545, %exp3A_543 : vector<16xf32>
      %div3A_547 = arith.constant 1.000000e+00 : f32
      %div3A_548 = vector.broadcast %div3A_547 : f32 to vector<16xf32>
      %div3A_549 = arith.divf %div3A_548, %add3A_546 : vector<16xf32>
      %get3A_550 = arith.constant 16 : index
      %get3A_551 = tpu.vector_load %arg8[%get3A_550] {strides = array<i32>} : memref<64xf32, #tpu.memory_space<vmem>>, vector<16xf32>,
      %add3A_552 = arith.addf %div3A_549, %get3A_551 : vector<16xf32>
      %iota3A_553 = tpu.iota {dimensions = array<i32: 0>} : vector<16xi32>
      %add3A_554 = arith.constant 16 : i32
      %add3A_555 = vector.broadcast %add3A_554 : i32 to vector<16xi32>
      %add3A_556 = arith.addi %iota3A_553, %add3A_555 : vector<16xi32>
      %reduce_max3A_557 = arith.constant true
      %reduce_max3A_558 = vector.broadcast %reduce_max3A_557 : i1 to vector<16xi1>
      %reduce_max3A_559 = tpu.scan <max>, %add3A_552 masked %reduce_max3A_558 : vector<16xf32>, vector<16xi1> -> vector<16xf32>
      %reduce_max3A_560 = vector.extract %reduce_max3A_559[15] : f32 from vector<16xf32>
      %eq3A_561 = vector.broadcast %reduce_max3A_560 : f32 to vector<16xf32>
      %eq3A_562 = arith.cmpf oeq, %add3A_552, %eq3A_561 : vector<16xf32>
      %jit3A_563 = arith.constant 64 : i32
      %broadcast_in_dim3A_564 = vector.broadcast %jit3A_563 : i32 to vector<16xi32>
      %select_n3A_565 = arith.select %eq3A_562, %add3A_556, %broadcast_in_dim3A_564 : vector<16xi1>, vector<16xi32>
      %reduce_min3A_566 = arith.constant true
      %reduce_min3A_567 = vector.broadcast %reduce_min3A_566 : i1 to vector<16xi1>
      %reduce_min3A_568 = arith.constant -2147483648 : i32
      %reduce_min3A_569 = vector.broadcast %reduce_min3A_568 : i32 to vector<16xi32>
      %reduce_min3A_570 = arith.xori %select_n3A_565, %reduce_min3A_569 : vector<16xi32>
      %reduce_min3A_571 = tpu.scan <min>, %reduce_min3A_570 masked %reduce_min3A_567 : vector<16xi32>, vector<16xi1> -> vector<16xi32>
      %reduce_min3A_572 = arith.xori %reduce_min3A_571, %reduce_min3A_569 : vector<16xi32>
      %reduce_min3A_573 = vector.extract %reduce_min3A_572[15] : i32 from vector<16xi32>
      %get3A_574 = arith.constant 1 : i32
      %get3A_575 = arith.index_cast %get3A_574 : i32 to index
      %get3A_576 = arith.constant 32 : index
      %get3A_577 = tpu.vector_load %arg6[%get3A_575, %get3A_576] {strides = array<i32>} : memref<4x64xf32, #tpu.memory_space<vmem>>, vector<16xf32>,
      %neg3A_578 = arith.constant 0.000000e+00 : f32
      %neg3A_579 = vector.broadcast %neg3A_578 : f32 to vector<16xf32>
      %neg3A_580 = arith.subf %neg3A_579, %get3A_577 : vector<16xf32>
      %exp3A_581 = math.exp %neg3A_580 : vector<16xf32>
      %add3A_582 = arith.constant 1.000000e+00 : f32
      %add3A_583 = vector.broadcast %add3A_582 : f32 to vector<16xf32>
      %add3A_584 = arith.addf %add3A_583, %exp3A_581 : vector<16xf32>
      %div3A_585 = arith.constant 1.000000e+00 : f32
      %div3A_586 = vector.broadcast %div3A_585 : f32 to vector<16xf32>
      %div3A_587 = arith.divf %div3A_586, %add3A_584 : vector<16xf32>
      %get3A_588 = arith.constant 32 : index
      %get3A_589 = tpu.vector_load %arg8[%get3A_588] {strides = array<i32>} : memref<64xf32, #tpu.memory_space<vmem>>, vector<16xf32>,
      %add3A_590 = arith.addf %div3A_587, %get3A_589 : vector<16xf32>
      %iota3A_591 = tpu.iota {dimensions = array<i32: 0>} : vector<16xi32>
      %add3A_592 = arith.constant 32 : i32
      %add3A_593 = vector.broadcast %add3A_592 : i32 to vector<16xi32>
      %add3A_594 = arith.addi %iota3A_591, %add3A_593 : vector<16xi32>
      %reduce_max3A_595 = arith.constant true
      %reduce_max3A_596 = vector.broadcast %reduce_max3A_595 : i1 to vector<16xi1>
      %reduce_max3A_597 = tpu.scan <max>, %add3A_590 masked %reduce_max3A_596 : vector<16xf32>, vector<16xi1> -> vector<16xf32>
      %reduce_max3A_598 = vector.extract %reduce_max3A_597[15] : f32 from vector<16xf32>
      %eq3A_599 = vector.broadcast %reduce_max3A_598 : f32 to vector<16xf32>
      %eq3A_600 = arith.cmpf oeq, %add3A_590, %eq3A_599 : vector<16xf32>
      %jit3A_601 = arith.constant 64 : i32
      %broadcast_in_dim3A_602 = vector.broadcast %jit3A_601 : i32 to vector<16xi32>
      %select_n3A_603 = arith.select %eq3A_600, %add3A_594, %broadcast_in_dim3A_602 : vector<16xi1>, vector<16xi32>
      %reduce_min3A_604 = arith.constant true
      %reduce_min3A_605 = vector.broadcast %reduce_min3A_604 : i1 to vector<16xi1>
      %reduce_min3A_606 = arith.constant -2147483648 : i32
      %reduce_min3A_607 = vector.broadcast %reduce_min3A_606 : i32 to vector<16xi32>
      %reduce_min3A_608 = arith.xori %select_n3A_603, %reduce_min3A_607 : vector<16xi32>
      %reduce_min3A_609 = tpu.scan <min>, %reduce_min3A_608 masked %reduce_min3A_605 : vector<16xi32>, vector<16xi1> -> vector<16xi32>
      %reduce_min3A_610 = arith.xori %reduce_min3A_609, %reduce_min3A_607 : vector<16xi32>
      %reduce_min3A_611 = vector.extract %reduce_min3A_610[15] : i32 from vector<16xi32>
      %get3A_612 = arith.constant 1 : i32
      %get3A_613 = arith.index_cast %get3A_612 : i32 to index
      %get3A_614 = arith.constant 48 : index
      %get3A_615 = tpu.vector_load %arg6[%get3A_613, %get3A_614] {strides = array<i32>} : memref<4x64xf32, #tpu.memory_space<vmem>>, vector<16xf32>,
      %neg3A_616 = arith.constant 0.000000e+00 : f32
      %neg3A_617 = vector.broadcast %neg3A_616 : f32 to vector<16xf32>
      %neg3A_618 = arith.subf %neg3A_617, %get3A_615 : vector<16xf32>
      %exp3A_619 = math.exp %neg3A_618 : vector<16xf32>
      %add3A_620 = arith.constant 1.000000e+00 : f32
      %add3A_621 = vector.broadcast %add3A_620 : f32 to vector<16xf32>
      %add3A_622 = arith.addf %add3A_621, %exp3A_619 : vector<16xf32>
      %div3A_623 = arith.constant 1.000000e+00 : f32
      %div3A_624 = vector.broadcast %div3A_623 : f32 to vector<16xf32>
      %div3A_625 = arith.divf %div3A_624, %add3A_622 : vector<16xf32>
      %get3A_626 = arith.constant 48 : index
      %get3A_627 = tpu.vector_load %arg8[%get3A_626] {strides = array<i32>} : memref<64xf32, #tpu.memory_space<vmem>>, vector<16xf32>,
      %add3A_628 = arith.addf %div3A_625, %get3A_627 : vector<16xf32>
      %iota3A_629 = tpu.iota {dimensions = array<i32: 0>} : vector<16xi32>
      %add3A_630 = arith.constant 48 : i32
      %add3A_631 = vector.broadcast %add3A_630 : i32 to vector<16xi32>
      %add3A_632 = arith.addi %iota3A_629, %add3A_631 : vector<16xi32>
      %reduce_max3A_633 = arith.constant true
      %reduce_max3A_634 = vector.broadcast %reduce_max3A_633 : i1 to vector<16xi1>
      %reduce_max3A_635 = tpu.scan <max>, %add3A_628 masked %reduce_max3A_634 : vector<16xf32>, vector<16xi1> -> vector<16xf32>
      %reduce_max3A_636 = vector.extract %reduce_max3A_635[15] : f32 from vector<16xf32>
      %eq3A_637 = vector.broadcast %reduce_max3A_636 : f32 to vector<16xf32>
      %eq3A_638 = arith.cmpf oeq, %add3A_628, %eq3A_637 : vector<16xf32>
      %jit3A_639 = arith.constant 64 : i32
      %broadcast_in_dim3A_640 = vector.broadcast %jit3A_639 : i32 to vector<16xi32>
      %select_n3A_641 = arith.select %eq3A_638, %add3A_632, %broadcast_in_dim3A_640 : vector<16xi1>, vector<16xi32>
      %reduce_min3A_642 = arith.constant true
      %reduce_min3A_643 = vector.broadcast %reduce_min3A_642 : i1 to vector<16xi1>
      %reduce_min3A_644 = arith.constant -2147483648 : i32
      %reduce_min3A_645 = vector.broadcast %reduce_min3A_644 : i32 to vector<16xi32>
      %reduce_min3A_646 = arith.xori %select_n3A_641, %reduce_min3A_645 : vector<16xi32>
      %reduce_min3A_647 = tpu.scan <min>, %reduce_min3A_646 masked %reduce_min3A_643 : vector<16xi32>, vector<16xi1> -> vector<16xi32>
      %reduce_min3A_648 = arith.xori %reduce_min3A_647, %reduce_min3A_645 : vector<16xi32>
      %reduce_min3A_649 = vector.extract %reduce_min3A_648[15] : i32 from vector<16xi32>
      %gt3A_650 = arith.cmpf ogt, %reduce_max3A_560, %reduce_max3A_522 : f32
      %eq3A_651 = arith.cmpf oeq, %reduce_max3A_560, %reduce_max3A_522 : f32
      %lt3A_652 = arith.cmpi slt, %reduce_min3A_573, %reduce_min3A_535 : i32
      %and3A_653 = arith.andi %eq3A_651, %lt3A_652 : i1
      %or3A_654 = arith.ori %gt3A_650, %and3A_653 : i1
      %select_n3A_655 = arith.select %or3A_654, %reduce_max3A_560, %reduce_max3A_522 : f32
      %select_n3A_656 = arith.select %or3A_654, %reduce_min3A_573, %reduce_min3A_535 : i32
      %gt3A_657 = arith.cmpf ogt, %reduce_max3A_598, %select_n3A_655 : f32
      %eq3A_658 = arith.cmpf oeq, %reduce_max3A_598, %select_n3A_655 : f32
      %lt3A_659 = arith.cmpi slt, %reduce_min3A_611, %select_n3A_656 : i32
      %and3A_660 = arith.andi %eq3A_658, %lt3A_659 : i1
      %or3A_661 = arith.ori %gt3A_657, %and3A_660 : i1
      %select_n3A_662 = arith.select %or3A_661, %reduce_max3A_598, %select_n3A_655 : f32
      %select_n3A_663 = arith.select %or3A_661, %reduce_min3A_611, %select_n3A_656 : i32
      %gt3A_664 = arith.cmpf ogt, %reduce_max3A_636, %select_n3A_662 : f32
      %eq3A_665 = arith.cmpf oeq, %reduce_max3A_636, %select_n3A_662 : f32
      %lt3A_666 = arith.cmpi slt, %reduce_min3A_649, %select_n3A_663 : i32
      %and3A_667 = arith.andi %eq3A_665, %lt3A_666 : i1
      %or3A_668 = arith.ori %gt3A_664, %and3A_667 : i1
      %select_n3A_669 = arith.select %or3A_668, %reduce_max3A_636, %select_n3A_662 : f32
      %select_n3A_670 = arith.select %or3A_668, %reduce_min3A_649, %select_n3A_663 : i32
      %iota3A_671 = tpu.iota {dimensions = array<i32: 0>} : vector<16xi32>
      %add3A_672 = arith.constant 0 : i32
      %add3A_673 = vector.broadcast %add3A_672 : i32 to vector<16xi32>
      %add3A_674 = arith.addi %iota3A_671, %add3A_673 : vector<16xi32>
      %eq3A_675 = vector.broadcast %select_n3A_670 : i32 to vector<16xi32>
      %eq3A_676 = arith.cmpi eq, %add3A_674, %eq3A_675 : vector<16xi32>
      %jit3A_677 = arith.constant -3.000000e+38 : f32
      %broadcast_in_dim3A_678 = vector.broadcast %jit3A_677 : f32 to vector<16xf32>
      %select_n3A_679 = arith.select %eq3A_676, %broadcast_in_dim3A_678, %add3A_514 : vector<16xi1>, vector<16xf32>
      %reduce_max3A_680 = arith.constant true
      %reduce_max3A_681 = vector.broadcast %reduce_max3A_680 : i1 to vector<16xi1>
      %reduce_max3A_682 = tpu.scan <max>, %select_n3A_679 masked %reduce_max3A_681 : vector<16xf32>, vector<16xi1> -> vector<16xf32>
      %reduce_max3A_683 = vector.extract %reduce_max3A_682[15] : f32 from vector<16xf32>
      %eq3A_684 = vector.broadcast %reduce_max3A_683 : f32 to vector<16xf32>
      %eq3A_685 = arith.cmpf oeq, %select_n3A_679, %eq3A_684 : vector<16xf32>
      %jit3A_686 = arith.constant 64 : i32
      %broadcast_in_dim3A_687 = vector.broadcast %jit3A_686 : i32 to vector<16xi32>
      %select_n3A_688 = arith.select %eq3A_685, %add3A_674, %broadcast_in_dim3A_687 : vector<16xi1>, vector<16xi32>
      %reduce_min3A_689 = arith.constant true
      %reduce_min3A_690 = vector.broadcast %reduce_min3A_689 : i1 to vector<16xi1>
      %reduce_min3A_691 = arith.constant -2147483648 : i32
      %reduce_min3A_692 = vector.broadcast %reduce_min3A_691 : i32 to vector<16xi32>
      %reduce_min3A_693 = arith.xori %select_n3A_688, %reduce_min3A_692 : vector<16xi32>
      %reduce_min3A_694 = tpu.scan <min>, %reduce_min3A_693 masked %reduce_min3A_690 : vector<16xi32>, vector<16xi1> -> vector<16xi32>
      %reduce_min3A_695 = arith.xori %reduce_min3A_694, %reduce_min3A_692 : vector<16xi32>
      %reduce_min3A_696 = vector.extract %reduce_min3A_695[15] : i32 from vector<16xi32>
      %gt3A_697 = arith.constant -3.000000e+38 : f32
      %gt3A_698 = arith.cmpf ogt, %reduce_max3A_683, %gt3A_697 : f32
      %eq3A_699 = arith.constant -3.000000e+38 : f32
      %eq3A_700 = arith.cmpf oeq, %reduce_max3A_683, %eq3A_699 : f32
      %lt3A_701 = arith.constant 64 : i32
      %lt3A_702 = arith.cmpi slt, %reduce_min3A_696, %lt3A_701 : i32
      %and3A_703 = arith.andi %eq3A_700, %lt3A_702 : i1
      %or3A_704 = arith.ori %gt3A_698, %and3A_703 : i1
      %jit3A_705 = arith.constant -3.000000e+38 : f32
      %select_n3A_706 = arith.select %or3A_704, %reduce_max3A_683, %jit3A_705 : f32
      %jit3A_707 = arith.constant 64 : i32
      %select_n3A_708 = arith.select %or3A_704, %reduce_min3A_696, %jit3A_707 : i32
      %iota3A_709 = tpu.iota {dimensions = array<i32: 0>} : vector<16xi32>
      %add3A_710 = arith.constant 16 : i32
      %add3A_711 = vector.broadcast %add3A_710 : i32 to vector<16xi32>
      %add3A_712 = arith.addi %iota3A_709, %add3A_711 : vector<16xi32>
      %eq3A_713 = vector.broadcast %select_n3A_670 : i32 to vector<16xi32>
      %eq3A_714 = arith.cmpi eq, %add3A_712, %eq3A_713 : vector<16xi32>
      %jit3A_715 = arith.constant -3.000000e+38 : f32
      %broadcast_in_dim3A_716 = vector.broadcast %jit3A_715 : f32 to vector<16xf32>
      %select_n3A_717 = arith.select %eq3A_714, %broadcast_in_dim3A_716, %add3A_552 : vector<16xi1>, vector<16xf32>
      %reduce_max3A_718 = arith.constant true
      %reduce_max3A_719 = vector.broadcast %reduce_max3A_718 : i1 to vector<16xi1>
      %reduce_max3A_720 = tpu.scan <max>, %select_n3A_717 masked %reduce_max3A_719 : vector<16xf32>, vector<16xi1> -> vector<16xf32>
      %reduce_max3A_721 = vector.extract %reduce_max3A_720[15] : f32 from vector<16xf32>
      %eq3A_722 = vector.broadcast %reduce_max3A_721 : f32 to vector<16xf32>
      %eq3A_723 = arith.cmpf oeq, %select_n3A_717, %eq3A_722 : vector<16xf32>
      %jit3A_724 = arith.constant 64 : i32
      %broadcast_in_dim3A_725 = vector.broadcast %jit3A_724 : i32 to vector<16xi32>
      %select_n3A_726 = arith.select %eq3A_723, %add3A_712, %broadcast_in_dim3A_725 : vector<16xi1>, vector<16xi32>
      %reduce_min3A_727 = arith.constant true
      %reduce_min3A_728 = vector.broadcast %reduce_min3A_727 : i1 to vector<16xi1>
      %reduce_min3A_729 = arith.constant -2147483648 : i32
      %reduce_min3A_730 = vector.broadcast %reduce_min3A_729 : i32 to vector<16xi32>
      %reduce_min3A_731 = arith.xori %select_n3A_726, %reduce_min3A_730 : vector<16xi32>
      %reduce_min3A_732 = tpu.scan <min>, %reduce_min3A_731 masked %reduce_min3A_728 : vector<16xi32>, vector<16xi1> -> vector<16xi32>
      %reduce_min3A_733 = arith.xori %reduce_min3A_732, %reduce_min3A_730 : vector<16xi32>
      %reduce_min3A_734 = vector.extract %reduce_min3A_733[15] : i32 from vector<16xi32>
      %gt3A_735 = arith.cmpf ogt, %reduce_max3A_721, %select_n3A_706 : f32
      %eq3A_736 = arith.cmpf oeq, %reduce_max3A_721, %select_n3A_706 : f32
      %lt3A_737 = arith.cmpi slt, %reduce_min3A_734, %select_n3A_708 : i32
      %and3A_738 = arith.andi %eq3A_736, %lt3A_737 : i1
      %or3A_739 = arith.ori %gt3A_735, %and3A_738 : i1
      %select_n3A_740 = arith.select %or3A_739, %reduce_max3A_721, %select_n3A_706 : f32
      %select_n3A_741 = arith.select %or3A_739, %reduce_min3A_734, %select_n3A_708 : i32
      %iota3A_742 = tpu.iota {dimensions = array<i32: 0>} : vector<16xi32>
      %add3A_743 = arith.constant 32 : i32
      %add3A_744 = vector.broadcast %add3A_743 : i32 to vector<16xi32>
      %add3A_745 = arith.addi %iota3A_742, %add3A_744 : vector<16xi32>
      %eq3A_746 = vector.broadcast %select_n3A_670 : i32 to vector<16xi32>
      %eq3A_747 = arith.cmpi eq, %add3A_745, %eq3A_746 : vector<16xi32>
      %jit3A_748 = arith.constant -3.000000e+38 : f32
      %broadcast_in_dim3A_749 = vector.broadcast %jit3A_748 : f32 to vector<16xf32>
      %select_n3A_750 = arith.select %eq3A_747, %broadcast_in_dim3A_749, %add3A_590 : vector<16xi1>, vector<16xf32>
      %reduce_max3A_751 = arith.constant true
      %reduce_max3A_752 = vector.broadcast %reduce_max3A_751 : i1 to vector<16xi1>
      %reduce_max3A_753 = tpu.scan <max>, %select_n3A_750 masked %reduce_max3A_752 : vector<16xf32>, vector<16xi1> -> vector<16xf32>
      %reduce_max3A_754 = vector.extract %reduce_max3A_753[15] : f32 from vector<16xf32>
      %eq3A_755 = vector.broadcast %reduce_max3A_754 : f32 to vector<16xf32>
      %eq3A_756 = arith.cmpf oeq, %select_n3A_750, %eq3A_755 : vector<16xf32>
      %jit3A_757 = arith.constant 64 : i32
      %broadcast_in_dim3A_758 = vector.broadcast %jit3A_757 : i32 to vector<16xi32>
      %select_n3A_759 = arith.select %eq3A_756, %add3A_745, %broadcast_in_dim3A_758 : vector<16xi1>, vector<16xi32>
      %reduce_min3A_760 = arith.constant true
      %reduce_min3A_761 = vector.broadcast %reduce_min3A_760 : i1 to vector<16xi1>
      %reduce_min3A_762 = arith.constant -2147483648 : i32
      %reduce_min3A_763 = vector.broadcast %reduce_min3A_762 : i32 to vector<16xi32>
      %reduce_min3A_764 = arith.xori %select_n3A_759, %reduce_min3A_763 : vector<16xi32>
      %reduce_min3A_765 = tpu.scan <min>, %reduce_min3A_764 masked %reduce_min3A_761 : vector<16xi32>, vector<16xi1> -> vector<16xi32>
      %reduce_min3A_766 = arith.xori %reduce_min3A_765, %reduce_min3A_763 : vector<16xi32>
      %reduce_min3A_767 = vector.extract %reduce_min3A_766[15] : i32 from vector<16xi32>
      %gt3A_768 = arith.cmpf ogt, %reduce_max3A_754, %select_n3A_740 : f32
      %eq3A_769 = arith.cmpf oeq, %reduce_max3A_754, %select_n3A_740 : f32
      %lt3A_770 = arith.cmpi slt, %reduce_min3A_767, %select_n3A_741 : i32
      %and3A_771 = arith.andi %eq3A_769, %lt3A_770 : i1
      %or3A_772 = arith.ori %gt3A_768, %and3A_771 : i1
      %select_n3A_773 = arith.select %or3A_772, %reduce_max3A_754, %select_n3A_740 : f32
      %select_n3A_774 = arith.select %or3A_772, %reduce_min3A_767, %select_n3A_741 : i32
      %iota3A_775 = tpu.iota {dimensions = array<i32: 0>} : vector<16xi32>
      %add3A_776 = arith.constant 48 : i32
      %add3A_777 = vector.broadcast %add3A_776 : i32 to vector<16xi32>
      %add3A_778 = arith.addi %iota3A_775, %add3A_777 : vector<16xi32>
      %eq3A_779 = vector.broadcast %select_n3A_670 : i32 to vector<16xi32>
      %eq3A_780 = arith.cmpi eq, %add3A_778, %eq3A_779 : vector<16xi32>
      %jit3A_781 = arith.constant -3.000000e+38 : f32
      %broadcast_in_dim3A_782 = vector.broadcast %jit3A_781 : f32 to vector<16xf32>
      %select_n3A_783 = arith.select %eq3A_780, %broadcast_in_dim3A_782, %add3A_628 : vector<16xi1>, vector<16xf32>
      %reduce_max3A_784 = arith.constant true
      %reduce_max3A_785 = vector.broadcast %reduce_max3A_784 : i1 to vector<16xi1>
      %reduce_max3A_786 = tpu.scan <max>, %select_n3A_783 masked %reduce_max3A_785 : vector<16xf32>, vector<16xi1> -> vector<16xf32>
      %reduce_max3A_787 = vector.extract %reduce_max3A_786[15] : f32 from vector<16xf32>
      %eq3A_788 = vector.broadcast %reduce_max3A_787 : f32 to vector<16xf32>
      %eq3A_789 = arith.cmpf oeq, %select_n3A_783, %eq3A_788 : vector<16xf32>
      %jit3A_790 = arith.constant 64 : i32
      %broadcast_in_dim3A_791 = vector.broadcast %jit3A_790 : i32 to vector<16xi32>
      %select_n3A_792 = arith.select %eq3A_789, %add3A_778, %broadcast_in_dim3A_791 : vector<16xi1>, vector<16xi32>
      %reduce_min3A_793 = arith.constant true
      %reduce_min3A_794 = vector.broadcast %reduce_min3A_793 : i1 to vector<16xi1>
      %reduce_min3A_795 = arith.constant -2147483648 : i32
      %reduce_min3A_796 = vector.broadcast %reduce_min3A_795 : i32 to vector<16xi32>
      %reduce_min3A_797 = arith.xori %select_n3A_792, %reduce_min3A_796 : vector<16xi32>
      %reduce_min3A_798 = tpu.scan <min>, %reduce_min3A_797 masked %reduce_min3A_794 : vector<16xi32>, vector<16xi1> -> vector<16xi32>
      %reduce_min3A_799 = arith.xori %reduce_min3A_798, %reduce_min3A_796 : vector<16xi32>
      %reduce_min3A_800 = vector.extract %reduce_min3A_799[15] : i32 from vector<16xi32>
      %gt3A_801 = arith.cmpf ogt, %reduce_max3A_787, %select_n3A_773 : f32
      %eq3A_802 = arith.cmpf oeq, %reduce_max3A_787, %select_n3A_773 : f32
      %lt3A_803 = arith.cmpi slt, %reduce_min3A_800, %select_n3A_774 : i32
      %and3A_804 = arith.andi %eq3A_802, %lt3A_803 : i1
      %or3A_805 = arith.ori %gt3A_801, %and3A_804 : i1
      %select_n3A_806 = arith.select %or3A_805, %reduce_max3A_787, %select_n3A_773 : f32
      %select_n3A_807 = arith.select %or3A_805, %reduce_min3A_800, %select_n3A_774 : i32
      %iota3A_808 = tpu.iota {dimensions = array<i32: 0>} : vector<16xi32>
      %add3A_809 = arith.constant 0 : i32
      %add3A_810 = vector.broadcast %add3A_809 : i32 to vector<16xi32>
      %add3A_811 = arith.addi %iota3A_808, %add3A_810 : vector<16xi32>
      %eq3A_812 = vector.broadcast %select_n3A_670 : i32 to vector<16xi32>
      %eq3A_813 = arith.cmpi eq, %add3A_811, %eq3A_812 : vector<16xi32>
      %jit3A_814 = arith.constant 0.000000e+00 : f32
      %broadcast_in_dim3A_815 = vector.broadcast %jit3A_814 : f32 to vector<16xf32>
      %select_n3A_816 = arith.select %eq3A_813, %div3A_511, %broadcast_in_dim3A_815 : vector<16xi1>, vector<16xf32>
      %reduce_sum3A_817 = arith.constant true
      %reduce_sum3A_818 = vector.broadcast %reduce_sum3A_817 : i1 to vector<16xi1>
      %reduce_sum3A_819 = tpu.scan <sum>, %select_n3A_816 masked %reduce_sum3A_818 : vector<16xf32>, vector<16xi1> -> vector<16xf32>
      %reduce_sum3A_820 = vector.extract %reduce_sum3A_819[15] : f32 from vector<16xf32>
      %add3A_821 = arith.constant 0.000000e+00 : f32
      %add3A_822 = arith.addf %add3A_821, %reduce_sum3A_820 : f32
      %eq3A_823 = vector.broadcast %select_n3A_807 : i32 to vector<16xi32>
      %eq3A_824 = arith.cmpi eq, %add3A_811, %eq3A_823 : vector<16xi32>
      %jit3A_825 = arith.constant 0.000000e+00 : f32
      %broadcast_in_dim3A_826 = vector.broadcast %jit3A_825 : f32 to vector<16xf32>
      %select_n3A_827 = arith.select %eq3A_824, %div3A_511, %broadcast_in_dim3A_826 : vector<16xi1>, vector<16xf32>
      %reduce_sum3A_828 = arith.constant true
      %reduce_sum3A_829 = vector.broadcast %reduce_sum3A_828 : i1 to vector<16xi1>
      %reduce_sum3A_830 = tpu.scan <sum>, %select_n3A_827 masked %reduce_sum3A_829 : vector<16xf32>, vector<16xi1> -> vector<16xf32>
      %reduce_sum3A_831 = vector.extract %reduce_sum3A_830[15] : f32 from vector<16xf32>
      %add3A_832 = arith.constant 0.000000e+00 : f32
      %add3A_833 = arith.addf %add3A_832, %reduce_sum3A_831 : f32
      %iota3A_834 = tpu.iota {dimensions = array<i32: 0>} : vector<16xi32>
      %add3A_835 = arith.constant 16 : i32
      %add3A_836 = vector.broadcast %add3A_835 : i32 to vector<16xi32>
      %add3A_837 = arith.addi %iota3A_834, %add3A_836 : vector<16xi32>
      %eq3A_838 = vector.broadcast %select_n3A_670 : i32 to vector<16xi32>
      %eq3A_839 = arith.cmpi eq, %add3A_837, %eq3A_838 : vector<16xi32>
      %jit3A_840 = arith.constant 0.000000e+00 : f32
      %broadcast_in_dim3A_841 = vector.broadcast %jit3A_840 : f32 to vector<16xf32>
      %select_n3A_842 = arith.select %eq3A_839, %div3A_549, %broadcast_in_dim3A_841 : vector<16xi1>, vector<16xf32>
      %reduce_sum3A_843 = arith.constant true
      %reduce_sum3A_844 = vector.broadcast %reduce_sum3A_843 : i1 to vector<16xi1>
      %reduce_sum3A_845 = tpu.scan <sum>, %select_n3A_842 masked %reduce_sum3A_844 : vector<16xf32>, vector<16xi1> -> vector<16xf32>
      %reduce_sum3A_846 = vector.extract %reduce_sum3A_845[15] : f32 from vector<16xf32>
      %add3A_847 = arith.addf %add3A_822, %reduce_sum3A_846 : f32
      %eq3A_848 = vector.broadcast %select_n3A_807 : i32 to vector<16xi32>
      %eq3A_849 = arith.cmpi eq, %add3A_837, %eq3A_848 : vector<16xi32>
      %jit3A_850 = arith.constant 0.000000e+00 : f32
      %broadcast_in_dim3A_851 = vector.broadcast %jit3A_850 : f32 to vector<16xf32>
      %select_n3A_852 = arith.select %eq3A_849, %div3A_549, %broadcast_in_dim3A_851 : vector<16xi1>, vector<16xf32>
      %reduce_sum3A_853 = arith.constant true
      %reduce_sum3A_854 = vector.broadcast %reduce_sum3A_853 : i1 to vector<16xi1>
      %reduce_sum3A_855 = tpu.scan <sum>, %select_n3A_852 masked %reduce_sum3A_854 : vector<16xf32>, vector<16xi1> -> vector<16xf32>
      %reduce_sum3A_856 = vector.extract %reduce_sum3A_855[15] : f32 from vector<16xf32>
      %add3A_857 = arith.addf %add3A_833, %reduce_sum3A_856 : f32
      %iota3A_858 = tpu.iota {dimensions = array<i32: 0>} : vector<16xi32>
      %add3A_859 = arith.constant 32 : i32
      %add3A_860 = vector.broadcast %add3A_859 : i32 to vector<16xi32>
      %add3A_861 = arith.addi %iota3A_858, %add3A_860 : vector<16xi32>
      %eq3A_862 = vector.broadcast %select_n3A_670 : i32 to vector<16xi32>
      %eq3A_863 = arith.cmpi eq, %add3A_861, %eq3A_862 : vector<16xi32>
      %jit3A_864 = arith.constant 0.000000e+00 : f32
      %broadcast_in_dim3A_865 = vector.broadcast %jit3A_864 : f32 to vector<16xf32>
      %select_n3A_866 = arith.select %eq3A_863, %div3A_587, %broadcast_in_dim3A_865 : vector<16xi1>, vector<16xf32>
      %reduce_sum3A_867 = arith.constant true
      %reduce_sum3A_868 = vector.broadcast %reduce_sum3A_867 : i1 to vector<16xi1>
      %reduce_sum3A_869 = tpu.scan <sum>, %select_n3A_866 masked %reduce_sum3A_868 : vector<16xf32>, vector<16xi1> -> vector<16xf32>
      %reduce_sum3A_870 = vector.extract %reduce_sum3A_869[15] : f32 from vector<16xf32>
      %add3A_871 = arith.addf %add3A_847, %reduce_sum3A_870 : f32
      %eq3A_872 = vector.broadcast %select_n3A_807 : i32 to vector<16xi32>
      %eq3A_873 = arith.cmpi eq, %add3A_861, %eq3A_872 : vector<16xi32>
      %jit3A_874 = arith.constant 0.000000e+00 : f32
      %broadcast_in_dim3A_875 = vector.broadcast %jit3A_874 : f32 to vector<16xf32>
      %select_n3A_876 = arith.select %eq3A_873, %div3A_587, %broadcast_in_dim3A_875 : vector<16xi1>, vector<16xf32>
      %reduce_sum3A_877 = arith.constant true
      %reduce_sum3A_878 = vector.broadcast %reduce_sum3A_877 : i1 to vector<16xi1>
      %reduce_sum3A_879 = tpu.scan <sum>, %select_n3A_876 masked %reduce_sum3A_878 : vector<16xf32>, vector<16xi1> -> vector<16xf32>
      %reduce_sum3A_880 = vector.extract %reduce_sum3A_879[15] : f32 from vector<16xf32>
      %add3A_881 = arith.addf %add3A_857, %reduce_sum3A_880 : f32
      %iota3A_882 = tpu.iota {dimensions = array<i32: 0>} : vector<16xi32>
      %add3A_883 = arith.constant 48 : i32
      %add3A_884 = vector.broadcast %add3A_883 : i32 to vector<16xi32>
      %add3A_885 = arith.addi %iota3A_882, %add3A_884 : vector<16xi32>
      %eq3A_886 = vector.broadcast %select_n3A_670 : i32 to vector<16xi32>
      %eq3A_887 = arith.cmpi eq, %add3A_885, %eq3A_886 : vector<16xi32>
      %jit3A_888 = arith.constant 0.000000e+00 : f32
      %broadcast_in_dim3A_889 = vector.broadcast %jit3A_888 : f32 to vector<16xf32>
      %select_n3A_890 = arith.select %eq3A_887, %div3A_625, %broadcast_in_dim3A_889 : vector<16xi1>, vector<16xf32>
      %reduce_sum3A_891 = arith.constant true
      %reduce_sum3A_892 = vector.broadcast %reduce_sum3A_891 : i1 to vector<16xi1>
      %reduce_sum3A_893 = tpu.scan <sum>, %select_n3A_890 masked %reduce_sum3A_892 : vector<16xf32>, vector<16xi1> -> vector<16xf32>
      %reduce_sum3A_894 = vector.extract %reduce_sum3A_893[15] : f32 from vector<16xf32>
      %add3A_895 = arith.addf %add3A_871, %reduce_sum3A_894 : f32
      %eq3A_896 = vector.broadcast %select_n3A_807 : i32 to vector<16xi32>
      %eq3A_897 = arith.cmpi eq, %add3A_885, %eq3A_896 : vector<16xi32>
      %jit3A_898 = arith.constant 0.000000e+00 : f32
      %broadcast_in_dim3A_899 = vector.broadcast %jit3A_898 : f32 to vector<16xf32>
      %select_n3A_900 = arith.select %eq3A_897, %div3A_625, %broadcast_in_dim3A_899 : vector<16xi1>, vector<16xf32>
      %reduce_sum3A_901 = arith.constant true
      %reduce_sum3A_902 = vector.broadcast %reduce_sum3A_901 : i1 to vector<16xi1>
      %reduce_sum3A_903 = tpu.scan <sum>, %select_n3A_900 masked %reduce_sum3A_902 : vector<16xf32>, vector<16xi1> -> vector<16xf32>
      %reduce_sum3A_904 = vector.extract %reduce_sum3A_903[15] : f32 from vector<16xf32>
      %add3A_905 = arith.addf %add3A_881, %reduce_sum3A_904 : f32
      %add3A_906 = arith.addf %add3A_895, %add3A_905 : f32
      %iota3A_907 = tpu.iota {dimensions = array<i32: 0>} : vector<16xi32>
      %add3A_908 = arith.constant 0 : i32
      %add3A_909 = vector.broadcast %add3A_908 : i32 to vector<16xi32>
      %add3A_910 = arith.addi %iota3A_907, %add3A_909 : vector<16xi32>
      %eq3A_911 = vector.broadcast %select_n3A_670 : i32 to vector<16xi32>
      %eq3A_912 = arith.cmpi eq, %add3A_910, %eq3A_911 : vector<16xi32>
      %jit3A_913 = arith.constant 0.000000e+00 : f32
      %broadcast_in_dim3A_914 = vector.broadcast %add3A_895 : f32 to vector<16xf32>
      %broadcast_in_dim3A_915 = vector.broadcast %jit3A_913 : f32 to vector<16xf32>
      %select_n3A_916 = arith.select %eq3A_912, %broadcast_in_dim3A_914, %broadcast_in_dim3A_915 : vector<16xi1>, vector<16xf32>
      %eq3A_917 = vector.broadcast %select_n3A_807 : i32 to vector<16xi32>
      %eq3A_918 = arith.cmpi eq, %add3A_910, %eq3A_917 : vector<16xi32>
      %jit3A_919 = arith.constant 0.000000e+00 : f32
      %broadcast_in_dim3A_920 = vector.broadcast %add3A_905 : f32 to vector<16xf32>
      %broadcast_in_dim3A_921 = vector.broadcast %jit3A_919 : f32 to vector<16xf32>
      %select_n3A_922 = arith.select %eq3A_918, %broadcast_in_dim3A_920, %broadcast_in_dim3A_921 : vector<16xi1>, vector<16xf32>
      %add3A_923 = arith.addf %select_n3A_916, %select_n3A_922 : vector<16xf32>
      %div3A_924 = vector.broadcast %add3A_906 : f32 to vector<16xf32>
      %div3A_925 = arith.divf %add3A_923, %div3A_924 : vector<16xf32>
      %swap3A_926 = arith.constant 1 : i32
      %swap3A_927 = arith.index_cast %swap3A_926 : i32 to index
      %swap3A_928 = arith.constant 0 : index
      %swap3A_929 = tpu.vector_load %arg7[%swap3A_927, %swap3A_928] {strides = array<i32>} : memref<4x64xf32, #tpu.memory_space<vmem>>, vector<16xf32>,
      tpu.vector_store %arg7[%swap3A_927, %swap3A_928], %div3A_925 {strides = array<i32>} : memref<4x64xf32, #tpu.memory_space<vmem>>, vector<16xf32>,
      %max3A_930 = arith.maximumf %max3A, %div3A_925 : vector<16xf32>
      %iota3A_931 = tpu.iota {dimensions = array<i32: 0>} : vector<16xi32>
      %add3A_932 = arith.constant 16 : i32
      %add3A_933 = vector.broadcast %add3A_932 : i32 to vector<16xi32>
      %add3A_934 = arith.addi %iota3A_931, %add3A_933 : vector<16xi32>
      %eq3A_935 = vector.broadcast %select_n3A_670 : i32 to vector<16xi32>
      %eq3A_936 = arith.cmpi eq, %add3A_934, %eq3A_935 : vector<16xi32>
      %jit3A_937 = arith.constant 0.000000e+00 : f32
      %broadcast_in_dim3A_938 = vector.broadcast %add3A_895 : f32 to vector<16xf32>
      %broadcast_in_dim3A_939 = vector.broadcast %jit3A_937 : f32 to vector<16xf32>
      %select_n3A_940 = arith.select %eq3A_936, %broadcast_in_dim3A_938, %broadcast_in_dim3A_939 : vector<16xi1>, vector<16xf32>
      %eq3A_941 = vector.broadcast %select_n3A_807 : i32 to vector<16xi32>
      %eq3A_942 = arith.cmpi eq, %add3A_934, %eq3A_941 : vector<16xi32>
      %jit3A_943 = arith.constant 0.000000e+00 : f32
      %broadcast_in_dim3A_944 = vector.broadcast %add3A_905 : f32 to vector<16xf32>
      %broadcast_in_dim3A_945 = vector.broadcast %jit3A_943 : f32 to vector<16xf32>
      %select_n3A_946 = arith.select %eq3A_942, %broadcast_in_dim3A_944, %broadcast_in_dim3A_945 : vector<16xi1>, vector<16xf32>
      %add3A_947 = arith.addf %select_n3A_940, %select_n3A_946 : vector<16xf32>
      %div3A_948 = vector.broadcast %add3A_906 : f32 to vector<16xf32>
      %div3A_949 = arith.divf %add3A_947, %div3A_948 : vector<16xf32>
      %swap3A_950 = arith.constant 1 : i32
      %swap3A_951 = arith.index_cast %swap3A_950 : i32 to index
      %swap3A_952 = arith.constant 16 : index
      %swap3A_953 = tpu.vector_load %arg7[%swap3A_951, %swap3A_952] {strides = array<i32>} : memref<4x64xf32, #tpu.memory_space<vmem>>, vector<16xf32>,
      tpu.vector_store %arg7[%swap3A_951, %swap3A_952], %div3A_949 {strides = array<i32>} : memref<4x64xf32, #tpu.memory_space<vmem>>, vector<16xf32>,
      %max3A_954 = arith.maximumf %max3A_449, %div3A_949 : vector<16xf32>
      %iota3A_955 = tpu.iota {dimensions = array<i32: 0>} : vector<16xi32>
      %add3A_956 = arith.constant 32 : i32
      %add3A_957 = vector.broadcast %add3A_956 : i32 to vector<16xi32>
      %add3A_958 = arith.addi %iota3A_955, %add3A_957 : vector<16xi32>
      %eq3A_959 = vector.broadcast %select_n3A_670 : i32 to vector<16xi32>
      %eq3A_960 = arith.cmpi eq, %add3A_958, %eq3A_959 : vector<16xi32>
      %jit3A_961 = arith.constant 0.000000e+00 : f32
      %broadcast_in_dim3A_962 = vector.broadcast %add3A_895 : f32 to vector<16xf32>
      %broadcast_in_dim3A_963 = vector.broadcast %jit3A_961 : f32 to vector<16xf32>
      %select_n3A_964 = arith.select %eq3A_960, %broadcast_in_dim3A_962, %broadcast_in_dim3A_963 : vector<16xi1>, vector<16xf32>
      %eq3A_965 = vector.broadcast %select_n3A_807 : i32 to vector<16xi32>
      %eq3A_966 = arith.cmpi eq, %add3A_958, %eq3A_965 : vector<16xi32>
      %jit3A_967 = arith.constant 0.000000e+00 : f32
      %broadcast_in_dim3A_968 = vector.broadcast %add3A_905 : f32 to vector<16xf32>
      %broadcast_in_dim3A_969 = vector.broadcast %jit3A_967 : f32 to vector<16xf32>
      %select_n3A_970 = arith.select %eq3A_966, %broadcast_in_dim3A_968, %broadcast_in_dim3A_969 : vector<16xi1>, vector<16xf32>
      %add3A_971 = arith.addf %select_n3A_964, %select_n3A_970 : vector<16xf32>
      %div3A_972 = vector.broadcast %add3A_906 : f32 to vector<16xf32>
      %div3A_973 = arith.divf %add3A_971, %div3A_972 : vector<16xf32>
      %swap3A_974 = arith.constant 1 : i32
      %swap3A_975 = arith.index_cast %swap3A_974 : i32 to index
      %swap3A_976 = arith.constant 32 : index
      %swap3A_977 = tpu.vector_load %arg7[%swap3A_975, %swap3A_976] {strides = array<i32>} : memref<4x64xf32, #tpu.memory_space<vmem>>, vector<16xf32>,
      tpu.vector_store %arg7[%swap3A_975, %swap3A_976], %div3A_973 {strides = array<i32>} : memref<4x64xf32, #tpu.memory_space<vmem>>, vector<16xf32>,
      %max3A_978 = arith.maximumf %max3A_473, %div3A_973 : vector<16xf32>
      %iota3A_979 = tpu.iota {dimensions = array<i32: 0>} : vector<16xi32>
      %add3A_980 = arith.constant 48 : i32
      %add3A_981 = vector.broadcast %add3A_980 : i32 to vector<16xi32>
      %add3A_982 = arith.addi %iota3A_979, %add3A_981 : vector<16xi32>
      %eq3A_983 = vector.broadcast %select_n3A_670 : i32 to vector<16xi32>
      %eq3A_984 = arith.cmpi eq, %add3A_982, %eq3A_983 : vector<16xi32>
      %jit3A_985 = arith.constant 0.000000e+00 : f32
      %broadcast_in_dim3A_986 = vector.broadcast %add3A_895 : f32 to vector<16xf32>
      %broadcast_in_dim3A_987 = vector.broadcast %jit3A_985 : f32 to vector<16xf32>
      %select_n3A_988 = arith.select %eq3A_984, %broadcast_in_dim3A_986, %broadcast_in_dim3A_987 : vector<16xi1>, vector<16xf32>
      %eq3A_989 = vector.broadcast %select_n3A_807 : i32 to vector<16xi32>
      %eq3A_990 = arith.cmpi eq, %add3A_982, %eq3A_989 : vector<16xi32>
      %jit3A_991 = arith.constant 0.000000e+00 : f32
      %broadcast_in_dim3A_992 = vector.broadcast %add3A_905 : f32 to vector<16xf32>
      %broadcast_in_dim3A_993 = vector.broadcast %jit3A_991 : f32 to vector<16xf32>
      %select_n3A_994 = arith.select %eq3A_990, %broadcast_in_dim3A_992, %broadcast_in_dim3A_993 : vector<16xi1>, vector<16xf32>
      %add3A_995 = arith.addf %select_n3A_988, %select_n3A_994 : vector<16xf32>
      %div3A_996 = vector.broadcast %add3A_906 : f32 to vector<16xf32>
      %div3A_997 = arith.divf %add3A_995, %div3A_996 : vector<16xf32>
      %swap3A_998 = arith.constant 1 : i32
      %swap3A_999 = arith.index_cast %swap3A_998 : i32 to index
      %swap3A_1000 = arith.constant 48 : index
      %swap3A_1001 = tpu.vector_load %arg7[%swap3A_999, %swap3A_1000] {strides = array<i32>} : memref<4x64xf32, #tpu.memory_space<vmem>>, vector<16xf32>,
      tpu.vector_store %arg7[%swap3A_999, %swap3A_1000], %div3A_997 {strides = array<i32>} : memref<4x64xf32, #tpu.memory_space<vmem>>, vector<16xf32>,
      %max3A_1002 = arith.maximumf %max3A_497, %div3A_997 : vector<16xf32>
      %get3A_1003 = arith.constant 2 : i32
      %get3A_1004 = arith.index_cast %get3A_1003 : i32 to index
      %get3A_1005 = arith.constant 0 : index
      %get3A_1006 = tpu.vector_load %arg6[%get3A_1004, %get3A_1005] {strides = array<i32>} : memref<4x64xf32, #tpu.memory_space<vmem>>, vector<16xf32>,
      %neg3A_1007 = arith.constant 0.000000e+00 : f32
      %neg3A_1008 = vector.broadcast %neg3A_1007 : f32 to vector<16xf32>
      %neg3A_1009 = arith.subf %neg3A_1008, %get3A_1006 : vector<16xf32>
      %exp3A_1010 = math.exp %neg3A_1009 : vector<16xf32>
      %add3A_1011 = arith.constant 1.000000e+00 : f32
      %add3A_1012 = vector.broadcast %add3A_1011 : f32 to vector<16xf32>
      %add3A_1013 = arith.addf %add3A_1012, %exp3A_1010 : vector<16xf32>
      %div3A_1014 = arith.constant 1.000000e+00 : f32
      %div3A_1015 = vector.broadcast %div3A_1014 : f32 to vector<16xf32>
      %div3A_1016 = arith.divf %div3A_1015, %add3A_1013 : vector<16xf32>
      %get3A_1017 = arith.constant 0 : index
      %get3A_1018 = tpu.vector_load %arg8[%get3A_1017] {strides = array<i32>} : memref<64xf32, #tpu.memory_space<vmem>>, vector<16xf32>,
      %add3A_1019 = arith.addf %div3A_1016, %get3A_1018 : vector<16xf32>
      %iota3A_1020 = tpu.iota {dimensions = array<i32: 0>} : vector<16xi32>
      %add3A_1021 = arith.constant 0 : i32
      %add3A_1022 = vector.broadcast %add3A_1021 : i32 to vector<16xi32>
      %add3A_1023 = arith.addi %iota3A_1020, %add3A_1022 : vector<16xi32>
      %reduce_max3A_1024 = arith.constant true
      %reduce_max3A_1025 = vector.broadcast %reduce_max3A_1024 : i1 to vector<16xi1>
      %reduce_max3A_1026 = tpu.scan <max>, %add3A_1019 masked %reduce_max3A_1025 : vector<16xf32>, vector<16xi1> -> vector<16xf32>
      %reduce_max3A_1027 = vector.extract %reduce_max3A_1026[15] : f32 from vector<16xf32>
      %eq3A_1028 = vector.broadcast %reduce_max3A_1027 : f32 to vector<16xf32>
      %eq3A_1029 = arith.cmpf oeq, %add3A_1019, %eq3A_1028 : vector<16xf32>
      %jit3A_1030 = arith.constant 64 : i32
      %broadcast_in_dim3A_1031 = vector.broadcast %jit3A_1030 : i32 to vector<16xi32>
      %select_n3A_1032 = arith.select %eq3A_1029, %add3A_1023, %broadcast_in_dim3A_1031 : vector<16xi1>, vector<16xi32>
      %reduce_min3A_1033 = arith.constant true
      %reduce_min3A_1034 = vector.broadcast %reduce_min3A_1033 : i1 to vector<16xi1>
      %reduce_min3A_1035 = arith.constant -2147483648 : i32
      %reduce_min3A_1036 = vector.broadcast %reduce_min3A_1035 : i32 to vector<16xi32>
      %reduce_min3A_1037 = arith.xori %select_n3A_1032, %reduce_min3A_1036 : vector<16xi32>
      %reduce_min3A_1038 = tpu.scan <min>, %reduce_min3A_1037 masked %reduce_min3A_1034 : vector<16xi32>, vector<16xi1> -> vector<16xi32>
      %reduce_min3A_1039 = arith.xori %reduce_min3A_1038, %reduce_min3A_1036 : vector<16xi32>
      %reduce_min3A_1040 = vector.extract %reduce_min3A_1039[15] : i32 from vector<16xi32>
      %get3A_1041 = arith.constant 2 : i32
      %get3A_1042 = arith.index_cast %get3A_1041 : i32 to index
      %get3A_1043 = arith.constant 16 : index
      %get3A_1044 = tpu.vector_load %arg6[%get3A_1042, %get3A_1043] {strides = array<i32>} : memref<4x64xf32, #tpu.memory_space<vmem>>, vector<16xf32>,
      %neg3A_1045 = arith.constant 0.000000e+00 : f32
      %neg3A_1046 = vector.broadcast %neg3A_1045 : f32 to vector<16xf32>
      %neg3A_1047 = arith.subf %neg3A_1046, %get3A_1044 : vector<16xf32>
      %exp3A_1048 = math.exp %neg3A_1047 : vector<16xf32>
      %add3A_1049 = arith.constant 1.000000e+00 : f32
      %add3A_1050 = vector.broadcast %add3A_1049 : f32 to vector<16xf32>
      %add3A_1051 = arith.addf %add3A_1050, %exp3A_1048 : vector<16xf32>
      %div3A_1052 = arith.constant 1.000000e+00 : f32
      %div3A_1053 = vector.broadcast %div3A_1052 : f32 to vector<16xf32>
      %div3A_1054 = arith.divf %div3A_1053, %add3A_1051 : vector<16xf32>
      %get3A_1055 = arith.constant 16 : index
      %get3A_1056 = tpu.vector_load %arg8[%get3A_1055] {strides = array<i32>} : memref<64xf32, #tpu.memory_space<vmem>>, vector<16xf32>,
      %add3A_1057 = arith.addf %div3A_1054, %get3A_1056 : vector<16xf32>
      %iota3A_1058 = tpu.iota {dimensions = array<i32: 0>} : vector<16xi32>
      %add3A_1059 = arith.constant 16 : i32
      %add3A_1060 = vector.broadcast %add3A_1059 : i32 to vector<16xi32>
      %add3A_1061 = arith.addi %iota3A_1058, %add3A_1060 : vector<16xi32>
      %reduce_max3A_1062 = arith.constant true
      %reduce_max3A_1063 = vector.broadcast %reduce_max3A_1062 : i1 to vector<16xi1>
      %reduce_max3A_1064 = tpu.scan <max>, %add3A_1057 masked %reduce_max3A_1063 : vector<16xf32>, vector<16xi1> -> vector<16xf32>
      %reduce_max3A_1065 = vector.extract %reduce_max3A_1064[15] : f32 from vector<16xf32>
      %eq3A_1066 = vector.broadcast %reduce_max3A_1065 : f32 to vector<16xf32>
      %eq3A_1067 = arith.cmpf oeq, %add3A_1057, %eq3A_1066 : vector<16xf32>
      %jit3A_1068 = arith.constant 64 : i32
      %broadcast_in_dim3A_1069 = vector.broadcast %jit3A_1068 : i32 to vector<16xi32>
      %select_n3A_1070 = arith.select %eq3A_1067, %add3A_1061, %broadcast_in_dim3A_1069 : vector<16xi1>, vector<16xi32>
      %reduce_min3A_1071 = arith.constant true
      %reduce_min3A_1072 = vector.broadcast %reduce_min3A_1071 : i1 to vector<16xi1>
      %reduce_min3A_1073 = arith.constant -2147483648 : i32
      %reduce_min3A_1074 = vector.broadcast %reduce_min3A_1073 : i32 to vector<16xi32>
      %reduce_min3A_1075 = arith.xori %select_n3A_1070, %reduce_min3A_1074 : vector<16xi32>
      %reduce_min3A_1076 = tpu.scan <min>, %reduce_min3A_1075 masked %reduce_min3A_1072 : vector<16xi32>, vector<16xi1> -> vector<16xi32>
      %reduce_min3A_1077 = arith.xori %reduce_min3A_1076, %reduce_min3A_1074 : vector<16xi32>
      %reduce_min3A_1078 = vector.extract %reduce_min3A_1077[15] : i32 from vector<16xi32>
      %get3A_1079 = arith.constant 2 : i32
      %get3A_1080 = arith.index_cast %get3A_1079 : i32 to index
      %get3A_1081 = arith.constant 32 : index
      %get3A_1082 = tpu.vector_load %arg6[%get3A_1080, %get3A_1081] {strides = array<i32>} : memref<4x64xf32, #tpu.memory_space<vmem>>, vector<16xf32>,
      %neg3A_1083 = arith.constant 0.000000e+00 : f32
      %neg3A_1084 = vector.broadcast %neg3A_1083 : f32 to vector<16xf32>
      %neg3A_1085 = arith.subf %neg3A_1084, %get3A_1082 : vector<16xf32>
      %exp3A_1086 = math.exp %neg3A_1085 : vector<16xf32>
      %add3A_1087 = arith.constant 1.000000e+00 : f32
      %add3A_1088 = vector.broadcast %add3A_1087 : f32 to vector<16xf32>
      %add3A_1089 = arith.addf %add3A_1088, %exp3A_1086 : vector<16xf32>
      %div3A_1090 = arith.constant 1.000000e+00 : f32
      %div3A_1091 = vector.broadcast %div3A_1090 : f32 to vector<16xf32>
      %div3A_1092 = arith.divf %div3A_1091, %add3A_1089 : vector<16xf32>
      %get3A_1093 = arith.constant 32 : index
      %get3A_1094 = tpu.vector_load %arg8[%get3A_1093] {strides = array<i32>} : memref<64xf32, #tpu.memory_space<vmem>>, vector<16xf32>,
      %add3A_1095 = arith.addf %div3A_1092, %get3A_1094 : vector<16xf32>
      %iota3A_1096 = tpu.iota {dimensions = array<i32: 0>} : vector<16xi32>
      %add3A_1097 = arith.constant 32 : i32
      %add3A_1098 = vector.broadcast %add3A_1097 : i32 to vector<16xi32>
      %add3A_1099 = arith.addi %iota3A_1096, %add3A_1098 : vector<16xi32>
      %reduce_max3A_1100 = arith.constant true
      %reduce_max3A_1101 = vector.broadcast %reduce_max3A_1100 : i1 to vector<16xi1>
      %reduce_max3A_1102 = tpu.scan <max>, %add3A_1095 masked %reduce_max3A_1101 : vector<16xf32>, vector<16xi1> -> vector<16xf32>
      %reduce_max3A_1103 = vector.extract %reduce_max3A_1102[15] : f32 from vector<16xf32>
      %eq3A_1104 = vector.broadcast %reduce_max3A_1103 : f32 to vector<16xf32>
      %eq3A_1105 = arith.cmpf oeq, %add3A_1095, %eq3A_1104 : vector<16xf32>
      %jit3A_1106 = arith.constant 64 : i32
      %broadcast_in_dim3A_1107 = vector.broadcast %jit3A_1106 : i32 to vector<16xi32>
      %select_n3A_1108 = arith.select %eq3A_1105, %add3A_1099, %broadcast_in_dim3A_1107 : vector<16xi1>, vector<16xi32>
      %reduce_min3A_1109 = arith.constant true
      %reduce_min3A_1110 = vector.broadcast %reduce_min3A_1109 : i1 to vector<16xi1>
      %reduce_min3A_1111 = arith.constant -2147483648 : i32
      %reduce_min3A_1112 = vector.broadcast %reduce_min3A_1111 : i32 to vector<16xi32>
      %reduce_min3A_1113 = arith.xori %select_n3A_1108, %reduce_min3A_1112 : vector<16xi32>
      %reduce_min3A_1114 = tpu.scan <min>, %reduce_min3A_1113 masked %reduce_min3A_1110 : vector<16xi32>, vector<16xi1> -> vector<16xi32>
      %reduce_min3A_1115 = arith.xori %reduce_min3A_1114, %reduce_min3A_1112 : vector<16xi32>
      %reduce_min3A_1116 = vector.extract %reduce_min3A_1115[15] : i32 from vector<16xi32>
      %get3A_1117 = arith.constant 2 : i32
      %get3A_1118 = arith.index_cast %get3A_1117 : i32 to index
      %get3A_1119 = arith.constant 48 : index
      %get3A_1120 = tpu.vector_load %arg6[%get3A_1118, %get3A_1119] {strides = array<i32>} : memref<4x64xf32, #tpu.memory_space<vmem>>, vector<16xf32>,
      %neg3A_1121 = arith.constant 0.000000e+00 : f32
      %neg3A_1122 = vector.broadcast %neg3A_1121 : f32 to vector<16xf32>
      %neg3A_1123 = arith.subf %neg3A_1122, %get3A_1120 : vector<16xf32>
      %exp3A_1124 = math.exp %neg3A_1123 : vector<16xf32>
      %add3A_1125 = arith.constant 1.000000e+00 : f32
      %add3A_1126 = vector.broadcast %add3A_1125 : f32 to vector<16xf32>
      %add3A_1127 = arith.addf %add3A_1126, %exp3A_1124 : vector<16xf32>
      %div3A_1128 = arith.constant 1.000000e+00 : f32
      %div3A_1129 = vector.broadcast %div3A_1128 : f32 to vector<16xf32>
      %div3A_1130 = arith.divf %div3A_1129, %add3A_1127 : vector<16xf32>
      %get3A_1131 = arith.constant 48 : index
      %get3A_1132 = tpu.vector_load %arg8[%get3A_1131] {strides = array<i32>} : memref<64xf32, #tpu.memory_space<vmem>>, vector<16xf32>,
      %add3A_1133 = arith.addf %div3A_1130, %get3A_1132 : vector<16xf32>
      %iota3A_1134 = tpu.iota {dimensions = array<i32: 0>} : vector<16xi32>
      %add3A_1135 = arith.constant 48 : i32
      %add3A_1136 = vector.broadcast %add3A_1135 : i32 to vector<16xi32>
      %add3A_1137 = arith.addi %iota3A_1134, %add3A_1136 : vector<16xi32>
      %reduce_max3A_1138 = arith.constant true
      %reduce_max3A_1139 = vector.broadcast %reduce_max3A_1138 : i1 to vector<16xi1>
      %reduce_max3A_1140 = tpu.scan <max>, %add3A_1133 masked %reduce_max3A_1139 : vector<16xf32>, vector<16xi1> -> vector<16xf32>
      %reduce_max3A_1141 = vector.extract %reduce_max3A_1140[15] : f32 from vector<16xf32>
      %eq3A_1142 = vector.broadcast %reduce_max3A_1141 : f32 to vector<16xf32>
      %eq3A_1143 = arith.cmpf oeq, %add3A_1133, %eq3A_1142 : vector<16xf32>
      %jit3A_1144 = arith.constant 64 : i32
      %broadcast_in_dim3A_1145 = vector.broadcast %jit3A_1144 : i32 to vector<16xi32>
      %select_n3A_1146 = arith.select %eq3A_1143, %add3A_1137, %broadcast_in_dim3A_1145 : vector<16xi1>, vector<16xi32>
      %reduce_min3A_1147 = arith.constant true
      %reduce_min3A_1148 = vector.broadcast %reduce_min3A_1147 : i1 to vector<16xi1>
      %reduce_min3A_1149 = arith.constant -2147483648 : i32
      %reduce_min3A_1150 = vector.broadcast %reduce_min3A_1149 : i32 to vector<16xi32>
      %reduce_min3A_1151 = arith.xori %select_n3A_1146, %reduce_min3A_1150 : vector<16xi32>
      %reduce_min3A_1152 = tpu.scan <min>, %reduce_min3A_1151 masked %reduce_min3A_1148 : vector<16xi32>, vector<16xi1> -> vector<16xi32>
      %reduce_min3A_1153 = arith.xori %reduce_min3A_1152, %reduce_min3A_1150 : vector<16xi32>
      %reduce_min3A_1154 = vector.extract %reduce_min3A_1153[15] : i32 from vector<16xi32>
      %gt3A_1155 = arith.cmpf ogt, %reduce_max3A_1065, %reduce_max3A_1027 : f32
      %eq3A_1156 = arith.cmpf oeq, %reduce_max3A_1065, %reduce_max3A_1027 : f32
      %lt3A_1157 = arith.cmpi slt, %reduce_min3A_1078, %reduce_min3A_1040 : i32
      %and3A_1158 = arith.andi %eq3A_1156, %lt3A_1157 : i1
      %or3A_1159 = arith.ori %gt3A_1155, %and3A_1158 : i1
      %select_n3A_1160 = arith.select %or3A_1159, %reduce_max3A_1065, %reduce_max3A_1027 : f32
      %select_n3A_1161 = arith.select %or3A_1159, %reduce_min3A_1078, %reduce_min3A_1040 : i32
      %gt3A_1162 = arith.cmpf ogt, %reduce_max3A_1103, %select_n3A_1160 : f32
      %eq3A_1163 = arith.cmpf oeq, %reduce_max3A_1103, %select_n3A_1160 : f32
      %lt3A_1164 = arith.cmpi slt, %reduce_min3A_1116, %select_n3A_1161 : i32
      %and3A_1165 = arith.andi %eq3A_1163, %lt3A_1164 : i1
      %or3A_1166 = arith.ori %gt3A_1162, %and3A_1165 : i1
      %select_n3A_1167 = arith.select %or3A_1166, %reduce_max3A_1103, %select_n3A_1160 : f32
      %select_n3A_1168 = arith.select %or3A_1166, %reduce_min3A_1116, %select_n3A_1161 : i32
      %gt3A_1169 = arith.cmpf ogt, %reduce_max3A_1141, %select_n3A_1167 : f32
      %eq3A_1170 = arith.cmpf oeq, %reduce_max3A_1141, %select_n3A_1167 : f32
      %lt3A_1171 = arith.cmpi slt, %reduce_min3A_1154, %select_n3A_1168 : i32
      %and3A_1172 = arith.andi %eq3A_1170, %lt3A_1171 : i1
      %or3A_1173 = arith.ori %gt3A_1169, %and3A_1172 : i1
      %select_n3A_1174 = arith.select %or3A_1173, %reduce_max3A_1141, %select_n3A_1167 : f32
      %select_n3A_1175 = arith.select %or3A_1173, %reduce_min3A_1154, %select_n3A_1168 : i32
      %iota3A_1176 = tpu.iota {dimensions = array<i32: 0>} : vector<16xi32>
      %add3A_1177 = arith.constant 0 : i32
      %add3A_1178 = vector.broadcast %add3A_1177 : i32 to vector<16xi32>
      %add3A_1179 = arith.addi %iota3A_1176, %add3A_1178 : vector<16xi32>
      %eq3A_1180 = vector.broadcast %select_n3A_1175 : i32 to vector<16xi32>
      %eq3A_1181 = arith.cmpi eq, %add3A_1179, %eq3A_1180 : vector<16xi32>
      %jit3A_1182 = arith.constant -3.000000e+38 : f32
      %broadcast_in_dim3A_1183 = vector.broadcast %jit3A_1182 : f32 to vector<16xf32>
      %select_n3A_1184 = arith.select %eq3A_1181, %broadcast_in_dim3A_1183, %add3A_1019 : vector<16xi1>, vector<16xf32>
      %reduce_max3A_1185 = arith.constant true
      %reduce_max3A_1186 = vector.broadcast %reduce_max3A_1185 : i1 to vector<16xi1>
      %reduce_max3A_1187 = tpu.scan <max>, %select_n3A_1184 masked %reduce_max3A_1186 : vector<16xf32>, vector<16xi1> -> vector<16xf32>
      %reduce_max3A_1188 = vector.extract %reduce_max3A_1187[15] : f32 from vector<16xf32>
      %eq3A_1189 = vector.broadcast %reduce_max3A_1188 : f32 to vector<16xf32>
      %eq3A_1190 = arith.cmpf oeq, %select_n3A_1184, %eq3A_1189 : vector<16xf32>
      %jit3A_1191 = arith.constant 64 : i32
      %broadcast_in_dim3A_1192 = vector.broadcast %jit3A_1191 : i32 to vector<16xi32>
      %select_n3A_1193 = arith.select %eq3A_1190, %add3A_1179, %broadcast_in_dim3A_1192 : vector<16xi1>, vector<16xi32>
      %reduce_min3A_1194 = arith.constant true
      %reduce_min3A_1195 = vector.broadcast %reduce_min3A_1194 : i1 to vector<16xi1>
      %reduce_min3A_1196 = arith.constant -2147483648 : i32
      %reduce_min3A_1197 = vector.broadcast %reduce_min3A_1196 : i32 to vector<16xi32>
      %reduce_min3A_1198 = arith.xori %select_n3A_1193, %reduce_min3A_1197 : vector<16xi32>
      %reduce_min3A_1199 = tpu.scan <min>, %reduce_min3A_1198 masked %reduce_min3A_1195 : vector<16xi32>, vector<16xi1> -> vector<16xi32>
      %reduce_min3A_1200 = arith.xori %reduce_min3A_1199, %reduce_min3A_1197 : vector<16xi32>
      %reduce_min3A_1201 = vector.extract %reduce_min3A_1200[15] : i32 from vector<16xi32>
      %gt3A_1202 = arith.constant -3.000000e+38 : f32
      %gt3A_1203 = arith.cmpf ogt, %reduce_max3A_1188, %gt3A_1202 : f32
      %eq3A_1204 = arith.constant -3.000000e+38 : f32
      %eq3A_1205 = arith.cmpf oeq, %reduce_max3A_1188, %eq3A_1204 : f32
      %lt3A_1206 = arith.constant 64 : i32
      %lt3A_1207 = arith.cmpi slt, %reduce_min3A_1201, %lt3A_1206 : i32
      %and3A_1208 = arith.andi %eq3A_1205, %lt3A_1207 : i1
      %or3A_1209 = arith.ori %gt3A_1203, %and3A_1208 : i1
      %jit3A_1210 = arith.constant -3.000000e+38 : f32
      %select_n3A_1211 = arith.select %or3A_1209, %reduce_max3A_1188, %jit3A_1210 : f32
      %jit3A_1212 = arith.constant 64 : i32
      %select_n3A_1213 = arith.select %or3A_1209, %reduce_min3A_1201, %jit3A_1212 : i32
      %iota3A_1214 = tpu.iota {dimensions = array<i32: 0>} : vector<16xi32>
      %add3A_1215 = arith.constant 16 : i32
      %add3A_1216 = vector.broadcast %add3A_1215 : i32 to vector<16xi32>
      %add3A_1217 = arith.addi %iota3A_1214, %add3A_1216 : vector<16xi32>
      %eq3A_1218 = vector.broadcast %select_n3A_1175 : i32 to vector<16xi32>
      %eq3A_1219 = arith.cmpi eq, %add3A_1217, %eq3A_1218 : vector<16xi32>
      %jit3A_1220 = arith.constant -3.000000e+38 : f32
      %broadcast_in_dim3A_1221 = vector.broadcast %jit3A_1220 : f32 to vector<16xf32>
      %select_n3A_1222 = arith.select %eq3A_1219, %broadcast_in_dim3A_1221, %add3A_1057 : vector<16xi1>, vector<16xf32>
      %reduce_max3A_1223 = arith.constant true
      %reduce_max3A_1224 = vector.broadcast %reduce_max3A_1223 : i1 to vector<16xi1>
      %reduce_max3A_1225 = tpu.scan <max>, %select_n3A_1222 masked %reduce_max3A_1224 : vector<16xf32>, vector<16xi1> -> vector<16xf32>
      %reduce_max3A_1226 = vector.extract %reduce_max3A_1225[15] : f32 from vector<16xf32>
      %eq3A_1227 = vector.broadcast %reduce_max3A_1226 : f32 to vector<16xf32>
      %eq3A_1228 = arith.cmpf oeq, %select_n3A_1222, %eq3A_1227 : vector<16xf32>
      %jit3A_1229 = arith.constant 64 : i32
      %broadcast_in_dim3A_1230 = vector.broadcast %jit3A_1229 : i32 to vector<16xi32>
      %select_n3A_1231 = arith.select %eq3A_1228, %add3A_1217, %broadcast_in_dim3A_1230 : vector<16xi1>, vector<16xi32>
      %reduce_min3A_1232 = arith.constant true
      %reduce_min3A_1233 = vector.broadcast %reduce_min3A_1232 : i1 to vector<16xi1>
      %reduce_min3A_1234 = arith.constant -2147483648 : i32
      %reduce_min3A_1235 = vector.broadcast %reduce_min3A_1234 : i32 to vector<16xi32>
      %reduce_min3A_1236 = arith.xori %select_n3A_1231, %reduce_min3A_1235 : vector<16xi32>
      %reduce_min3A_1237 = tpu.scan <min>, %reduce_min3A_1236 masked %reduce_min3A_1233 : vector<16xi32>, vector<16xi1> -> vector<16xi32>
      %reduce_min3A_1238 = arith.xori %reduce_min3A_1237, %reduce_min3A_1235 : vector<16xi32>
      %reduce_min3A_1239 = vector.extract %reduce_min3A_1238[15] : i32 from vector<16xi32>
      %gt3A_1240 = arith.cmpf ogt, %reduce_max3A_1226, %select_n3A_1211 : f32
      %eq3A_1241 = arith.cmpf oeq, %reduce_max3A_1226, %select_n3A_1211 : f32
      %lt3A_1242 = arith.cmpi slt, %reduce_min3A_1239, %select_n3A_1213 : i32
      %and3A_1243 = arith.andi %eq3A_1241, %lt3A_1242 : i1
      %or3A_1244 = arith.ori %gt3A_1240, %and3A_1243 : i1
      %select_n3A_1245 = arith.select %or3A_1244, %reduce_max3A_1226, %select_n3A_1211 : f32
      %select_n3A_1246 = arith.select %or3A_1244, %reduce_min3A_1239, %select_n3A_1213 : i32
      %iota3A_1247 = tpu.iota {dimensions = array<i32: 0>} : vector<16xi32>
      %add3A_1248 = arith.constant 32 : i32
      %add3A_1249 = vector.broadcast %add3A_1248 : i32 to vector<16xi32>
      %add3A_1250 = arith.addi %iota3A_1247, %add3A_1249 : vector<16xi32>
      %eq3A_1251 = vector.broadcast %select_n3A_1175 : i32 to vector<16xi32>
      %eq3A_1252 = arith.cmpi eq, %add3A_1250, %eq3A_1251 : vector<16xi32>
      %jit3A_1253 = arith.constant -3.000000e+38 : f32
      %broadcast_in_dim3A_1254 = vector.broadcast %jit3A_1253 : f32 to vector<16xf32>
      %select_n3A_1255 = arith.select %eq3A_1252, %broadcast_in_dim3A_1254, %add3A_1095 : vector<16xi1>, vector<16xf32>
      %reduce_max3A_1256 = arith.constant true
      %reduce_max3A_1257 = vector.broadcast %reduce_max3A_1256 : i1 to vector<16xi1>
      %reduce_max3A_1258 = tpu.scan <max>, %select_n3A_1255 masked %reduce_max3A_1257 : vector<16xf32>, vector<16xi1> -> vector<16xf32>
      %reduce_max3A_1259 = vector.extract %reduce_max3A_1258[15] : f32 from vector<16xf32>
      %eq3A_1260 = vector.broadcast %reduce_max3A_1259 : f32 to vector<16xf32>
      %eq3A_1261 = arith.cmpf oeq, %select_n3A_1255, %eq3A_1260 : vector<16xf32>
      %jit3A_1262 = arith.constant 64 : i32
      %broadcast_in_dim3A_1263 = vector.broadcast %jit3A_1262 : i32 to vector<16xi32>
      %select_n3A_1264 = arith.select %eq3A_1261, %add3A_1250, %broadcast_in_dim3A_1263 : vector<16xi1>, vector<16xi32>
      %reduce_min3A_1265 = arith.constant true
      %reduce_min3A_1266 = vector.broadcast %reduce_min3A_1265 : i1 to vector<16xi1>
      %reduce_min3A_1267 = arith.constant -2147483648 : i32
      %reduce_min3A_1268 = vector.broadcast %reduce_min3A_1267 : i32 to vector<16xi32>
      %reduce_min3A_1269 = arith.xori %select_n3A_1264, %reduce_min3A_1268 : vector<16xi32>
      %reduce_min3A_1270 = tpu.scan <min>, %reduce_min3A_1269 masked %reduce_min3A_1266 : vector<16xi32>, vector<16xi1> -> vector<16xi32>
      %reduce_min3A_1271 = arith.xori %reduce_min3A_1270, %reduce_min3A_1268 : vector<16xi32>
      %reduce_min3A_1272 = vector.extract %reduce_min3A_1271[15] : i32 from vector<16xi32>
      %gt3A_1273 = arith.cmpf ogt, %reduce_max3A_1259, %select_n3A_1245 : f32
      %eq3A_1274 = arith.cmpf oeq, %reduce_max3A_1259, %select_n3A_1245 : f32
      %lt3A_1275 = arith.cmpi slt, %reduce_min3A_1272, %select_n3A_1246 : i32
      %and3A_1276 = arith.andi %eq3A_1274, %lt3A_1275 : i1
      %or3A_1277 = arith.ori %gt3A_1273, %and3A_1276 : i1
      %select_n3A_1278 = arith.select %or3A_1277, %reduce_max3A_1259, %select_n3A_1245 : f32
      %select_n3A_1279 = arith.select %or3A_1277, %reduce_min3A_1272, %select_n3A_1246 : i32
      %iota3A_1280 = tpu.iota {dimensions = array<i32: 0>} : vector<16xi32>
      %add3A_1281 = arith.constant 48 : i32
      %add3A_1282 = vector.broadcast %add3A_1281 : i32 to vector<16xi32>
      %add3A_1283 = arith.addi %iota3A_1280, %add3A_1282 : vector<16xi32>
      %eq3A_1284 = vector.broadcast %select_n3A_1175 : i32 to vector<16xi32>
      %eq3A_1285 = arith.cmpi eq, %add3A_1283, %eq3A_1284 : vector<16xi32>
      %jit3A_1286 = arith.constant -3.000000e+38 : f32
      %broadcast_in_dim3A_1287 = vector.broadcast %jit3A_1286 : f32 to vector<16xf32>
      %select_n3A_1288 = arith.select %eq3A_1285, %broadcast_in_dim3A_1287, %add3A_1133 : vector<16xi1>, vector<16xf32>
      %reduce_max3A_1289 = arith.constant true
      %reduce_max3A_1290 = vector.broadcast %reduce_max3A_1289 : i1 to vector<16xi1>
      %reduce_max3A_1291 = tpu.scan <max>, %select_n3A_1288 masked %reduce_max3A_1290 : vector<16xf32>, vector<16xi1> -> vector<16xf32>
      %reduce_max3A_1292 = vector.extract %reduce_max3A_1291[15] : f32 from vector<16xf32>
      %eq3A_1293 = vector.broadcast %reduce_max3A_1292 : f32 to vector<16xf32>
      %eq3A_1294 = arith.cmpf oeq, %select_n3A_1288, %eq3A_1293 : vector<16xf32>
      %jit3A_1295 = arith.constant 64 : i32
      %broadcast_in_dim3A_1296 = vector.broadcast %jit3A_1295 : i32 to vector<16xi32>
      %select_n3A_1297 = arith.select %eq3A_1294, %add3A_1283, %broadcast_in_dim3A_1296 : vector<16xi1>, vector<16xi32>
      %reduce_min3A_1298 = arith.constant true
      %reduce_min3A_1299 = vector.broadcast %reduce_min3A_1298 : i1 to vector<16xi1>
      %reduce_min3A_1300 = arith.constant -2147483648 : i32
      %reduce_min3A_1301 = vector.broadcast %reduce_min3A_1300 : i32 to vector<16xi32>
      %reduce_min3A_1302 = arith.xori %select_n3A_1297, %reduce_min3A_1301 : vector<16xi32>
      %reduce_min3A_1303 = tpu.scan <min>, %reduce_min3A_1302 masked %reduce_min3A_1299 : vector<16xi32>, vector<16xi1> -> vector<16xi32>
      %reduce_min3A_1304 = arith.xori %reduce_min3A_1303, %reduce_min3A_1301 : vector<16xi32>
      %reduce_min3A_1305 = vector.extract %reduce_min3A_1304[15] : i32 from vector<16xi32>
      %gt3A_1306 = arith.cmpf ogt, %reduce_max3A_1292, %select_n3A_1278 : f32
      %eq3A_1307 = arith.cmpf oeq, %reduce_max3A_1292, %select_n3A_1278 : f32
      %lt3A_1308 = arith.cmpi slt, %reduce_min3A_1305, %select_n3A_1279 : i32
      %and3A_1309 = arith.andi %eq3A_1307, %lt3A_1308 : i1
      %or3A_1310 = arith.ori %gt3A_1306, %and3A_1309 : i1
      %select_n3A_1311 = arith.select %or3A_1310, %reduce_max3A_1292, %select_n3A_1278 : f32
      %select_n3A_1312 = arith.select %or3A_1310, %reduce_min3A_1305, %select_n3A_1279 : i32
      %iota3A_1313 = tpu.iota {dimensions = array<i32: 0>} : vector<16xi32>
      %add3A_1314 = arith.constant 0 : i32
      %add3A_1315 = vector.broadcast %add3A_1314 : i32 to vector<16xi32>
      %add3A_1316 = arith.addi %iota3A_1313, %add3A_1315 : vector<16xi32>
      %eq3A_1317 = vector.broadcast %select_n3A_1175 : i32 to vector<16xi32>
      %eq3A_1318 = arith.cmpi eq, %add3A_1316, %eq3A_1317 : vector<16xi32>
      %jit3A_1319 = arith.constant 0.000000e+00 : f32
      %broadcast_in_dim3A_1320 = vector.broadcast %jit3A_1319 : f32 to vector<16xf32>
      %select_n3A_1321 = arith.select %eq3A_1318, %div3A_1016, %broadcast_in_dim3A_1320 : vector<16xi1>, vector<16xf32>
      %reduce_sum3A_1322 = arith.constant true
      %reduce_sum3A_1323 = vector.broadcast %reduce_sum3A_1322 : i1 to vector<16xi1>
      %reduce_sum3A_1324 = tpu.scan <sum>, %select_n3A_1321 masked %reduce_sum3A_1323 : vector<16xf32>, vector<16xi1> -> vector<16xf32>
      %reduce_sum3A_1325 = vector.extract %reduce_sum3A_1324[15] : f32 from vector<16xf32>
      %add3A_1326 = arith.constant 0.000000e+00 : f32
      %add3A_1327 = arith.addf %add3A_1326, %reduce_sum3A_1325 : f32
      %eq3A_1328 = vector.broadcast %select_n3A_1312 : i32 to vector<16xi32>
      %eq3A_1329 = arith.cmpi eq, %add3A_1316, %eq3A_1328 : vector<16xi32>
      %jit3A_1330 = arith.constant 0.000000e+00 : f32
      %broadcast_in_dim3A_1331 = vector.broadcast %jit3A_1330 : f32 to vector<16xf32>
      %select_n3A_1332 = arith.select %eq3A_1329, %div3A_1016, %broadcast_in_dim3A_1331 : vector<16xi1>, vector<16xf32>
      %reduce_sum3A_1333 = arith.constant true
      %reduce_sum3A_1334 = vector.broadcast %reduce_sum3A_1333 : i1 to vector<16xi1>
      %reduce_sum3A_1335 = tpu.scan <sum>, %select_n3A_1332 masked %reduce_sum3A_1334 : vector<16xf32>, vector<16xi1> -> vector<16xf32>
      %reduce_sum3A_1336 = vector.extract %reduce_sum3A_1335[15] : f32 from vector<16xf32>
      %add3A_1337 = arith.constant 0.000000e+00 : f32
      %add3A_1338 = arith.addf %add3A_1337, %reduce_sum3A_1336 : f32
      %iota3A_1339 = tpu.iota {dimensions = array<i32: 0>} : vector<16xi32>
      %add3A_1340 = arith.constant 16 : i32
      %add3A_1341 = vector.broadcast %add3A_1340 : i32 to vector<16xi32>
      %add3A_1342 = arith.addi %iota3A_1339, %add3A_1341 : vector<16xi32>
      %eq3A_1343 = vector.broadcast %select_n3A_1175 : i32 to vector<16xi32>
      %eq3A_1344 = arith.cmpi eq, %add3A_1342, %eq3A_1343 : vector<16xi32>
      %jit3A_1345 = arith.constant 0.000000e+00 : f32
      %broadcast_in_dim3A_1346 = vector.broadcast %jit3A_1345 : f32 to vector<16xf32>
      %select_n3A_1347 = arith.select %eq3A_1344, %div3A_1054, %broadcast_in_dim3A_1346 : vector<16xi1>, vector<16xf32>
      %reduce_sum3A_1348 = arith.constant true
      %reduce_sum3A_1349 = vector.broadcast %reduce_sum3A_1348 : i1 to vector<16xi1>
      %reduce_sum3A_1350 = tpu.scan <sum>, %select_n3A_1347 masked %reduce_sum3A_1349 : vector<16xf32>, vector<16xi1> -> vector<16xf32>
      %reduce_sum3A_1351 = vector.extract %reduce_sum3A_1350[15] : f32 from vector<16xf32>
      %add3A_1352 = arith.addf %add3A_1327, %reduce_sum3A_1351 : f32
      %eq3A_1353 = vector.broadcast %select_n3A_1312 : i32 to vector<16xi32>
      %eq3A_1354 = arith.cmpi eq, %add3A_1342, %eq3A_1353 : vector<16xi32>
      %jit3A_1355 = arith.constant 0.000000e+00 : f32
      %broadcast_in_dim3A_1356 = vector.broadcast %jit3A_1355 : f32 to vector<16xf32>
      %select_n3A_1357 = arith.select %eq3A_1354, %div3A_1054, %broadcast_in_dim3A_1356 : vector<16xi1>, vector<16xf32>
      %reduce_sum3A_1358 = arith.constant true
      %reduce_sum3A_1359 = vector.broadcast %reduce_sum3A_1358 : i1 to vector<16xi1>
      %reduce_sum3A_1360 = tpu.scan <sum>, %select_n3A_1357 masked %reduce_sum3A_1359 : vector<16xf32>, vector<16xi1> -> vector<16xf32>
      %reduce_sum3A_1361 = vector.extract %reduce_sum3A_1360[15] : f32 from vector<16xf32>
      %add3A_1362 = arith.addf %add3A_1338, %reduce_sum3A_1361 : f32
      %iota3A_1363 = tpu.iota {dimensions = array<i32: 0>} : vector<16xi32>
      %add3A_1364 = arith.constant 32 : i32
      %add3A_1365 = vector.broadcast %add3A_1364 : i32 to vector<16xi32>
      %add3A_1366 = arith.addi %iota3A_1363, %add3A_1365 : vector<16xi32>
      %eq3A_1367 = vector.broadcast %select_n3A_1175 : i32 to vector<16xi32>
      %eq3A_1368 = arith.cmpi eq, %add3A_1366, %eq3A_1367 : vector<16xi32>
      %jit3A_1369 = arith.constant 0.000000e+00 : f32
      %broadcast_in_dim3A_1370 = vector.broadcast %jit3A_1369 : f32 to vector<16xf32>
      %select_n3A_1371 = arith.select %eq3A_1368, %div3A_1092, %broadcast_in_dim3A_1370 : vector<16xi1>, vector<16xf32>
      %reduce_sum3A_1372 = arith.constant true
      %reduce_sum3A_1373 = vector.broadcast %reduce_sum3A_1372 : i1 to vector<16xi1>
      %reduce_sum3A_1374 = tpu.scan <sum>, %select_n3A_1371 masked %reduce_sum3A_1373 : vector<16xf32>, vector<16xi1> -> vector<16xf32>
      %reduce_sum3A_1375 = vector.extract %reduce_sum3A_1374[15] : f32 from vector<16xf32>
      %add3A_1376 = arith.addf %add3A_1352, %reduce_sum3A_1375 : f32
      %eq3A_1377 = vector.broadcast %select_n3A_1312 : i32 to vector<16xi32>
      %eq3A_1378 = arith.cmpi eq, %add3A_1366, %eq3A_1377 : vector<16xi32>
      %jit3A_1379 = arith.constant 0.000000e+00 : f32
      %broadcast_in_dim3A_1380 = vector.broadcast %jit3A_1379 : f32 to vector<16xf32>
      %select_n3A_1381 = arith.select %eq3A_1378, %div3A_1092, %broadcast_in_dim3A_1380 : vector<16xi1>, vector<16xf32>
      %reduce_sum3A_1382 = arith.constant true
      %reduce_sum3A_1383 = vector.broadcast %reduce_sum3A_1382 : i1 to vector<16xi1>
      %reduce_sum3A_1384 = tpu.scan <sum>, %select_n3A_1381 masked %reduce_sum3A_1383 : vector<16xf32>, vector<16xi1> -> vector<16xf32>
      %reduce_sum3A_1385 = vector.extract %reduce_sum3A_1384[15] : f32 from vector<16xf32>
      %add3A_1386 = arith.addf %add3A_1362, %reduce_sum3A_1385 : f32
      %iota3A_1387 = tpu.iota {dimensions = array<i32: 0>} : vector<16xi32>
      %add3A_1388 = arith.constant 48 : i32
      %add3A_1389 = vector.broadcast %add3A_1388 : i32 to vector<16xi32>
      %add3A_1390 = arith.addi %iota3A_1387, %add3A_1389 : vector<16xi32>
      %eq3A_1391 = vector.broadcast %select_n3A_1175 : i32 to vector<16xi32>
      %eq3A_1392 = arith.cmpi eq, %add3A_1390, %eq3A_1391 : vector<16xi32>
      %jit3A_1393 = arith.constant 0.000000e+00 : f32
      %broadcast_in_dim3A_1394 = vector.broadcast %jit3A_1393 : f32 to vector<16xf32>
      %select_n3A_1395 = arith.select %eq3A_1392, %div3A_1130, %broadcast_in_dim3A_1394 : vector<16xi1>, vector<16xf32>
      %reduce_sum3A_1396 = arith.constant true
      %reduce_sum3A_1397 = vector.broadcast %reduce_sum3A_1396 : i1 to vector<16xi1>
      %reduce_sum3A_1398 = tpu.scan <sum>, %select_n3A_1395 masked %reduce_sum3A_1397 : vector<16xf32>, vector<16xi1> -> vector<16xf32>
      %reduce_sum3A_1399 = vector.extract %reduce_sum3A_1398[15] : f32 from vector<16xf32>
      %add3A_1400 = arith.addf %add3A_1376, %reduce_sum3A_1399 : f32
      %eq3A_1401 = vector.broadcast %select_n3A_1312 : i32 to vector<16xi32>
      %eq3A_1402 = arith.cmpi eq, %add3A_1390, %eq3A_1401 : vector<16xi32>
      %jit3A_1403 = arith.constant 0.000000e+00 : f32
      %broadcast_in_dim3A_1404 = vector.broadcast %jit3A_1403 : f32 to vector<16xf32>
      %select_n3A_1405 = arith.select %eq3A_1402, %div3A_1130, %broadcast_in_dim3A_1404 : vector<16xi1>, vector<16xf32>
      %reduce_sum3A_1406 = arith.constant true
      %reduce_sum3A_1407 = vector.broadcast %reduce_sum3A_1406 : i1 to vector<16xi1>
      %reduce_sum3A_1408 = tpu.scan <sum>, %select_n3A_1405 masked %reduce_sum3A_1407 : vector<16xf32>, vector<16xi1> -> vector<16xf32>
      %reduce_sum3A_1409 = vector.extract %reduce_sum3A_1408[15] : f32 from vector<16xf32>
      %add3A_1410 = arith.addf %add3A_1386, %reduce_sum3A_1409 : f32
      %add3A_1411 = arith.addf %add3A_1400, %add3A_1410 : f32
      %iota3A_1412 = tpu.iota {dimensions = array<i32: 0>} : vector<16xi32>
      %add3A_1413 = arith.constant 0 : i32
      %add3A_1414 = vector.broadcast %add3A_1413 : i32 to vector<16xi32>
      %add3A_1415 = arith.addi %iota3A_1412, %add3A_1414 : vector<16xi32>
      %eq3A_1416 = vector.broadcast %select_n3A_1175 : i32 to vector<16xi32>
      %eq3A_1417 = arith.cmpi eq, %add3A_1415, %eq3A_1416 : vector<16xi32>
      %jit3A_1418 = arith.constant 0.000000e+00 : f32
      %broadcast_in_dim3A_1419 = vector.broadcast %add3A_1400 : f32 to vector<16xf32>
      %broadcast_in_dim3A_1420 = vector.broadcast %jit3A_1418 : f32 to vector<16xf32>
      %select_n3A_1421 = arith.select %eq3A_1417, %broadcast_in_dim3A_1419, %broadcast_in_dim3A_1420 : vector<16xi1>, vector<16xf32>
      %eq3A_1422 = vector.broadcast %select_n3A_1312 : i32 to vector<16xi32>
      %eq3A_1423 = arith.cmpi eq, %add3A_1415, %eq3A_1422 : vector<16xi32>
      %jit3A_1424 = arith.constant 0.000000e+00 : f32
      %broadcast_in_dim3A_1425 = vector.broadcast %add3A_1410 : f32 to vector<16xf32>
      %broadcast_in_dim3A_1426 = vector.broadcast %jit3A_1424 : f32 to vector<16xf32>
      %select_n3A_1427 = arith.select %eq3A_1423, %broadcast_in_dim3A_1425, %broadcast_in_dim3A_1426 : vector<16xi1>, vector<16xf32>
      %add3A_1428 = arith.addf %select_n3A_1421, %select_n3A_1427 : vector<16xf32>
      %div3A_1429 = vector.broadcast %add3A_1411 : f32 to vector<16xf32>
      %div3A_1430 = arith.divf %add3A_1428, %div3A_1429 : vector<16xf32>
      %swap3A_1431 = arith.constant 2 : i32
      %swap3A_1432 = arith.index_cast %swap3A_1431 : i32 to index
      %swap3A_1433 = arith.constant 0 : index
      %swap3A_1434 = tpu.vector_load %arg7[%swap3A_1432, %swap3A_1433] {strides = array<i32>} : memref<4x64xf32, #tpu.memory_space<vmem>>, vector<16xf32>,
      tpu.vector_store %arg7[%swap3A_1432, %swap3A_1433], %div3A_1430 {strides = array<i32>} : memref<4x64xf32, #tpu.memory_space<vmem>>, vector<16xf32>,
      %max3A_1435 = arith.maximumf %max3A_930, %div3A_1430 : vector<16xf32>
      %iota3A_1436 = tpu.iota {dimensions = array<i32: 0>} : vector<16xi32>
      %add3A_1437 = arith.constant 16 : i32
      %add3A_1438 = vector.broadcast %add3A_1437 : i32 to vector<16xi32>
      %add3A_1439 = arith.addi %iota3A_1436, %add3A_1438 : vector<16xi32>
      %eq3A_1440 = vector.broadcast %select_n3A_1175 : i32 to vector<16xi32>
      %eq3A_1441 = arith.cmpi eq, %add3A_1439, %eq3A_1440 : vector<16xi32>
      %jit3A_1442 = arith.constant 0.000000e+00 : f32
      %broadcast_in_dim3A_1443 = vector.broadcast %add3A_1400 : f32 to vector<16xf32>
      %broadcast_in_dim3A_1444 = vector.broadcast %jit3A_1442 : f32 to vector<16xf32>
      %select_n3A_1445 = arith.select %eq3A_1441, %broadcast_in_dim3A_1443, %broadcast_in_dim3A_1444 : vector<16xi1>, vector<16xf32>
      %eq3A_1446 = vector.broadcast %select_n3A_1312 : i32 to vector<16xi32>
      %eq3A_1447 = arith.cmpi eq, %add3A_1439, %eq3A_1446 : vector<16xi32>
      %jit3A_1448 = arith.constant 0.000000e+00 : f32
      %broadcast_in_dim3A_1449 = vector.broadcast %add3A_1410 : f32 to vector<16xf32>
      %broadcast_in_dim3A_1450 = vector.broadcast %jit3A_1448 : f32 to vector<16xf32>
      %select_n3A_1451 = arith.select %eq3A_1447, %broadcast_in_dim3A_1449, %broadcast_in_dim3A_1450 : vector<16xi1>, vector<16xf32>
      %add3A_1452 = arith.addf %select_n3A_1445, %select_n3A_1451 : vector<16xf32>
      %div3A_1453 = vector.broadcast %add3A_1411 : f32 to vector<16xf32>
      %div3A_1454 = arith.divf %add3A_1452, %div3A_1453 : vector<16xf32>
      %swap3A_1455 = arith.constant 2 : i32
      %swap3A_1456 = arith.index_cast %swap3A_1455 : i32 to index
      %swap3A_1457 = arith.constant 16 : index
      %swap3A_1458 = tpu.vector_load %arg7[%swap3A_1456, %swap3A_1457] {strides = array<i32>} : memref<4x64xf32, #tpu.memory_space<vmem>>, vector<16xf32>,
      tpu.vector_store %arg7[%swap3A_1456, %swap3A_1457], %div3A_1454 {strides = array<i32>} : memref<4x64xf32, #tpu.memory_space<vmem>>, vector<16xf32>,
      %max3A_1459 = arith.maximumf %max3A_954, %div3A_1454 : vector<16xf32>
      %iota3A_1460 = tpu.iota {dimensions = array<i32: 0>} : vector<16xi32>
      %add3A_1461 = arith.constant 32 : i32
      %add3A_1462 = vector.broadcast %add3A_1461 : i32 to vector<16xi32>
      %add3A_1463 = arith.addi %iota3A_1460, %add3A_1462 : vector<16xi32>
      %eq3A_1464 = vector.broadcast %select_n3A_1175 : i32 to vector<16xi32>
      %eq3A_1465 = arith.cmpi eq, %add3A_1463, %eq3A_1464 : vector<16xi32>
      %jit3A_1466 = arith.constant 0.000000e+00 : f32
      %broadcast_in_dim3A_1467 = vector.broadcast %add3A_1400 : f32 to vector<16xf32>
      %broadcast_in_dim3A_1468 = vector.broadcast %jit3A_1466 : f32 to vector<16xf32>
      %select_n3A_1469 = arith.select %eq3A_1465, %broadcast_in_dim3A_1467, %broadcast_in_dim3A_1468 : vector<16xi1>, vector<16xf32>
      %eq3A_1470 = vector.broadcast %select_n3A_1312 : i32 to vector<16xi32>
      %eq3A_1471 = arith.cmpi eq, %add3A_1463, %eq3A_1470 : vector<16xi32>
      %jit3A_1472 = arith.constant 0.000000e+00 : f32
      %broadcast_in_dim3A_1473 = vector.broadcast %add3A_1410 : f32 to vector<16xf32>
      %broadcast_in_dim3A_1474 = vector.broadcast %jit3A_1472 : f32 to vector<16xf32>
      %select_n3A_1475 = arith.select %eq3A_1471, %broadcast_in_dim3A_1473, %broadcast_in_dim3A_1474 : vector<16xi1>, vector<16xf32>
      %add3A_1476 = arith.addf %select_n3A_1469, %select_n3A_1475 : vector<16xf32>
      %div3A_1477 = vector.broadcast %add3A_1411 : f32 to vector<16xf32>
      %div3A_1478 = arith.divf %add3A_1476, %div3A_1477 : vector<16xf32>
      %swap3A_1479 = arith.constant 2 : i32
      %swap3A_1480 = arith.index_cast %swap3A_1479 : i32 to index
      %swap3A_1481 = arith.constant 32 : index
      %swap3A_1482 = tpu.vector_load %arg7[%swap3A_1480, %swap3A_1481] {strides = array<i32>} : memref<4x64xf32, #tpu.memory_space<vmem>>, vector<16xf32>,
      tpu.vector_store %arg7[%swap3A_1480, %swap3A_1481], %div3A_1478 {strides = array<i32>} : memref<4x64xf32, #tpu.memory_space<vmem>>, vector<16xf32>,
      %max3A_1483 = arith.maximumf %max3A_978, %div3A_1478 : vector<16xf32>
      %iota3A_1484 = tpu.iota {dimensions = array<i32: 0>} : vector<16xi32>
      %add3A_1485 = arith.constant 48 : i32
      %add3A_1486 = vector.broadcast %add3A_1485 : i32 to vector<16xi32>
      %add3A_1487 = arith.addi %iota3A_1484, %add3A_1486 : vector<16xi32>
      %eq3A_1488 = vector.broadcast %select_n3A_1175 : i32 to vector<16xi32>
      %eq3A_1489 = arith.cmpi eq, %add3A_1487, %eq3A_1488 : vector<16xi32>
      %jit3A_1490 = arith.constant 0.000000e+00 : f32
      %broadcast_in_dim3A_1491 = vector.broadcast %add3A_1400 : f32 to vector<16xf32>
      %broadcast_in_dim3A_1492 = vector.broadcast %jit3A_1490 : f32 to vector<16xf32>
      %select_n3A_1493 = arith.select %eq3A_1489, %broadcast_in_dim3A_1491, %broadcast_in_dim3A_1492 : vector<16xi1>, vector<16xf32>
      %eq3A_1494 = vector.broadcast %select_n3A_1312 : i32 to vector<16xi32>
      %eq3A_1495 = arith.cmpi eq, %add3A_1487, %eq3A_1494 : vector<16xi32>
      %jit3A_1496 = arith.constant 0.000000e+00 : f32
      %broadcast_in_dim3A_1497 = vector.broadcast %add3A_1410 : f32 to vector<16xf32>
      %broadcast_in_dim3A_1498 = vector.broadcast %jit3A_1496 : f32 to vector<16xf32>
      %select_n3A_1499 = arith.select %eq3A_1495, %broadcast_in_dim3A_1497, %broadcast_in_dim3A_1498 : vector<16xi1>, vector<16xf32>
      %add3A_1500 = arith.addf %select_n3A_1493, %select_n3A_1499 : vector<16xf32>
      %div3A_1501 = vector.broadcast %add3A_1411 : f32 to vector<16xf32>
      %div3A_1502 = arith.divf %add3A_1500, %div3A_1501 : vector<16xf32>
      %swap3A_1503 = arith.constant 2 : i32
      %swap3A_1504 = arith.index_cast %swap3A_1503 : i32 to index
      %swap3A_1505 = arith.constant 48 : index
      %swap3A_1506 = tpu.vector_load %arg7[%swap3A_1504, %swap3A_1505] {strides = array<i32>} : memref<4x64xf32, #tpu.memory_space<vmem>>, vector<16xf32>,
      tpu.vector_store %arg7[%swap3A_1504, %swap3A_1505], %div3A_1502 {strides = array<i32>} : memref<4x64xf32, #tpu.memory_space<vmem>>, vector<16xf32>,
      %max3A_1507 = arith.maximumf %max3A_1002, %div3A_1502 : vector<16xf32>
      %get3A_1508 = arith.constant 3 : i32
      %get3A_1509 = arith.index_cast %get3A_1508 : i32 to index
      %get3A_1510 = arith.constant 0 : index
      %get3A_1511 = tpu.vector_load %arg6[%get3A_1509, %get3A_1510] {strides = array<i32>} : memref<4x64xf32, #tpu.memory_space<vmem>>, vector<16xf32>,
      %neg3A_1512 = arith.constant 0.000000e+00 : f32
      %neg3A_1513 = vector.broadcast %neg3A_1512 : f32 to vector<16xf32>
      %neg3A_1514 = arith.subf %neg3A_1513, %get3A_1511 : vector<16xf32>
      %exp3A_1515 = math.exp %neg3A_1514 : vector<16xf32>
      %add3A_1516 = arith.constant 1.000000e+00 : f32
      %add3A_1517 = vector.broadcast %add3A_1516 : f32 to vector<16xf32>
      %add3A_1518 = arith.addf %add3A_1517, %exp3A_1515 : vector<16xf32>
      %div3A_1519 = arith.constant 1.000000e+00 : f32
      %div3A_1520 = vector.broadcast %div3A_1519 : f32 to vector<16xf32>
      %div3A_1521 = arith.divf %div3A_1520, %add3A_1518 : vector<16xf32>
      %get3A_1522 = arith.constant 0 : index
      %get3A_1523 = tpu.vector_load %arg8[%get3A_1522] {strides = array<i32>} : memref<64xf32, #tpu.memory_space<vmem>>, vector<16xf32>,
      %add3A_1524 = arith.addf %div3A_1521, %get3A_1523 : vector<16xf32>
      %iota3A_1525 = tpu.iota {dimensions = array<i32: 0>} : vector<16xi32>
      %add3A_1526 = arith.constant 0 : i32
      %add3A_1527 = vector.broadcast %add3A_1526 : i32 to vector<16xi32>
      %add3A_1528 = arith.addi %iota3A_1525, %add3A_1527 : vector<16xi32>
      %reduce_max3A_1529 = arith.constant true
      %reduce_max3A_1530 = vector.broadcast %reduce_max3A_1529 : i1 to vector<16xi1>
      %reduce_max3A_1531 = tpu.scan <max>, %add3A_1524 masked %reduce_max3A_1530 : vector<16xf32>, vector<16xi1> -> vector<16xf32>
      %reduce_max3A_1532 = vector.extract %reduce_max3A_1531[15] : f32 from vector<16xf32>
      %eq3A_1533 = vector.broadcast %reduce_max3A_1532 : f32 to vector<16xf32>
      %eq3A_1534 = arith.cmpf oeq, %add3A_1524, %eq3A_1533 : vector<16xf32>
      %jit3A_1535 = arith.constant 64 : i32
      %broadcast_in_dim3A_1536 = vector.broadcast %jit3A_1535 : i32 to vector<16xi32>
      %select_n3A_1537 = arith.select %eq3A_1534, %add3A_1528, %broadcast_in_dim3A_1536 : vector<16xi1>, vector<16xi32>
      %reduce_min3A_1538 = arith.constant true
      %reduce_min3A_1539 = vector.broadcast %reduce_min3A_1538 : i1 to vector<16xi1>
      %reduce_min3A_1540 = arith.constant -2147483648 : i32
      %reduce_min3A_1541 = vector.broadcast %reduce_min3A_1540 : i32 to vector<16xi32>
      %reduce_min3A_1542 = arith.xori %select_n3A_1537, %reduce_min3A_1541 : vector<16xi32>
      %reduce_min3A_1543 = tpu.scan <min>, %reduce_min3A_1542 masked %reduce_min3A_1539 : vector<16xi32>, vector<16xi1> -> vector<16xi32>
      %reduce_min3A_1544 = arith.xori %reduce_min3A_1543, %reduce_min3A_1541 : vector<16xi32>
      %reduce_min3A_1545 = vector.extract %reduce_min3A_1544[15] : i32 from vector<16xi32>
      %get3A_1546 = arith.constant 3 : i32
      %get3A_1547 = arith.index_cast %get3A_1546 : i32 to index
      %get3A_1548 = arith.constant 16 : index
      %get3A_1549 = tpu.vector_load %arg6[%get3A_1547, %get3A_1548] {strides = array<i32>} : memref<4x64xf32, #tpu.memory_space<vmem>>, vector<16xf32>,
      %neg3A_1550 = arith.constant 0.000000e+00 : f32
      %neg3A_1551 = vector.broadcast %neg3A_1550 : f32 to vector<16xf32>
      %neg3A_1552 = arith.subf %neg3A_1551, %get3A_1549 : vector<16xf32>
      %exp3A_1553 = math.exp %neg3A_1552 : vector<16xf32>
      %add3A_1554 = arith.constant 1.000000e+00 : f32
      %add3A_1555 = vector.broadcast %add3A_1554 : f32 to vector<16xf32>
      %add3A_1556 = arith.addf %add3A_1555, %exp3A_1553 : vector<16xf32>
      %div3A_1557 = arith.constant 1.000000e+00 : f32
      %div3A_1558 = vector.broadcast %div3A_1557 : f32 to vector<16xf32>
      %div3A_1559 = arith.divf %div3A_1558, %add3A_1556 : vector<16xf32>
      %get3A_1560 = arith.constant 16 : index
      %get3A_1561 = tpu.vector_load %arg8[%get3A_1560] {strides = array<i32>} : memref<64xf32, #tpu.memory_space<vmem>>, vector<16xf32>,
      %add3A_1562 = arith.addf %div3A_1559, %get3A_1561 : vector<16xf32>
      %iota3A_1563 = tpu.iota {dimensions = array<i32: 0>} : vector<16xi32>
      %add3A_1564 = arith.constant 16 : i32
      %add3A_1565 = vector.broadcast %add3A_1564 : i32 to vector<16xi32>
      %add3A_1566 = arith.addi %iota3A_1563, %add3A_1565 : vector<16xi32>
      %reduce_max3A_1567 = arith.constant true
      %reduce_max3A_1568 = vector.broadcast %reduce_max3A_1567 : i1 to vector<16xi1>
      %reduce_max3A_1569 = tpu.scan <max>, %add3A_1562 masked %reduce_max3A_1568 : vector<16xf32>, vector<16xi1> -> vector<16xf32>
      %reduce_max3A_1570 = vector.extract %reduce_max3A_1569[15] : f32 from vector<16xf32>
      %eq3A_1571 = vector.broadcast %reduce_max3A_1570 : f32 to vector<16xf32>
      %eq3A_1572 = arith.cmpf oeq, %add3A_1562, %eq3A_1571 : vector<16xf32>
      %jit3A_1573 = arith.constant 64 : i32
      %broadcast_in_dim3A_1574 = vector.broadcast %jit3A_1573 : i32 to vector<16xi32>
      %select_n3A_1575 = arith.select %eq3A_1572, %add3A_1566, %broadcast_in_dim3A_1574 : vector<16xi1>, vector<16xi32>
      %reduce_min3A_1576 = arith.constant true
      %reduce_min3A_1577 = vector.broadcast %reduce_min3A_1576 : i1 to vector<16xi1>
      %reduce_min3A_1578 = arith.constant -2147483648 : i32
      %reduce_min3A_1579 = vector.broadcast %reduce_min3A_1578 : i32 to vector<16xi32>
      %reduce_min3A_1580 = arith.xori %select_n3A_1575, %reduce_min3A_1579 : vector<16xi32>
      %reduce_min3A_1581 = tpu.scan <min>, %reduce_min3A_1580 masked %reduce_min3A_1577 : vector<16xi32>, vector<16xi1> -> vector<16xi32>
      %reduce_min3A_1582 = arith.xori %reduce_min3A_1581, %reduce_min3A_1579 : vector<16xi32>
      %reduce_min3A_1583 = vector.extract %reduce_min3A_1582[15] : i32 from vector<16xi32>
      %get3A_1584 = arith.constant 3 : i32
      %get3A_1585 = arith.index_cast %get3A_1584 : i32 to index
      %get3A_1586 = arith.constant 32 : index
      %get3A_1587 = tpu.vector_load %arg6[%get3A_1585, %get3A_1586] {strides = array<i32>} : memref<4x64xf32, #tpu.memory_space<vmem>>, vector<16xf32>,
      %neg3A_1588 = arith.constant 0.000000e+00 : f32
      %neg3A_1589 = vector.broadcast %neg3A_1588 : f32 to vector<16xf32>
      %neg3A_1590 = arith.subf %neg3A_1589, %get3A_1587 : vector<16xf32>
      %exp3A_1591 = math.exp %neg3A_1590 : vector<16xf32>
      %add3A_1592 = arith.constant 1.000000e+00 : f32
      %add3A_1593 = vector.broadcast %add3A_1592 : f32 to vector<16xf32>
      %add3A_1594 = arith.addf %add3A_1593, %exp3A_1591 : vector<16xf32>
      %div3A_1595 = arith.constant 1.000000e+00 : f32
      %div3A_1596 = vector.broadcast %div3A_1595 : f32 to vector<16xf32>
      %div3A_1597 = arith.divf %div3A_1596, %add3A_1594 : vector<16xf32>
      %get3A_1598 = arith.constant 32 : index
      %get3A_1599 = tpu.vector_load %arg8[%get3A_1598] {strides = array<i32>} : memref<64xf32, #tpu.memory_space<vmem>>, vector<16xf32>,
      %add3A_1600 = arith.addf %div3A_1597, %get3A_1599 : vector<16xf32>
      %iota3A_1601 = tpu.iota {dimensions = array<i32: 0>} : vector<16xi32>
      %add3A_1602 = arith.constant 32 : i32
      %add3A_1603 = vector.broadcast %add3A_1602 : i32 to vector<16xi32>
      %add3A_1604 = arith.addi %iota3A_1601, %add3A_1603 : vector<16xi32>
      %reduce_max3A_1605 = arith.constant true
      %reduce_max3A_1606 = vector.broadcast %reduce_max3A_1605 : i1 to vector<16xi1>
      %reduce_max3A_1607 = tpu.scan <max>, %add3A_1600 masked %reduce_max3A_1606 : vector<16xf32>, vector<16xi1> -> vector<16xf32>
      %reduce_max3A_1608 = vector.extract %reduce_max3A_1607[15] : f32 from vector<16xf32>
      %eq3A_1609 = vector.broadcast %reduce_max3A_1608 : f32 to vector<16xf32>
      %eq3A_1610 = arith.cmpf oeq, %add3A_1600, %eq3A_1609 : vector<16xf32>
      %jit3A_1611 = arith.constant 64 : i32
      %broadcast_in_dim3A_1612 = vector.broadcast %jit3A_1611 : i32 to vector<16xi32>
      %select_n3A_1613 = arith.select %eq3A_1610, %add3A_1604, %broadcast_in_dim3A_1612 : vector<16xi1>, vector<16xi32>
      %reduce_min3A_1614 = arith.constant true
      %reduce_min3A_1615 = vector.broadcast %reduce_min3A_1614 : i1 to vector<16xi1>
      %reduce_min3A_1616 = arith.constant -2147483648 : i32
      %reduce_min3A_1617 = vector.broadcast %reduce_min3A_1616 : i32 to vector<16xi32>
      %reduce_min3A_1618 = arith.xori %select_n3A_1613, %reduce_min3A_1617 : vector<16xi32>
      %reduce_min3A_1619 = tpu.scan <min>, %reduce_min3A_1618 masked %reduce_min3A_1615 : vector<16xi32>, vector<16xi1> -> vector<16xi32>
      %reduce_min3A_1620 = arith.xori %reduce_min3A_1619, %reduce_min3A_1617 : vector<16xi32>
      %reduce_min3A_1621 = vector.extract %reduce_min3A_1620[15] : i32 from vector<16xi32>
      %get3A_1622 = arith.constant 3 : i32
      %get3A_1623 = arith.index_cast %get3A_1622 : i32 to index
      %get3A_1624 = arith.constant 48 : index
      %get3A_1625 = tpu.vector_load %arg6[%get3A_1623, %get3A_1624] {strides = array<i32>} : memref<4x64xf32, #tpu.memory_space<vmem>>, vector<16xf32>,
      %neg3A_1626 = arith.constant 0.000000e+00 : f32
      %neg3A_1627 = vector.broadcast %neg3A_1626 : f32 to vector<16xf32>
      %neg3A_1628 = arith.subf %neg3A_1627, %get3A_1625 : vector<16xf32>
      %exp3A_1629 = math.exp %neg3A_1628 : vector<16xf32>
      %add3A_1630 = arith.constant 1.000000e+00 : f32
      %add3A_1631 = vector.broadcast %add3A_1630 : f32 to vector<16xf32>
      %add3A_1632 = arith.addf %add3A_1631, %exp3A_1629 : vector<16xf32>
      %div3A_1633 = arith.constant 1.000000e+00 : f32
      %div3A_1634 = vector.broadcast %div3A_1633 : f32 to vector<16xf32>
      %div3A_1635 = arith.divf %div3A_1634, %add3A_1632 : vector<16xf32>
      %get3A_1636 = arith.constant 48 : index
      %get3A_1637 = tpu.vector_load %arg8[%get3A_1636] {strides = array<i32>} : memref<64xf32, #tpu.memory_space<vmem>>, vector<16xf32>,
      %add3A_1638 = arith.addf %div3A_1635, %get3A_1637 : vector<16xf32>
      %iota3A_1639 = tpu.iota {dimensions = array<i32: 0>} : vector<16xi32>
      %add3A_1640 = arith.constant 48 : i32
      %add3A_1641 = vector.broadcast %add3A_1640 : i32 to vector<16xi32>
      %add3A_1642 = arith.addi %iota3A_1639, %add3A_1641 : vector<16xi32>
      %reduce_max3A_1643 = arith.constant true
      %reduce_max3A_1644 = vector.broadcast %reduce_max3A_1643 : i1 to vector<16xi1>
      %reduce_max3A_1645 = tpu.scan <max>, %add3A_1638 masked %reduce_max3A_1644 : vector<16xf32>, vector<16xi1> -> vector<16xf32>
      %reduce_max3A_1646 = vector.extract %reduce_max3A_1645[15] : f32 from vector<16xf32>
      %eq3A_1647 = vector.broadcast %reduce_max3A_1646 : f32 to vector<16xf32>
      %eq3A_1648 = arith.cmpf oeq, %add3A_1638, %eq3A_1647 : vector<16xf32>
      %jit3A_1649 = arith.constant 64 : i32
      %broadcast_in_dim3A_1650 = vector.broadcast %jit3A_1649 : i32 to vector<16xi32>
      %select_n3A_1651 = arith.select %eq3A_1648, %add3A_1642, %broadcast_in_dim3A_1650 : vector<16xi1>, vector<16xi32>
      %reduce_min3A_1652 = arith.constant true
      %reduce_min3A_1653 = vector.broadcast %reduce_min3A_1652 : i1 to vector<16xi1>
      %reduce_min3A_1654 = arith.constant -2147483648 : i32
      %reduce_min3A_1655 = vector.broadcast %reduce_min3A_1654 : i32 to vector<16xi32>
      %reduce_min3A_1656 = arith.xori %select_n3A_1651, %reduce_min3A_1655 : vector<16xi32>
      %reduce_min3A_1657 = tpu.scan <min>, %reduce_min3A_1656 masked %reduce_min3A_1653 : vector<16xi32>, vector<16xi1> -> vector<16xi32>
      %reduce_min3A_1658 = arith.xori %reduce_min3A_1657, %reduce_min3A_1655 : vector<16xi32>
      %reduce_min3A_1659 = vector.extract %reduce_min3A_1658[15] : i32 from vector<16xi32>
      %gt3A_1660 = arith.cmpf ogt, %reduce_max3A_1570, %reduce_max3A_1532 : f32
      %eq3A_1661 = arith.cmpf oeq, %reduce_max3A_1570, %reduce_max3A_1532 : f32
      %lt3A_1662 = arith.cmpi slt, %reduce_min3A_1583, %reduce_min3A_1545 : i32
      %and3A_1663 = arith.andi %eq3A_1661, %lt3A_1662 : i1
      %or3A_1664 = arith.ori %gt3A_1660, %and3A_1663 : i1
      %select_n3A_1665 = arith.select %or3A_1664, %reduce_max3A_1570, %reduce_max3A_1532 : f32
      %select_n3A_1666 = arith.select %or3A_1664, %reduce_min3A_1583, %reduce_min3A_1545 : i32
      %gt3A_1667 = arith.cmpf ogt, %reduce_max3A_1608, %select_n3A_1665 : f32
      %eq3A_1668 = arith.cmpf oeq, %reduce_max3A_1608, %select_n3A_1665 : f32
      %lt3A_1669 = arith.cmpi slt, %reduce_min3A_1621, %select_n3A_1666 : i32
      %and3A_1670 = arith.andi %eq3A_1668, %lt3A_1669 : i1
      %or3A_1671 = arith.ori %gt3A_1667, %and3A_1670 : i1
      %select_n3A_1672 = arith.select %or3A_1671, %reduce_max3A_1608, %select_n3A_1665 : f32
      %select_n3A_1673 = arith.select %or3A_1671, %reduce_min3A_1621, %select_n3A_1666 : i32
      %gt3A_1674 = arith.cmpf ogt, %reduce_max3A_1646, %select_n3A_1672 : f32
      %eq3A_1675 = arith.cmpf oeq, %reduce_max3A_1646, %select_n3A_1672 : f32
      %lt3A_1676 = arith.cmpi slt, %reduce_min3A_1659, %select_n3A_1673 : i32
      %and3A_1677 = arith.andi %eq3A_1675, %lt3A_1676 : i1
      %or3A_1678 = arith.ori %gt3A_1674, %and3A_1677 : i1
      %select_n3A_1679 = arith.select %or3A_1678, %reduce_max3A_1646, %select_n3A_1672 : f32
      %select_n3A_1680 = arith.select %or3A_1678, %reduce_min3A_1659, %select_n3A_1673 : i32
      %iota3A_1681 = tpu.iota {dimensions = array<i32: 0>} : vector<16xi32>
      %add3A_1682 = arith.constant 0 : i32
      %add3A_1683 = vector.broadcast %add3A_1682 : i32 to vector<16xi32>
      %add3A_1684 = arith.addi %iota3A_1681, %add3A_1683 : vector<16xi32>
      %eq3A_1685 = vector.broadcast %select_n3A_1680 : i32 to vector<16xi32>
      %eq3A_1686 = arith.cmpi eq, %add3A_1684, %eq3A_1685 : vector<16xi32>
      %jit3A_1687 = arith.constant -3.000000e+38 : f32
      %broadcast_in_dim3A_1688 = vector.broadcast %jit3A_1687 : f32 to vector<16xf32>
      %select_n3A_1689 = arith.select %eq3A_1686, %broadcast_in_dim3A_1688, %add3A_1524 : vector<16xi1>, vector<16xf32>
      %reduce_max3A_1690 = arith.constant true
      %reduce_max3A_1691 = vector.broadcast %reduce_max3A_1690 : i1 to vector<16xi1>
      %reduce_max3A_1692 = tpu.scan <max>, %select_n3A_1689 masked %reduce_max3A_1691 : vector<16xf32>, vector<16xi1> -> vector<16xf32>
      %reduce_max3A_1693 = vector.extract %reduce_max3A_1692[15] : f32 from vector<16xf32>
      %eq3A_1694 = vector.broadcast %reduce_max3A_1693 : f32 to vector<16xf32>
      %eq3A_1695 = arith.cmpf oeq, %select_n3A_1689, %eq3A_1694 : vector<16xf32>
      %jit3A_1696 = arith.constant 64 : i32
      %broadcast_in_dim3A_1697 = vector.broadcast %jit3A_1696 : i32 to vector<16xi32>
      %select_n3A_1698 = arith.select %eq3A_1695, %add3A_1684, %broadcast_in_dim3A_1697 : vector<16xi1>, vector<16xi32>
      %reduce_min3A_1699 = arith.constant true
      %reduce_min3A_1700 = vector.broadcast %reduce_min3A_1699 : i1 to vector<16xi1>
      %reduce_min3A_1701 = arith.constant -2147483648 : i32
      %reduce_min3A_1702 = vector.broadcast %reduce_min3A_1701 : i32 to vector<16xi32>
      %reduce_min3A_1703 = arith.xori %select_n3A_1698, %reduce_min3A_1702 : vector<16xi32>
      %reduce_min3A_1704 = tpu.scan <min>, %reduce_min3A_1703 masked %reduce_min3A_1700 : vector<16xi32>, vector<16xi1> -> vector<16xi32>
      %reduce_min3A_1705 = arith.xori %reduce_min3A_1704, %reduce_min3A_1702 : vector<16xi32>
      %reduce_min3A_1706 = vector.extract %reduce_min3A_1705[15] : i32 from vector<16xi32>
      %gt3A_1707 = arith.constant -3.000000e+38 : f32
      %gt3A_1708 = arith.cmpf ogt, %reduce_max3A_1693, %gt3A_1707 : f32
      %eq3A_1709 = arith.constant -3.000000e+38 : f32
      %eq3A_1710 = arith.cmpf oeq, %reduce_max3A_1693, %eq3A_1709 : f32
      %lt3A_1711 = arith.constant 64 : i32
      %lt3A_1712 = arith.cmpi slt, %reduce_min3A_1706, %lt3A_1711 : i32
      %and3A_1713 = arith.andi %eq3A_1710, %lt3A_1712 : i1
      %or3A_1714 = arith.ori %gt3A_1708, %and3A_1713 : i1
      %jit3A_1715 = arith.constant -3.000000e+38 : f32
      %select_n3A_1716 = arith.select %or3A_1714, %reduce_max3A_1693, %jit3A_1715 : f32
      %jit3A_1717 = arith.constant 64 : i32
      %select_n3A_1718 = arith.select %or3A_1714, %reduce_min3A_1706, %jit3A_1717 : i32
      %iota3A_1719 = tpu.iota {dimensions = array<i32: 0>} : vector<16xi32>
      %add3A_1720 = arith.constant 16 : i32
      %add3A_1721 = vector.broadcast %add3A_1720 : i32 to vector<16xi32>
      %add3A_1722 = arith.addi %iota3A_1719, %add3A_1721 : vector<16xi32>
      %eq3A_1723 = vector.broadcast %select_n3A_1680 : i32 to vector<16xi32>
      %eq3A_1724 = arith.cmpi eq, %add3A_1722, %eq3A_1723 : vector<16xi32>
      %jit3A_1725 = arith.constant -3.000000e+38 : f32
      %broadcast_in_dim3A_1726 = vector.broadcast %jit3A_1725 : f32 to vector<16xf32>
      %select_n3A_1727 = arith.select %eq3A_1724, %broadcast_in_dim3A_1726, %add3A_1562 : vector<16xi1>, vector<16xf32>
      %reduce_max3A_1728 = arith.constant true
      %reduce_max3A_1729 = vector.broadcast %reduce_max3A_1728 : i1 to vector<16xi1>
      %reduce_max3A_1730 = tpu.scan <max>, %select_n3A_1727 masked %reduce_max3A_1729 : vector<16xf32>, vector<16xi1> -> vector<16xf32>
      %reduce_max3A_1731 = vector.extract %reduce_max3A_1730[15] : f32 from vector<16xf32>
      %eq3A_1732 = vector.broadcast %reduce_max3A_1731 : f32 to vector<16xf32>
      %eq3A_1733 = arith.cmpf oeq, %select_n3A_1727, %eq3A_1732 : vector<16xf32>
      %jit3A_1734 = arith.constant 64 : i32
      %broadcast_in_dim3A_1735 = vector.broadcast %jit3A_1734 : i32 to vector<16xi32>
      %select_n3A_1736 = arith.select %eq3A_1733, %add3A_1722, %broadcast_in_dim3A_1735 : vector<16xi1>, vector<16xi32>
      %reduce_min3A_1737 = arith.constant true
      %reduce_min3A_1738 = vector.broadcast %reduce_min3A_1737 : i1 to vector<16xi1>
      %reduce_min3A_1739 = arith.constant -2147483648 : i32
      %reduce_min3A_1740 = vector.broadcast %reduce_min3A_1739 : i32 to vector<16xi32>
      %reduce_min3A_1741 = arith.xori %select_n3A_1736, %reduce_min3A_1740 : vector<16xi32>
      %reduce_min3A_1742 = tpu.scan <min>, %reduce_min3A_1741 masked %reduce_min3A_1738 : vector<16xi32>, vector<16xi1> -> vector<16xi32>
      %reduce_min3A_1743 = arith.xori %reduce_min3A_1742, %reduce_min3A_1740 : vector<16xi32>
      %reduce_min3A_1744 = vector.extract %reduce_min3A_1743[15] : i32 from vector<16xi32>
      %gt3A_1745 = arith.cmpf ogt, %reduce_max3A_1731, %select_n3A_1716 : f32
      %eq3A_1746 = arith.cmpf oeq, %reduce_max3A_1731, %select_n3A_1716 : f32
      %lt3A_1747 = arith.cmpi slt, %reduce_min3A_1744, %select_n3A_1718 : i32
      %and3A_1748 = arith.andi %eq3A_1746, %lt3A_1747 : i1
      %or3A_1749 = arith.ori %gt3A_1745, %and3A_1748 : i1
      %select_n3A_1750 = arith.select %or3A_1749, %reduce_max3A_1731, %select_n3A_1716 : f32
      %select_n3A_1751 = arith.select %or3A_1749, %reduce_min3A_1744, %select_n3A_1718 : i32
      %iota3A_1752 = tpu.iota {dimensions = array<i32: 0>} : vector<16xi32>
      %add3A_1753 = arith.constant 32 : i32
      %add3A_1754 = vector.broadcast %add3A_1753 : i32 to vector<16xi32>
      %add3A_1755 = arith.addi %iota3A_1752, %add3A_1754 : vector<16xi32>
      %eq3A_1756 = vector.broadcast %select_n3A_1680 : i32 to vector<16xi32>
      %eq3A_1757 = arith.cmpi eq, %add3A_1755, %eq3A_1756 : vector<16xi32>
      %jit3A_1758 = arith.constant -3.000000e+38 : f32
      %broadcast_in_dim3A_1759 = vector.broadcast %jit3A_1758 : f32 to vector<16xf32>
      %select_n3A_1760 = arith.select %eq3A_1757, %broadcast_in_dim3A_1759, %add3A_1600 : vector<16xi1>, vector<16xf32>
      %reduce_max3A_1761 = arith.constant true
      %reduce_max3A_1762 = vector.broadcast %reduce_max3A_1761 : i1 to vector<16xi1>
      %reduce_max3A_1763 = tpu.scan <max>, %select_n3A_1760 masked %reduce_max3A_1762 : vector<16xf32>, vector<16xi1> -> vector<16xf32>
      %reduce_max3A_1764 = vector.extract %reduce_max3A_1763[15] : f32 from vector<16xf32>
      %eq3A_1765 = vector.broadcast %reduce_max3A_1764 : f32 to vector<16xf32>
      %eq3A_1766 = arith.cmpf oeq, %select_n3A_1760, %eq3A_1765 : vector<16xf32>
      %jit3A_1767 = arith.constant 64 : i32
      %broadcast_in_dim3A_1768 = vector.broadcast %jit3A_1767 : i32 to vector<16xi32>
      %select_n3A_1769 = arith.select %eq3A_1766, %add3A_1755, %broadcast_in_dim3A_1768 : vector<16xi1>, vector<16xi32>
      %reduce_min3A_1770 = arith.constant true
      %reduce_min3A_1771 = vector.broadcast %reduce_min3A_1770 : i1 to vector<16xi1>
      %reduce_min3A_1772 = arith.constant -2147483648 : i32
      %reduce_min3A_1773 = vector.broadcast %reduce_min3A_1772 : i32 to vector<16xi32>
      %reduce_min3A_1774 = arith.xori %select_n3A_1769, %reduce_min3A_1773 : vector<16xi32>
      %reduce_min3A_1775 = tpu.scan <min>, %reduce_min3A_1774 masked %reduce_min3A_1771 : vector<16xi32>, vector<16xi1> -> vector<16xi32>
      %reduce_min3A_1776 = arith.xori %reduce_min3A_1775, %reduce_min3A_1773 : vector<16xi32>
      %reduce_min3A_1777 = vector.extract %reduce_min3A_1776[15] : i32 from vector<16xi32>
      %gt3A_1778 = arith.cmpf ogt, %reduce_max3A_1764, %select_n3A_1750 : f32
      %eq3A_1779 = arith.cmpf oeq, %reduce_max3A_1764, %select_n3A_1750 : f32
      %lt3A_1780 = arith.cmpi slt, %reduce_min3A_1777, %select_n3A_1751 : i32
      %and3A_1781 = arith.andi %eq3A_1779, %lt3A_1780 : i1
      %or3A_1782 = arith.ori %gt3A_1778, %and3A_1781 : i1
      %select_n3A_1783 = arith.select %or3A_1782, %reduce_max3A_1764, %select_n3A_1750 : f32
      %select_n3A_1784 = arith.select %or3A_1782, %reduce_min3A_1777, %select_n3A_1751 : i32
      %iota3A_1785 = tpu.iota {dimensions = array<i32: 0>} : vector<16xi32>
      %add3A_1786 = arith.constant 48 : i32
      %add3A_1787 = vector.broadcast %add3A_1786 : i32 to vector<16xi32>
      %add3A_1788 = arith.addi %iota3A_1785, %add3A_1787 : vector<16xi32>
      %eq3A_1789 = vector.broadcast %select_n3A_1680 : i32 to vector<16xi32>
      %eq3A_1790 = arith.cmpi eq, %add3A_1788, %eq3A_1789 : vector<16xi32>
      %jit3A_1791 = arith.constant -3.000000e+38 : f32
      %broadcast_in_dim3A_1792 = vector.broadcast %jit3A_1791 : f32 to vector<16xf32>
      %select_n3A_1793 = arith.select %eq3A_1790, %broadcast_in_dim3A_1792, %add3A_1638 : vector<16xi1>, vector<16xf32>
      %reduce_max3A_1794 = arith.constant true
      %reduce_max3A_1795 = vector.broadcast %reduce_max3A_1794 : i1 to vector<16xi1>
      %reduce_max3A_1796 = tpu.scan <max>, %select_n3A_1793 masked %reduce_max3A_1795 : vector<16xf32>, vector<16xi1> -> vector<16xf32>
      %reduce_max3A_1797 = vector.extract %reduce_max3A_1796[15] : f32 from vector<16xf32>
      %eq3A_1798 = vector.broadcast %reduce_max3A_1797 : f32 to vector<16xf32>
      %eq3A_1799 = arith.cmpf oeq, %select_n3A_1793, %eq3A_1798 : vector<16xf32>
      %jit3A_1800 = arith.constant 64 : i32
      %broadcast_in_dim3A_1801 = vector.broadcast %jit3A_1800 : i32 to vector<16xi32>
      %select_n3A_1802 = arith.select %eq3A_1799, %add3A_1788, %broadcast_in_dim3A_1801 : vector<16xi1>, vector<16xi32>
      %reduce_min3A_1803 = arith.constant true
      %reduce_min3A_1804 = vector.broadcast %reduce_min3A_1803 : i1 to vector<16xi1>
      %reduce_min3A_1805 = arith.constant -2147483648 : i32
      %reduce_min3A_1806 = vector.broadcast %reduce_min3A_1805 : i32 to vector<16xi32>
      %reduce_min3A_1807 = arith.xori %select_n3A_1802, %reduce_min3A_1806 : vector<16xi32>
      %reduce_min3A_1808 = tpu.scan <min>, %reduce_min3A_1807 masked %reduce_min3A_1804 : vector<16xi32>, vector<16xi1> -> vector<16xi32>
      %reduce_min3A_1809 = arith.xori %reduce_min3A_1808, %reduce_min3A_1806 : vector<16xi32>
      %reduce_min3A_1810 = vector.extract %reduce_min3A_1809[15] : i32 from vector<16xi32>
      %gt3A_1811 = arith.cmpf ogt, %reduce_max3A_1797, %select_n3A_1783 : f32
      %eq3A_1812 = arith.cmpf oeq, %reduce_max3A_1797, %select_n3A_1783 : f32
      %lt3A_1813 = arith.cmpi slt, %reduce_min3A_1810, %select_n3A_1784 : i32
      %and3A_1814 = arith.andi %eq3A_1812, %lt3A_1813 : i1
      %or3A_1815 = arith.ori %gt3A_1811, %and3A_1814 : i1
      %select_n3A_1816 = arith.select %or3A_1815, %reduce_max3A_1797, %select_n3A_1783 : f32
      %select_n3A_1817 = arith.select %or3A_1815, %reduce_min3A_1810, %select_n3A_1784 : i32
      %iota3A_1818 = tpu.iota {dimensions = array<i32: 0>} : vector<16xi32>
      %add3A_1819 = arith.constant 0 : i32
      %add3A_1820 = vector.broadcast %add3A_1819 : i32 to vector<16xi32>
      %add3A_1821 = arith.addi %iota3A_1818, %add3A_1820 : vector<16xi32>
      %eq3A_1822 = vector.broadcast %select_n3A_1680 : i32 to vector<16xi32>
      %eq3A_1823 = arith.cmpi eq, %add3A_1821, %eq3A_1822 : vector<16xi32>
      %jit3A_1824 = arith.constant 0.000000e+00 : f32
      %broadcast_in_dim3A_1825 = vector.broadcast %jit3A_1824 : f32 to vector<16xf32>
      %select_n3A_1826 = arith.select %eq3A_1823, %div3A_1521, %broadcast_in_dim3A_1825 : vector<16xi1>, vector<16xf32>
      %reduce_sum3A_1827 = arith.constant true
      %reduce_sum3A_1828 = vector.broadcast %reduce_sum3A_1827 : i1 to vector<16xi1>
      %reduce_sum3A_1829 = tpu.scan <sum>, %select_n3A_1826 masked %reduce_sum3A_1828 : vector<16xf32>, vector<16xi1> -> vector<16xf32>
      %reduce_sum3A_1830 = vector.extract %reduce_sum3A_1829[15] : f32 from vector<16xf32>
      %add3A_1831 = arith.constant 0.000000e+00 : f32
      %add3A_1832 = arith.addf %add3A_1831, %reduce_sum3A_1830 : f32
      %eq3A_1833 = vector.broadcast %select_n3A_1817 : i32 to vector<16xi32>
      %eq3A_1834 = arith.cmpi eq, %add3A_1821, %eq3A_1833 : vector<16xi32>
      %jit3A_1835 = arith.constant 0.000000e+00 : f32
      %broadcast_in_dim3A_1836 = vector.broadcast %jit3A_1835 : f32 to vector<16xf32>
      %select_n3A_1837 = arith.select %eq3A_1834, %div3A_1521, %broadcast_in_dim3A_1836 : vector<16xi1>, vector<16xf32>
      %reduce_sum3A_1838 = arith.constant true
      %reduce_sum3A_1839 = vector.broadcast %reduce_sum3A_1838 : i1 to vector<16xi1>
      %reduce_sum3A_1840 = tpu.scan <sum>, %select_n3A_1837 masked %reduce_sum3A_1839 : vector<16xf32>, vector<16xi1> -> vector<16xf32>
      %reduce_sum3A_1841 = vector.extract %reduce_sum3A_1840[15] : f32 from vector<16xf32>
      %add3A_1842 = arith.constant 0.000000e+00 : f32
      %add3A_1843 = arith.addf %add3A_1842, %reduce_sum3A_1841 : f32
      %iota3A_1844 = tpu.iota {dimensions = array<i32: 0>} : vector<16xi32>
      %add3A_1845 = arith.constant 16 : i32
      %add3A_1846 = vector.broadcast %add3A_1845 : i32 to vector<16xi32>
      %add3A_1847 = arith.addi %iota3A_1844, %add3A_1846 : vector<16xi32>
      %eq3A_1848 = vector.broadcast %select_n3A_1680 : i32 to vector<16xi32>
      %eq3A_1849 = arith.cmpi eq, %add3A_1847, %eq3A_1848 : vector<16xi32>
      %jit3A_1850 = arith.constant 0.000000e+00 : f32
      %broadcast_in_dim3A_1851 = vector.broadcast %jit3A_1850 : f32 to vector<16xf32>
      %select_n3A_1852 = arith.select %eq3A_1849, %div3A_1559, %broadcast_in_dim3A_1851 : vector<16xi1>, vector<16xf32>
      %reduce_sum3A_1853 = arith.constant true
      %reduce_sum3A_1854 = vector.broadcast %reduce_sum3A_1853 : i1 to vector<16xi1>
      %reduce_sum3A_1855 = tpu.scan <sum>, %select_n3A_1852 masked %reduce_sum3A_1854 : vector<16xf32>, vector<16xi1> -> vector<16xf32>
      %reduce_sum3A_1856 = vector.extract %reduce_sum3A_1855[15] : f32 from vector<16xf32>
      %add3A_1857 = arith.addf %add3A_1832, %reduce_sum3A_1856 : f32
      %eq3A_1858 = vector.broadcast %select_n3A_1817 : i32 to vector<16xi32>
      %eq3A_1859 = arith.cmpi eq, %add3A_1847, %eq3A_1858 : vector<16xi32>
      %jit3A_1860 = arith.constant 0.000000e+00 : f32
      %broadcast_in_dim3A_1861 = vector.broadcast %jit3A_1860 : f32 to vector<16xf32>
      %select_n3A_1862 = arith.select %eq3A_1859, %div3A_1559, %broadcast_in_dim3A_1861 : vector<16xi1>, vector<16xf32>
      %reduce_sum3A_1863 = arith.constant true
      %reduce_sum3A_1864 = vector.broadcast %reduce_sum3A_1863 : i1 to vector<16xi1>
      %reduce_sum3A_1865 = tpu.scan <sum>, %select_n3A_1862 masked %reduce_sum3A_1864 : vector<16xf32>, vector<16xi1> -> vector<16xf32>
      %reduce_sum3A_1866 = vector.extract %reduce_sum3A_1865[15] : f32 from vector<16xf32>
      %add3A_1867 = arith.addf %add3A_1843, %reduce_sum3A_1866 : f32
      %iota3A_1868 = tpu.iota {dimensions = array<i32: 0>} : vector<16xi32>
      %add3A_1869 = arith.constant 32 : i32
      %add3A_1870 = vector.broadcast %add3A_1869 : i32 to vector<16xi32>
      %add3A_1871 = arith.addi %iota3A_1868, %add3A_1870 : vector<16xi32>
      %eq3A_1872 = vector.broadcast %select_n3A_1680 : i32 to vector<16xi32>
      %eq3A_1873 = arith.cmpi eq, %add3A_1871, %eq3A_1872 : vector<16xi32>
      %jit3A_1874 = arith.constant 0.000000e+00 : f32
      %broadcast_in_dim3A_1875 = vector.broadcast %jit3A_1874 : f32 to vector<16xf32>
      %select_n3A_1876 = arith.select %eq3A_1873, %div3A_1597, %broadcast_in_dim3A_1875 : vector<16xi1>, vector<16xf32>
      %reduce_sum3A_1877 = arith.constant true
      %reduce_sum3A_1878 = vector.broadcast %reduce_sum3A_1877 : i1 to vector<16xi1>
      %reduce_sum3A_1879 = tpu.scan <sum>, %select_n3A_1876 masked %reduce_sum3A_1878 : vector<16xf32>, vector<16xi1> -> vector<16xf32>
      %reduce_sum3A_1880 = vector.extract %reduce_sum3A_1879[15] : f32 from vector<16xf32>
      %add3A_1881 = arith.addf %add3A_1857, %reduce_sum3A_1880 : f32
      %eq3A_1882 = vector.broadcast %select_n3A_1817 : i32 to vector<16xi32>
      %eq3A_1883 = arith.cmpi eq, %add3A_1871, %eq3A_1882 : vector<16xi32>
      %jit3A_1884 = arith.constant 0.000000e+00 : f32
      %broadcast_in_dim3A_1885 = vector.broadcast %jit3A_1884 : f32 to vector<16xf32>
      %select_n3A_1886 = arith.select %eq3A_1883, %div3A_1597, %broadcast_in_dim3A_1885 : vector<16xi1>, vector<16xf32>
      %reduce_sum3A_1887 = arith.constant true
      %reduce_sum3A_1888 = vector.broadcast %reduce_sum3A_1887 : i1 to vector<16xi1>
      %reduce_sum3A_1889 = tpu.scan <sum>, %select_n3A_1886 masked %reduce_sum3A_1888 : vector<16xf32>, vector<16xi1> -> vector<16xf32>
      %reduce_sum3A_1890 = vector.extract %reduce_sum3A_1889[15] : f32 from vector<16xf32>
      %add3A_1891 = arith.addf %add3A_1867, %reduce_sum3A_1890 : f32
      %iota3A_1892 = tpu.iota {dimensions = array<i32: 0>} : vector<16xi32>
      %add3A_1893 = arith.constant 48 : i32
      %add3A_1894 = vector.broadcast %add3A_1893 : i32 to vector<16xi32>
      %add3A_1895 = arith.addi %iota3A_1892, %add3A_1894 : vector<16xi32>
      %eq3A_1896 = vector.broadcast %select_n3A_1680 : i32 to vector<16xi32>
      %eq3A_1897 = arith.cmpi eq, %add3A_1895, %eq3A_1896 : vector<16xi32>
      %jit3A_1898 = arith.constant 0.000000e+00 : f32
      %broadcast_in_dim3A_1899 = vector.broadcast %jit3A_1898 : f32 to vector<16xf32>
      %select_n3A_1900 = arith.select %eq3A_1897, %div3A_1635, %broadcast_in_dim3A_1899 : vector<16xi1>, vector<16xf32>
      %reduce_sum3A_1901 = arith.constant true
      %reduce_sum3A_1902 = vector.broadcast %reduce_sum3A_1901 : i1 to vector<16xi1>
      %reduce_sum3A_1903 = tpu.scan <sum>, %select_n3A_1900 masked %reduce_sum3A_1902 : vector<16xf32>, vector<16xi1> -> vector<16xf32>
      %reduce_sum3A_1904 = vector.extract %reduce_sum3A_1903[15] : f32 from vector<16xf32>
      %add3A_1905 = arith.addf %add3A_1881, %reduce_sum3A_1904 : f32
      %eq3A_1906 = vector.broadcast %select_n3A_1817 : i32 to vector<16xi32>
      %eq3A_1907 = arith.cmpi eq, %add3A_1895, %eq3A_1906 : vector<16xi32>
      %jit3A_1908 = arith.constant 0.000000e+00 : f32
      %broadcast_in_dim3A_1909 = vector.broadcast %jit3A_1908 : f32 to vector<16xf32>
      %select_n3A_1910 = arith.select %eq3A_1907, %div3A_1635, %broadcast_in_dim3A_1909 : vector<16xi1>, vector<16xf32>
      %reduce_sum3A_1911 = arith.constant true
      %reduce_sum3A_1912 = vector.broadcast %reduce_sum3A_1911 : i1 to vector<16xi1>
      %reduce_sum3A_1913 = tpu.scan <sum>, %select_n3A_1910 masked %reduce_sum3A_1912 : vector<16xf32>, vector<16xi1> -> vector<16xf32>
      %reduce_sum3A_1914 = vector.extract %reduce_sum3A_1913[15] : f32 from vector<16xf32>
      %add3A_1915 = arith.addf %add3A_1891, %reduce_sum3A_1914 : f32
      %add3A_1916 = arith.addf %add3A_1905, %add3A_1915 : f32
      %iota3A_1917 = tpu.iota {dimensions = array<i32: 0>} : vector<16xi32>
      %add3A_1918 = arith.constant 0 : i32
      %add3A_1919 = vector.broadcast %add3A_1918 : i32 to vector<16xi32>
      %add3A_1920 = arith.addi %iota3A_1917, %add3A_1919 : vector<16xi32>
      %eq3A_1921 = vector.broadcast %select_n3A_1680 : i32 to vector<16xi32>
      %eq3A_1922 = arith.cmpi eq, %add3A_1920, %eq3A_1921 : vector<16xi32>
      %jit3A_1923 = arith.constant 0.000000e+00 : f32
      %broadcast_in_dim3A_1924 = vector.broadcast %add3A_1905 : f32 to vector<16xf32>
      %broadcast_in_dim3A_1925 = vector.broadcast %jit3A_1923 : f32 to vector<16xf32>
      %select_n3A_1926 = arith.select %eq3A_1922, %broadcast_in_dim3A_1924, %broadcast_in_dim3A_1925 : vector<16xi1>, vector<16xf32>
      %eq3A_1927 = vector.broadcast %select_n3A_1817 : i32 to vector<16xi32>
      %eq3A_1928 = arith.cmpi eq, %add3A_1920, %eq3A_1927 : vector<16xi32>
      %jit3A_1929 = arith.constant 0.000000e+00 : f32
      %broadcast_in_dim3A_1930 = vector.broadcast %add3A_1915 : f32 to vector<16xf32>
      %broadcast_in_dim3A_1931 = vector.broadcast %jit3A_1929 : f32 to vector<16xf32>
      %select_n3A_1932 = arith.select %eq3A_1928, %broadcast_in_dim3A_1930, %broadcast_in_dim3A_1931 : vector<16xi1>, vector<16xf32>
      %add3A_1933 = arith.addf %select_n3A_1926, %select_n3A_1932 : vector<16xf32>
      %div3A_1934 = vector.broadcast %add3A_1916 : f32 to vector<16xf32>
      %div3A_1935 = arith.divf %add3A_1933, %div3A_1934 : vector<16xf32>
      %swap3A_1936 = arith.constant 3 : i32
      %swap3A_1937 = arith.index_cast %swap3A_1936 : i32 to index
      %swap3A_1938 = arith.constant 0 : index
      %swap3A_1939 = tpu.vector_load %arg7[%swap3A_1937, %swap3A_1938] {strides = array<i32>} : memref<4x64xf32, #tpu.memory_space<vmem>>, vector<16xf32>,
      tpu.vector_store %arg7[%swap3A_1937, %swap3A_1938], %div3A_1935 {strides = array<i32>} : memref<4x64xf32, #tpu.memory_space<vmem>>, vector<16xf32>,
      %max3A_1940 = arith.maximumf %max3A_1435, %div3A_1935 : vector<16xf32>
      %iota3A_1941 = tpu.iota {dimensions = array<i32: 0>} : vector<16xi32>
      %add3A_1942 = arith.constant 16 : i32
      %add3A_1943 = vector.broadcast %add3A_1942 : i32 to vector<16xi32>
      %add3A_1944 = arith.addi %iota3A_1941, %add3A_1943 : vector<16xi32>
      %eq3A_1945 = vector.broadcast %select_n3A_1680 : i32 to vector<16xi32>
      %eq3A_1946 = arith.cmpi eq, %add3A_1944, %eq3A_1945 : vector<16xi32>
      %jit3A_1947 = arith.constant 0.000000e+00 : f32
      %broadcast_in_dim3A_1948 = vector.broadcast %add3A_1905 : f32 to vector<16xf32>
      %broadcast_in_dim3A_1949 = vector.broadcast %jit3A_1947 : f32 to vector<16xf32>
      %select_n3A_1950 = arith.select %eq3A_1946, %broadcast_in_dim3A_1948, %broadcast_in_dim3A_1949 : vector<16xi1>, vector<16xf32>
      %eq3A_1951 = vector.broadcast %select_n3A_1817 : i32 to vector<16xi32>
      %eq3A_1952 = arith.cmpi eq, %add3A_1944, %eq3A_1951 : vector<16xi32>
      %jit3A_1953 = arith.constant 0.000000e+00 : f32
      %broadcast_in_dim3A_1954 = vector.broadcast %add3A_1915 : f32 to vector<16xf32>
      %broadcast_in_dim3A_1955 = vector.broadcast %jit3A_1953 : f32 to vector<16xf32>
      %select_n3A_1956 = arith.select %eq3A_1952, %broadcast_in_dim3A_1954, %broadcast_in_dim3A_1955 : vector<16xi1>, vector<16xf32>
      %add3A_1957 = arith.addf %select_n3A_1950, %select_n3A_1956 : vector<16xf32>
      %div3A_1958 = vector.broadcast %add3A_1916 : f32 to vector<16xf32>
      %div3A_1959 = arith.divf %add3A_1957, %div3A_1958 : vector<16xf32>
      %swap3A_1960 = arith.constant 3 : i32
      %swap3A_1961 = arith.index_cast %swap3A_1960 : i32 to index
      %swap3A_1962 = arith.constant 16 : index
      %swap3A_1963 = tpu.vector_load %arg7[%swap3A_1961, %swap3A_1962] {strides = array<i32>} : memref<4x64xf32, #tpu.memory_space<vmem>>, vector<16xf32>,
      tpu.vector_store %arg7[%swap3A_1961, %swap3A_1962], %div3A_1959 {strides = array<i32>} : memref<4x64xf32, #tpu.memory_space<vmem>>, vector<16xf32>,
      %max3A_1964 = arith.maximumf %max3A_1459, %div3A_1959 : vector<16xf32>
      %iota3A_1965 = tpu.iota {dimensions = array<i32: 0>} : vector<16xi32>
      %add3A_1966 = arith.constant 32 : i32
      %add3A_1967 = vector.broadcast %add3A_1966 : i32 to vector<16xi32>
      %add3A_1968 = arith.addi %iota3A_1965, %add3A_1967 : vector<16xi32>
      %eq3A_1969 = vector.broadcast %select_n3A_1680 : i32 to vector<16xi32>
      %eq3A_1970 = arith.cmpi eq, %add3A_1968, %eq3A_1969 : vector<16xi32>
      %jit3A_1971 = arith.constant 0.000000e+00 : f32
      %broadcast_in_dim3A_1972 = vector.broadcast %add3A_1905 : f32 to vector<16xf32>
      %broadcast_in_dim3A_1973 = vector.broadcast %jit3A_1971 : f32 to vector<16xf32>
      %select_n3A_1974 = arith.select %eq3A_1970, %broadcast_in_dim3A_1972, %broadcast_in_dim3A_1973 : vector<16xi1>, vector<16xf32>
      %eq3A_1975 = vector.broadcast %select_n3A_1817 : i32 to vector<16xi32>
      %eq3A_1976 = arith.cmpi eq, %add3A_1968, %eq3A_1975 : vector<16xi32>
      %jit3A_1977 = arith.constant 0.000000e+00 : f32
      %broadcast_in_dim3A_1978 = vector.broadcast %add3A_1915 : f32 to vector<16xf32>
      %broadcast_in_dim3A_1979 = vector.broadcast %jit3A_1977 : f32 to vector<16xf32>
      %select_n3A_1980 = arith.select %eq3A_1976, %broadcast_in_dim3A_1978, %broadcast_in_dim3A_1979 : vector<16xi1>, vector<16xf32>
      %add3A_1981 = arith.addf %select_n3A_1974, %select_n3A_1980 : vector<16xf32>
      %div3A_1982 = vector.broadcast %add3A_1916 : f32 to vector<16xf32>
      %div3A_1983 = arith.divf %add3A_1981, %div3A_1982 : vector<16xf32>
      %swap3A_1984 = arith.constant 3 : i32
      %swap3A_1985 = arith.index_cast %swap3A_1984 : i32 to index
      %swap3A_1986 = arith.constant 32 : index
      %swap3A_1987 = tpu.vector_load %arg7[%swap3A_1985, %swap3A_1986] {strides = array<i32>} : memref<4x64xf32, #tpu.memory_space<vmem>>, vector<16xf32>,
      tpu.vector_store %arg7[%swap3A_1985, %swap3A_1986], %div3A_1983 {strides = array<i32>} : memref<4x64xf32, #tpu.memory_space<vmem>>, vector<16xf32>,
      %max3A_1988 = arith.maximumf %max3A_1483, %div3A_1983 : vector<16xf32>
      %iota3A_1989 = tpu.iota {dimensions = array<i32: 0>} : vector<16xi32>
      %add3A_1990 = arith.constant 48 : i32
      %add3A_1991 = vector.broadcast %add3A_1990 : i32 to vector<16xi32>
      %add3A_1992 = arith.addi %iota3A_1989, %add3A_1991 : vector<16xi32>
      %eq3A_1993 = vector.broadcast %select_n3A_1680 : i32 to vector<16xi32>
      %eq3A_1994 = arith.cmpi eq, %add3A_1992, %eq3A_1993 : vector<16xi32>
      %jit3A_1995 = arith.constant 0.000000e+00 : f32
      %broadcast_in_dim3A_1996 = vector.broadcast %add3A_1905 : f32 to vector<16xf32>
      %broadcast_in_dim3A_1997 = vector.broadcast %jit3A_1995 : f32 to vector<16xf32>
      %select_n3A_1998 = arith.select %eq3A_1994, %broadcast_in_dim3A_1996, %broadcast_in_dim3A_1997 : vector<16xi1>, vector<16xf32>
      %eq3A_1999 = vector.broadcast %select_n3A_1817 : i32 to vector<16xi32>
      %eq3A_2000 = arith.cmpi eq, %add3A_1992, %eq3A_1999 : vector<16xi32>
      %jit3A_2001 = arith.constant 0.000000e+00 : f32
      %broadcast_in_dim3A_2002 = vector.broadcast %add3A_1915 : f32 to vector<16xf32>
      %broadcast_in_dim3A_2003 = vector.broadcast %jit3A_2001 : f32 to vector<16xf32>
      %select_n3A_2004 = arith.select %eq3A_2000, %broadcast_in_dim3A_2002, %broadcast_in_dim3A_2003 : vector<16xi1>, vector<16xf32>
      %add3A_2005 = arith.addf %select_n3A_1998, %select_n3A_2004 : vector<16xf32>
      %div3A_2006 = vector.broadcast %add3A_1916 : f32 to vector<16xf32>
      %div3A_2007 = arith.divf %add3A_2005, %div3A_2006 : vector<16xf32>
      %swap3A_2008 = arith.constant 3 : i32
      %swap3A_2009 = arith.index_cast %swap3A_2008 : i32 to index
      %swap3A_2010 = arith.constant 48 : index
      %swap3A_2011 = tpu.vector_load %arg7[%swap3A_2009, %swap3A_2010] {strides = array<i32>} : memref<4x64xf32, #tpu.memory_space<vmem>>, vector<16xf32>,
      tpu.vector_store %arg7[%swap3A_2009, %swap3A_2010], %div3A_2007 {strides = array<i32>} : memref<4x64xf32, #tpu.memory_space<vmem>>, vector<16xf32>,
      %max3A_2012 = arith.maximumf %max3A_1507, %div3A_2007 : vector<16xf32>
      %mul3A_2013 = arith.constant 4 : i32
      %mul3A_2014 = arith.muli %arg1, %mul3A_2013 : i32
      "tpu.region"() ({
        %run_scoped3A = tpu.sem_alloc : memref<!tpu.dma_semaphore, #tpu.memory_space<semaphore_mem>>
        %dma_start3A = arith.constant 0 : i32
        %dma_start3A_2023 = tpu.memref_slice %arg4[%mul3A_2014, %dma_start3A] : memref<64x64xf32, #tpu.memory_space<hbm>> -> memref<4x64xf32, #tpu.memory_space<hbm>>
        %dma_start3A_2024 = arith.constant 0 : i32
        %dma_start3A_2025 = tpu.memref_slice %arg4[%mul3A_2014, %dma_start3A_2024] : memref<64x64xf32, #tpu.memory_space<hbm>> -> memref<4x64xf32, #tpu.memory_space<hbm>>
        tpu.enqueue_dma source(%arg7 : memref<4x64xf32, #tpu.memory_space<vmem>>) target(%dma_start3A_2025 : memref<4x64xf32, #tpu.memory_space<hbm>>) target_semaphore(%run_scoped3A : memref<!tpu.dma_semaphore, #tpu.memory_space<semaphore_mem>>)
        %dma_wait3A = arith.constant 0 : i32
        %dma_wait3A_2026 = tpu.memref_slice %arg4[%mul3A_2014, %dma_wait3A] : memref<64x64xf32, #tpu.memory_space<hbm>> -> memref<4x64xf32, #tpu.memory_space<hbm>>
        %dma_wait3A_2027 = arith.constant 0 : i32
        %dma_wait3A_2028 = tpu.memref_slice %arg4[%mul3A_2014, %dma_wait3A_2027] : memref<64x64xf32, #tpu.memory_space<hbm>> -> memref<4x64xf32, #tpu.memory_space<hbm>>
        tpu.wait_dma2 semaphore(%run_scoped3A : memref<!tpu.dma_semaphore, #tpu.memory_space<semaphore_mem>>) src(%arg7 : memref<4x64xf32, #tpu.memory_space<vmem>>) dst(%dma_wait3A_2028 : memref<4x64xf32, #tpu.memory_space<hbm>>)
        tpu.yield
      }) : () -> ()
      %swap3A_2015 = arith.constant 0 : index
      %swap3A_2016 = tpu.vector_load %arg9[%swap3A_2015] {strides = array<i32>} : memref<64xf32, #tpu.memory_space<vmem>>, vector<16xf32>,
      tpu.vector_store %arg9[%swap3A_2015], %max3A_1940 {strides = array<i32>} : memref<64xf32, #tpu.memory_space<vmem>>, vector<16xf32>,
      %swap3A_2017 = arith.constant 16 : index
      %swap3A_2018 = tpu.vector_load %arg9[%swap3A_2017] {strides = array<i32>} : memref<64xf32, #tpu.memory_space<vmem>>, vector<16xf32>,
      tpu.vector_store %arg9[%swap3A_2017], %max3A_1964 {strides = array<i32>} : memref<64xf32, #tpu.memory_space<vmem>>, vector<16xf32>,
      %swap3A_2019 = arith.constant 32 : index
      %swap3A_2020 = tpu.vector_load %arg9[%swap3A_2019] {strides = array<i32>} : memref<64xf32, #tpu.memory_space<vmem>>, vector<16xf32>,
      tpu.vector_store %arg9[%swap3A_2019], %max3A_1988 {strides = array<i32>} : memref<64xf32, #tpu.memory_space<vmem>>, vector<16xf32>,
      %swap3A_2021 = arith.constant 48 : index
      %swap3A_2022 = tpu.vector_load %arg9[%swap3A_2021] {strides = array<i32>} : memref<64xf32, #tpu.memory_space<vmem>>, vector<16xf32>,
      tpu.vector_store %arg9[%swap3A_2021], %max3A_2012 {strides = array<i32>} : memref<64xf32, #tpu.memory_space<vmem>>, vector<16xf32>,
      "tpu.region"() ({
        %run_scoped3A = tpu.sem_alloc : memref<!tpu.dma_semaphore, #tpu.memory_space<semaphore_mem>>
        %dma_start3A = arith.constant 0 : i32
        %dma_start3A_2023 = tpu.memref_slice %arg5[%arg1, %dma_start3A] : memref<16x64xf32, #tpu.memory_space<hbm>> -> memref<1x64xf32, #tpu.memory_space<hbm>>
        %dma_start3A_2024 = tpu.memref_squeeze %dma_start3A_2023 : memref<1x64xf32, #tpu.memory_space<hbm>> -> memref<64xf32, #tpu.memory_space<hbm>>
        %dma_start3A_2025 = arith.constant 0 : i32
        %dma_start3A_2026 = tpu.memref_slice %arg5[%arg1, %dma_start3A_2025] : memref<16x64xf32, #tpu.memory_space<hbm>> -> memref<1x64xf32, #tpu.memory_space<hbm>>
        %dma_start3A_2027 = tpu.memref_squeeze %dma_start3A_2026 : memref<1x64xf32, #tpu.memory_space<hbm>> -> memref<64xf32, #tpu.memory_space<hbm>>
        tpu.enqueue_dma source(%arg9 : memref<64xf32, #tpu.memory_space<vmem>>) target(%dma_start3A_2027 : memref<64xf32, #tpu.memory_space<hbm>>) target_semaphore(%run_scoped3A : memref<!tpu.dma_semaphore, #tpu.memory_space<semaphore_mem>>)
        %dma_wait3A = arith.constant 0 : i32
        %dma_wait3A_2028 = tpu.memref_slice %arg5[%arg1, %dma_wait3A] : memref<16x64xf32, #tpu.memory_space<hbm>> -> memref<1x64xf32, #tpu.memory_space<hbm>>
        %dma_wait3A_2029 = tpu.memref_squeeze %dma_wait3A_2028 : memref<1x64xf32, #tpu.memory_space<hbm>> -> memref<64xf32, #tpu.memory_space<hbm>>
        %dma_wait3A_2030 = arith.constant 0 : i32
        %dma_wait3A_2031 = tpu.memref_slice %arg5[%arg1, %dma_wait3A_2030] : memref<16x64xf32, #tpu.memory_space<hbm>> -> memref<1x64xf32, #tpu.memory_space<hbm>>
        %dma_wait3A_2032 = tpu.memref_squeeze %dma_wait3A_2031 : memref<1x64xf32, #tpu.memory_space<hbm>> -> memref<64xf32, #tpu.memory_space<hbm>>
        tpu.wait_dma2 semaphore(%run_scoped3A : memref<!tpu.dma_semaphore, #tpu.memory_space<semaphore_mem>>) src(%arg9 : memref<64xf32, #tpu.memory_space<vmem>>) dst(%dma_wait3A_2032 : memref<64xf32, #tpu.memory_space<hbm>>)
        tpu.yield
      }) : () -> ()
    } else {
    }
    return
  }
}

module attributes {stable_mosaic.version = 14 : i64} {
  func.func @_ids_body(%arg0: memref<16x64xf32, #tpu.memory_space<vmem>>, %arg1: memref<1x64xi32, #tpu.memory_space<vmem>>) attributes {dimension_semantics = [], scalar_prefetch = 0 : i64, scratch_operands = 0 : i64, tpu.core_type = #tpu.core_type<tc>} {
    %get3A = arith.constant 0 : index
    %get3A_0 = arith.constant 0 : index
    %get3A_1 = vector.load %arg0[%get3A, %get3A_0] : memref<16x64xf32, #tpu.memory_space<vmem>>, vector<16x64xf32>
    %transpose3A = tpu.transpose %get3A_1, [1, 0] : vector<16x64xf32> -> vector<64x16xf32>
    %reduce_sum3A = arith.constant dense<0.000000e+00> : vector<64xf32>
    %reduce_sum3A_2 = vector.multi_reduction <add>, %transpose3A, %reduce_sum3A [1] : vector<64x16xf32> to vector<64xf32>
    %broadcast_in_dim3A = vector.shape_cast %reduce_sum3A_2 : vector<64xf32> to vector<64x1xf32>
    %gt3A = arith.constant 0.000000e+00 : f32
    %gt3A_3 = vector.broadcast %gt3A : f32 to vector<64x1xf32>
    %gt3A_4 = arith.cmpf ogt, %broadcast_in_dim3A, %gt3A_3 : vector<64x1xf32>
    %iota3A = tpu.iota {dimensions = array<i32: 0>} : vector<64x64xi32>
    %iota3A_5 = tpu.iota {dimensions = array<i32: 1>} : vector<64x64xi32>
    %le3A = arith.cmpi sle, %iota3A, %iota3A_5 : vector<64x64xi32>
    %and3A = vector.broadcast %gt3A_4 : vector<64x1xi1> to vector<64x64xi1>
    %and3A_6 = arith.andi %le3A, %and3A : vector<64x64xi1>
    %jit3A = arith.constant -1 : i32
    %broadcast_in_dim3A_7 = vector.broadcast %jit3A : i32 to vector<64x64xi32>
    %select_n3A = arith.select %and3A_6, %iota3A, %broadcast_in_dim3A_7 : vector<64x64xi1>, vector<64x64xi32>
    %reduce_max3A = arith.constant dense<-2147483648> : vector<64xi32>
    %reduce_max3A_8 = vector.multi_reduction <maxsi>, %select_n3A, %reduce_max3A [0] : vector<64x64xi32> to vector<64xi32>
    %broadcast_in_dim3A_9 = vector.shape_cast %reduce_max3A_8 : vector<64xi32> to vector<1x64xi32>
    %iota3A_10 = tpu.iota {dimensions = array<i32: 0>} : vector<64x1xi32>
    %jit3A_11 = arith.constant 64 : i32
    %broadcast_in_dim3A_12 = vector.broadcast %jit3A_11 : i32 to vector<64x1xi32>
    %select_n3A_13 = arith.select %gt3A_4, %iota3A_10, %broadcast_in_dim3A_12 : vector<64x1xi1>, vector<64x1xi32>
    %reduce_min3A = vector.shape_cast %select_n3A_13 : vector<64x1xi32> to vector<1x64x1xi32>
    %reduce_min3A_14 = arith.constant dense<2147483647> : vector<1xi32>
    %reduce_min3A_15 = vector.multi_reduction <minsi>, %reduce_min3A, %reduce_min3A_14 [1, 2] : vector<1x64x1xi32> to vector<1xi32>
    %reduce_min3A_16 = vector.shape_cast %reduce_min3A_15 : vector<1xi32> to vector<1x1x1xi32>
    %reduce_min3A_17 = vector.extract %reduce_min3A_16[0, 0, 0] : i32 from vector<1x1x1xi32>
    %lt3A = arith.constant 0 : i32
    %lt3A_18 = vector.broadcast %lt3A : i32 to vector<1x64xi32>
    %lt3A_19 = arith.cmpi slt, %broadcast_in_dim3A_9, %lt3A_18 : vector<1x64xi32>
    %broadcast_in_dim3A_20 = vector.broadcast %reduce_min3A_17 : i32 to vector<1x64xi32>
    %select_n3A_21 = arith.select %lt3A_19, %broadcast_in_dim3A_20, %broadcast_in_dim3A_9 : vector<1x64xi1>, vector<1x64xi32>
    %swap3A = arith.constant 0 : index
    %swap3A_22 = arith.constant 0 : index
    %swap3A_23 = vector.load %arg1[%swap3A, %swap3A_22] : memref<1x64xi32, #tpu.memory_space<vmem>>, vector<1x64xi32>
    tpu.vector_store %arg1[%swap3A, %swap3A_22], %select_n3A_21 {strides = array<i32>} : memref<1x64xi32, #tpu.memory_space<vmem>>, vector<1x64xi32>,
    return
  }
}

module attributes {stable_mosaic.version = 14 : i64} {
  func.func @_expert_step(%arg0: i32, %arg1: memref<64xi32, #tpu.memory_space<smem>>, %arg2: memref<64x64xf32, #tpu.memory_space<vmem>>, %arg3: memref<64x1024xf32, #tpu.memory_space<vmem>>, %arg4: memref<64x1024xf32, #tpu.memory_space<vmem>>, %arg5: memref<1x1024x512xf32, #tpu.memory_space<vmem>>, %arg6: memref<1x1024x512xf32, #tpu.memory_space<vmem>>, %arg7: memref<1x512x1024xf32, #tpu.memory_space<vmem>>, %arg8: memref<64x1024xf32, #tpu.memory_space<vmem>>) attributes {dimension_semantics = [#tpu.dimension_semantics<arbitrary>], iteration_bounds = array<i64: 64>, scalar_prefetch = 1 : i64, scratch_operands = 0 : i64, tpu.core_type = #tpu.core_type<tc>, window_params = [{pipeline_mode = #tpu.pipeline_mode<synchronous>, transform_indices = @transform_0, window_bounds = array<i64: 64, 64>}, {pipeline_mode = #tpu.pipeline_mode<synchronous>, transform_indices = @transform_1, window_bounds = array<i64: 64, 1024>}, {pipeline_mode = #tpu.pipeline_mode<synchronous>, transform_indices = @transform_2, window_bounds = array<i64: 64, 1024>}, {transform_indices = @transform_3, window_bounds = array<i64: 1, 1024, 512>}, {transform_indices = @transform_4, window_bounds = array<i64: 1, 1024, 512>}, {transform_indices = @transform_5, window_bounds = array<i64: 1, 512, 1024>}, {pipeline_mode = #tpu.pipeline_mode<synchronous>, transform_indices = @transform_6, window_bounds = array<i64: 64, 1024>}]} {
    %get3A = arith.index_cast %arg0 : i32 to index
    %get3A_0 = memref.load %arg1[%get3A] : memref<64xi32, #tpu.memory_space<smem>>
    %eq3A = arith.constant 0 : i32
    %eq3A_1 = arith.cmpi eq, %arg0, %eq3A : i32
    %convert_element_type3A = arith.extui %eq3A_1 : i1 to i32
    %cond3A = arith.constant 0 : i32
    %cond3A_2 = arith.cmpi ne, %convert_element_type3A, %cond3A : i32
    scf.if %cond3A_2 {
      %get3A_7 = arith.constant 0 : index
      %get3A_8 = arith.constant 0 : index
      %get3A_9 = vector.load %arg4[%get3A_7, %get3A_8] : memref<64x1024xf32, #tpu.memory_space<vmem>>, vector<64x1024xf32>
      %swap3A = arith.constant 0 : index
      %swap3A_10 = arith.constant 0 : index
      %swap3A_11 = vector.load %arg8[%swap3A, %swap3A_10] : memref<64x1024xf32, #tpu.memory_space<vmem>>, vector<64x1024xf32>
      tpu.vector_store %arg8[%swap3A, %swap3A_10], %get3A_9 {strides = array<i32>} : memref<64x1024xf32, #tpu.memory_space<vmem>>, vector<64x1024xf32>,
    } else {
    }
    %eq3A_3 = arith.cmpi eq, %get3A_0, %arg0 : i32
    %convert_element_type3A_4 = arith.extui %eq3A_3 : i1 to i32
    %cond3A_5 = arith.constant 0 : i32
    %cond3A_6 = arith.cmpi ne, %convert_element_type3A_4, %cond3A_5 : i32
    scf.if %cond3A_6 {
      %get3A_7 = arith.constant 0 : index
      %get3A_8 = arith.constant 0 : index
      %get3A_9 = vector.load %arg3[%get3A_7, %get3A_8] : memref<64x1024xf32, #tpu.memory_space<vmem>>, vector<64x1024xf32>
      %convert_element_type3A_10 = arith.truncf %get3A_9 : vector<64x1024xf32> to vector<64x1024xbf16>
      %get3A_11 = arith.constant 0 : index
      %get3A_12 = arith.constant 0 : index
      %get3A_13 = arith.constant 0 : index
      %get3A_14 = vector.load %arg5[%get3A_11, %get3A_12, %get3A_13] : memref<1x1024x512xf32, #tpu.memory_space<vmem>>, vector<1x1024x512xf32>
      %get3A_15 = vector.shape_cast %get3A_14 : vector<1x1024x512xf32> to vector<1024x512xf32>
      %convert_element_type3A_16 = arith.truncf %get3A_15 : vector<1024x512xf32> to vector<1024x512xbf16>
      %dot_general3A = arith.constant dense<0.000000e+00> : vector<64x512xf32>
      %dot_general3A_17 = tpu.matmul %convert_element_type3A_10, %convert_element_type3A_16, %dot_general3A {dimension_numbers = #tpu.dot_dimension_numbers<[1], [0], [0], [1], [0, 0, 1, 1], [], []>, transpose_lhs_hint = false} : vector<64x1024xbf16>, vector<1024x512xbf16>, vector<64x512xf32> -> vector<64x512xf32>
      %get3A_18 = arith.constant 0 : index
      %get3A_19 = arith.constant 0 : index
      %get3A_20 = arith.constant 0 : index
      %get3A_21 = vector.load %arg6[%get3A_18, %get3A_19, %get3A_20] : memref<1x1024x512xf32, #tpu.memory_space<vmem>>, vector<1x1024x512xf32>
      %get3A_22 = vector.shape_cast %get3A_21 : vector<1x1024x512xf32> to vector<1024x512xf32>
      %convert_element_type3A_23 = arith.truncf %get3A_22 : vector<1024x512xf32> to vector<1024x512xbf16>
      %dot_general3A_24 = arith.constant dense<0.000000e+00> : vector<64x512xf32>
      %dot_general3A_25 = tpu.matmul %convert_element_type3A_10, %convert_element_type3A_23, %dot_general3A_24 {dimension_numbers = #tpu.dot_dimension_numbers<[1], [0], [0], [1], [0, 0, 1, 1], [], []>, transpose_lhs_hint = false} : vector<64x1024xbf16>, vector<1024x512xbf16>, vector<64x512xf32> -> vector<64x512xf32>
      %logistic3A = arith.negf %dot_general3A_17 : vector<64x512xf32>
      %logistic3A_26 = math.exp %logistic3A : vector<64x512xf32>
      %logistic3A_27 = arith.constant 1.000000e+00 : f32
      %logistic3A_28 = vector.broadcast %logistic3A_27 : f32 to vector<64x512xf32>
      %logistic3A_29 = arith.addf %logistic3A_28, %logistic3A_26 : vector<64x512xf32>
      %logistic3A_30 = arith.divf %logistic3A_28, %logistic3A_29 : vector<64x512xf32>
      %mul3A = arith.mulf %dot_general3A_17, %logistic3A_30 : vector<64x512xf32>
      %mul3A_31 = arith.mulf %mul3A, %dot_general3A_25 : vector<64x512xf32>
      %iota3A = tpu.iota {dimensions = array<i32: 1>} : vector<64x64xi32>
      %eq3A_32 = vector.broadcast %arg0 : i32 to vector<64x64xi32>
      %eq3A_33 = arith.cmpi eq, %iota3A, %eq3A_32 : vector<64x64xi32>
      %get3A_34 = arith.constant 0 : index
      %get3A_35 = arith.constant 0 : index
      %get3A_36 = vector.load %arg2[%get3A_34, %get3A_35] : memref<64x64xf32, #tpu.memory_space<vmem>>, vector<64x64xf32>
      %jit3A = arith.constant 0.000000e+00 : f32
      %broadcast_in_dim3A = vector.broadcast %jit3A : f32 to vector<64x64xf32>
      %select_n3A = arith.select %eq3A_33, %get3A_36, %broadcast_in_dim3A : vector<64x64xi1>, vector<64x64xf32>
      %reduce_sum3A = arith.constant dense<0.000000e+00> : vector<64xf32>
      %reduce_sum3A_37 = vector.multi_reduction <add>, %select_n3A, %reduce_sum3A [1] : vector<64x64xf32> to vector<64xf32>
      %broadcast_in_dim3A_38 = vector.shape_cast %reduce_sum3A_37 : vector<64xf32> to vector<64x1xf32>
      %get3A_39 = arith.constant 0 : index
      %get3A_40 = arith.constant 0 : index
      %get3A_41 = vector.load %arg8[%get3A_39, %get3A_40] : memref<64x1024xf32, #tpu.memory_space<vmem>>, vector<64x1024xf32>
      %mul3A_42 = vector.broadcast %broadcast_in_dim3A_38 : vector<64x1xf32> to vector<64x512xf32>
      %mul3A_43 = arith.mulf %mul3A_31, %mul3A_42 : vector<64x512xf32>
      %convert_element_type3A_44 = arith.truncf %mul3A_43 : vector<64x512xf32> to vector<64x512xbf16>
      %get3A_45 = arith.constant 0 : index
      %get3A_46 = arith.constant 0 : index
      %get3A_47 = arith.constant 0 : index
      %get3A_48 = vector.load %arg7[%get3A_45, %get3A_46, %get3A_47] : memref<1x512x1024xf32, #tpu.memory_space<vmem>>, vector<1x512x1024xf32>
      %get3A_49 = vector.shape_cast %get3A_48 : vector<1x512x1024xf32> to vector<512x1024xf32>
      %convert_element_type3A_50 = arith.truncf %get3A_49 : vector<512x1024xf32> to vector<512x1024xbf16>
      %dot_general3A_51 = arith.constant dense<0.000000e+00> : vector<64x1024xf32>
      %dot_general3A_52 = tpu.matmul %convert_element_type3A_44, %convert_element_type3A_50, %dot_general3A_51 {dimension_numbers = #tpu.dot_dimension_numbers<[1], [0], [0], [1], [0, 0, 1, 1], [], []>, transpose_lhs_hint = false} : vector<64x512xbf16>, vector<512x1024xbf16>, vector<64x1024xf32> -> vector<64x1024xf32>
      %add3A = arith.addf %get3A_41, %dot_general3A_52 : vector<64x1024xf32>
      %swap3A = arith.constant 0 : index
      %swap3A_53 = arith.constant 0 : index
      %swap3A_54 = vector.load %arg8[%swap3A, %swap3A_53] : memref<64x1024xf32, #tpu.memory_space<vmem>>, vector<64x1024xf32>
      tpu.vector_store %arg8[%swap3A, %swap3A_53], %add3A {strides = array<i32>} : memref<64x1024xf32, #tpu.memory_space<vmem>>, vector<64x1024xf32>,
    } else {
    }
    return
  }
  func.func @transform_0(%arg0: i32, %arg1: memref<64xi32, #tpu.memory_space<smem>>) -> (i32, i32) {
    %c0_i32 = arith.constant 0 : i32
    %c0_i32_0 = arith.constant 0 : i32
    %c0_i32_1 = arith.constant 0 : i32
    return %c0_i32, %c0_i32_0 : i32, i32
  }
  func.func @transform_1(%arg0: i32, %arg1: memref<64xi32, #tpu.memory_space<smem>>) -> (i32, i32) {
    %c0_i32 = arith.constant 0 : i32
    %c0_i32_0 = arith.constant 0 : i32
    %c0_i32_1 = arith.constant 0 : i32
    return %c0_i32, %c0_i32_0 : i32, i32
  }
  func.func @transform_2(%arg0: i32, %arg1: memref<64xi32, #tpu.memory_space<smem>>) -> (i32, i32) {
    %c0_i32 = arith.constant 0 : i32
    %c0_i32_0 = arith.constant 0 : i32
    %c0_i32_1 = arith.constant 0 : i32
    return %c0_i32, %c0_i32_0 : i32, i32
  }
  func.func @transform_3(%arg0: i32, %arg1: memref<64xi32, #tpu.memory_space<smem>>) -> (i32, i32, i32) {
    %get3A = arith.index_cast %arg0 : i32 to index
    %get3A_0 = memref.load %arg1[%get3A] : memref<64xi32, #tpu.memory_space<smem>>
    %c0_i32 = arith.constant 0 : i32
    %c0_i32_1 = arith.constant 0 : i32
    %c0_i32_2 = arith.constant 0 : i32
    return %get3A_0, %c0_i32, %c0_i32_1 : i32, i32, i32
  }
  func.func @transform_4(%arg0: i32, %arg1: memref<64xi32, #tpu.memory_space<smem>>) -> (i32, i32, i32) {
    %get3A = arith.index_cast %arg0 : i32 to index
    %get3A_0 = memref.load %arg1[%get3A] : memref<64xi32, #tpu.memory_space<smem>>
    %c0_i32 = arith.constant 0 : i32
    %c0_i32_1 = arith.constant 0 : i32
    %c0_i32_2 = arith.constant 0 : i32
    return %get3A_0, %c0_i32, %c0_i32_1 : i32, i32, i32
  }
  func.func @transform_5(%arg0: i32, %arg1: memref<64xi32, #tpu.memory_space<smem>>) -> (i32, i32, i32) {
    %get3A = arith.index_cast %arg0 : i32 to index
    %get3A_0 = memref.load %arg1[%get3A] : memref<64xi32, #tpu.memory_space<smem>>
    %c0_i32 = arith.constant 0 : i32
    %c0_i32_1 = arith.constant 0 : i32
    %c0_i32_2 = arith.constant 0 : i32
    return %get3A_0, %c0_i32, %c0_i32_1 : i32, i32, i32
  }
  func.func @transform_6(%arg0: i32, %arg1: memref<64xi32, #tpu.memory_space<smem>>) -> (i32, i32) {
    %c0_i32 = arith.constant 0 : i32
    %c0_i32_0 = arith.constant 0 : i32
    %c0_i32_1 = arith.constant 0 : i32
    return %c0_i32, %c0_i32_0 : i32, i32
  }
}

module attributes {stable_mosaic.version = 14 : i64} {
  func.func @_pre_body(%arg0: memref<64x1024xf32, #tpu.memory_space<vmem>>, %arg1: memref<64x1024xf32, #tpu.memory_space<vmem>>, %arg2: memref<1024x1024xf32, #tpu.memory_space<vmem>>, %arg3: memref<1024x1024xf32, #tpu.memory_space<vmem>>, %arg4: memref<1024x1024xf32, #tpu.memory_space<vmem>>, %arg5: memref<64x64xf32, #tpu.memory_space<vmem>>, %arg6: memref<64x1024xf32, #tpu.memory_space<vmem>>) attributes {dimension_semantics = [], scalar_prefetch = 0 : i64, scratch_operands = 0 : i64, tpu.core_type = #tpu.core_type<tc>} {
    %get3A = arith.constant 0 : index
    %get3A_0 = arith.constant 0 : index
    %get3A_1 = vector.load %arg0[%get3A, %get3A_0] : memref<64x1024xf32, #tpu.memory_space<vmem>>, vector<64x1024xf32>
    %get3A_2 = arith.constant 0 : index
    %get3A_3 = arith.constant 0 : index
    %get3A_4 = vector.load %arg1[%get3A_2, %get3A_3] : memref<64x1024xf32, #tpu.memory_space<vmem>>, vector<64x1024xf32>
    %transpose3A = tpu.transpose %get3A_4, [1, 0] : vector<64x1024xf32> -> vector<1024x64xf32>
    %dot_general3A = arith.constant dense<0.000000e+00> : vector<64x64xf32>
    %dot_general3A_5 = tpu.matmul %get3A_1, %transpose3A, %dot_general3A {dimension_numbers = #tpu.dot_dimension_numbers<[1], [0], [0], [1], [0, 0, 1, 1], [], []>, transpose_lhs_hint = false} : vector<64x1024xf32>, vector<1024x64xf32>, vector<64x64xf32> -> vector<64x64xf32>
    %swap3A = arith.constant 0 : index
    %swap3A_6 = arith.constant 0 : index
    %swap3A_7 = vector.load %arg5[%swap3A, %swap3A_6] : memref<64x64xf32, #tpu.memory_space<vmem>>, vector<64x64xf32>
    tpu.vector_store %arg5[%swap3A, %swap3A_6], %dot_general3A_5 {strides = array<i32>} : memref<64x64xf32, #tpu.memory_space<vmem>>, vector<64x64xf32>,
    %get3A_8 = arith.constant 0 : index
    %get3A_9 = arith.constant 0 : index
    %get3A_10 = vector.load %arg0[%get3A_8, %get3A_9] : memref<64x1024xf32, #tpu.memory_space<vmem>>, vector<64x1024xf32>
    %convert_element_type3A = arith.truncf %get3A_10 : vector<64x1024xf32> to vector<64x1024xbf16>
    %get3A_11 = arith.constant 0 : index
    %get3A_12 = arith.constant 0 : index
    %get3A_13 = vector.load %arg2[%get3A_11, %get3A_12] : memref<1024x1024xf32, #tpu.memory_space<vmem>>, vector<1024x1024xf32>
    %convert_element_type3A_14 = arith.truncf %get3A_13 : vector<1024x1024xf32> to vector<1024x1024xbf16>
    %dot_general3A_15 = arith.constant dense<0.000000e+00> : vector<64x1024xf32>
    %dot_general3A_16 = tpu.matmul %convert_element_type3A, %convert_element_type3A_14, %dot_general3A_15 {dimension_numbers = #tpu.dot_dimension_numbers<[1], [0], [0], [1], [0, 0, 1, 1], [], []>, transpose_lhs_hint = false} : vector<64x1024xbf16>, vector<1024x1024xbf16>, vector<64x1024xf32> -> vector<64x1024xf32>
    %get3A_17 = arith.constant 0 : index
    %get3A_18 = arith.constant 0 : index
    %get3A_19 = vector.load %arg3[%get3A_17, %get3A_18] : memref<1024x1024xf32, #tpu.memory_space<vmem>>, vector<1024x1024xf32>
    %convert_element_type3A_20 = arith.truncf %get3A_19 : vector<1024x1024xf32> to vector<1024x1024xbf16>
    %dot_general3A_21 = arith.constant dense<0.000000e+00> : vector<64x1024xf32>
    %dot_general3A_22 = tpu.matmul %convert_element_type3A, %convert_element_type3A_20, %dot_general3A_21 {dimension_numbers = #tpu.dot_dimension_numbers<[1], [0], [0], [1], [0, 0, 1, 1], [], []>, transpose_lhs_hint = false} : vector<64x1024xbf16>, vector<1024x1024xbf16>, vector<64x1024xf32> -> vector<64x1024xf32>
    %logistic3A = arith.negf %dot_general3A_16 : vector<64x1024xf32>
    %logistic3A_23 = math.exp %logistic3A : vector<64x1024xf32>
    %logistic3A_24 = arith.constant 1.000000e+00 : f32
    %logistic3A_25 = vector.broadcast %logistic3A_24 : f32 to vector<64x1024xf32>
    %logistic3A_26 = arith.addf %logistic3A_25, %logistic3A_23 : vector<64x1024xf32>
    %logistic3A_27 = arith.divf %logistic3A_25, %logistic3A_26 : vector<64x1024xf32>
    %mul3A = arith.mulf %dot_general3A_16, %logistic3A_27 : vector<64x1024xf32>
    %mul3A_28 = arith.mulf %mul3A, %dot_general3A_22 : vector<64x1024xf32>
    %convert_element_type3A_29 = arith.truncf %mul3A_28 : vector<64x1024xf32> to vector<64x1024xbf16>
    %get3A_30 = arith.constant 0 : index
    %get3A_31 = arith.constant 0 : index
    %get3A_32 = vector.load %arg4[%get3A_30, %get3A_31] : memref<1024x1024xf32, #tpu.memory_space<vmem>>, vector<1024x1024xf32>
    %convert_element_type3A_33 = arith.truncf %get3A_32 : vector<1024x1024xf32> to vector<1024x1024xbf16>
    %dot_general3A_34 = arith.constant dense<0.000000e+00> : vector<64x1024xf32>
    %dot_general3A_35 = tpu.matmul %convert_element_type3A_29, %convert_element_type3A_33, %dot_general3A_34 {dimension_numbers = #tpu.dot_dimension_numbers<[1], [0], [0], [1], [0, 0, 1, 1], [], []>, transpose_lhs_hint = false} : vector<64x1024xbf16>, vector<1024x1024xbf16>, vector<64x1024xf32> -> vector<64x1024xf32>
    %swap3A_36 = arith.constant 0 : index
    %swap3A_37 = arith.constant 0 : index
    %swap3A_38 = vector.load %arg6[%swap3A_36, %swap3A_37] : memref<64x1024xf32, #tpu.memory_space<vmem>>, vector<64x1024xf32>
    tpu.vector_store %arg6[%swap3A_36, %swap3A_37], %dot_general3A_35 {strides = array<i32>} : memref<64x1024xf32, #tpu.memory_space<vmem>>, vector<64x1024xf32>,
    return
  }
}

</mosaic_0001>

<sc_bundles>
// kernel: kernel.6.cloned.1.call-start
scs
__scs_entry_jumppad:
0x0: {  	(pc) =	sbr.rel $0x88, $3  }
0x1: {  	(tag) =	ssettag $0x0;
	lr =	simm.s32 $0x1  }
0x2: {  	[smem:$0x3F98] =	sst lr;
	_ =	strace $0xD0000000  }
0x3: {  	_ = 	snop  }
0x4: {  	_ = 	snop  }
0x5: {  	_ = 	snop  }
0x6: {  	_ = 	snop  }
0x7: {  	_ = 	snop  }
__scs_overlays_trampoline_lowered:
0x8: {  	[smem:$0x3FA7] =	sst s0  }
0x9: {  	[smem:$0x3FA8] =	sst s1  }
0xa: {  	[smem:$0x3FA9] =	sst s2  }
0xb: {  	[smem:$0x3FAA] =	sst s3  }
0xc: {  	[smem:$0x3FAB] =	sst s4  }
0xd: {  	[smem:$0x3FAC] =	sst s5  }
0xe: {  	[smem:$0x3FAD] =	sst s6  }
0xf: {  	[smem:$0x3FAE] =	sst s7  }
0x10: {  	[smem:$0x3FAF] =	sst s8  }
0x11: {  	[smem:$0x3FB0] =	sst s9;
	s0 =	simm.s32 @!p0 $0x0  }
0x12: {  	s1 =	sld [smem:$0x3F96];
	s0 =	simm.s32 @p0 $0x1  }
0x13: {  	[smem:$0x3FB1] =	sst s0;
	s0 =	simm.s32 @!p1 $0x0  }
0x14: {  	s2 =	sld [smem:$0x3F95];
	s0 =	simm.s32 @p1 $0x1  }
0x15: {  	[smem:$0x3FB2] =	sst s0;
	s0 =	simm.s32 @!p2 $0x0  }
0x16: {  	s3 =	sld [smem:$0x3FDB];
	s0 =	simm.s32 @p2 $0x1  }
0x17: {  	s4 =	simm.s32 $0x1BF5;
	[smem:$0x3FB4] =	sst s0  }
0x18: {  	s0 =	sld [smem:$0x3F97];
	_ =	swait.ge [sflag:s4], $0x0  }
0x19: {  	s7 =	sld [smem:$0x3F98]  }
0x1a: {  	s8 =	sadd.s32 $0xFFFFE003, lr  }
0x1b: {  	s9 =	sadd.s32 $0xFFFFFEF7, lr;
	s5 =	simm.s32 $0xFFFFFFFF;
	p2 =	slt.u32 s8, $0xFFFFF086  }
0x1c: {  	p1 =	slt.u32 s9, $0xF7A;
	s5 =	simm.s32 @!p2 $0x0  }
0x1d: {  	s5 =	simm.s32 @p1 $0x1;
	p0 =	seq.s32 s7, s2  }
0x1e: {  	s7 =	smul.u32 @!p0 $0xF7A, s2;
	p2 =	seq.s32 @!p0 s5, $0x0  }
0x1f: {  	s9 =	smul.u32 $0xF7A, s1;
	s8 =	simm.s32 @!p0 $0x1BF5;
	p2 =	por !p2, p0  }
0x20: {  	[sflag:s8] =	ssyncset.s32 @!p0 $0xFFFFF086;
	s6 =	sadd.s32 @!p0 s3, s7;
	s7 =	simm.s32 @!p0 $0x108  }
0x21: {  	s3 =	sadd.s32 s3, s9;
	s6 =	sadd.s32 @!p0 $0x88, s6;
	s7 =	simm.s32 @p2 $0x1082  }
0x22: {  	[simem:s7], [sflag:s8] =	dma.local @!p0 [hbm:s6], $0xF7A  }
0x23: {  	s9 =	sor.u32 $0xD0000000, s2;
	s6 =	simm.s32 $0x108;
	_ =	swait.ge @!p0 [sflag:s8], $0x0  }
0x24: {  	s3 =	sadd.s32 $0x88, s3;
	s6 =	simm.s32 @!p1 $0x1082;
	[sflag:s4] =	ssyncset.s32 $0xFFFFF086  }
0x25: {  	[simem:s6], [sflag:s4] =	dma.local [hbm:s3], $0xF7A  }
0x26: {  	[smem:$0x3F98] =	sst s1;
	(tag) =	ssettag s2;
	_ =	strace s9  }
0x27: {  	s1 =	sld [smem:$0x3FA8]  }
0x28: {  	s2 =	sld [smem:$0x3FA9]  }
0x29: {  	s4 =	sld [smem:$0x3FAB]  }
0x2a: {  	p0 =	seq.s32 s5, $0x0;
	s5 =	sld [smem:$0x3FAC]  }
0x2b: {  	s6 =	sld [smem:$0x3FAD]  }
0x2c: {  	s7 =	sld [smem:$0x3FAE]  }
0x2d: {  	s3 =	simm.s32 $0x108;
	s8 =	sld [smem:$0x3FAF]  }
0x2e: {  	s3 =	simm.s32 @!p0 $0x1082;
	s9 =	sld [smem:$0x3FB0]  }
0x2f: {  	lr =	sadd.s32 s0, s3;
	s0 =	sld [smem:$0x3FA7]  }
0x30: {  	s3 =	sld [smem:$0x3FAA]  }
0x31: {  	[smem:$0x3FB3] =	sst s10  }
0x32: {  	s10 =	sld [smem:$0x3FB1];
	_ =	sdelay $0x3  }
0x33: {  	p0 =	seq.s32 s10, $0x1;
	s10 =	sld [smem:$0x3FB3];
	_ =	sdelay $0x3  }
0x34: {  	[smem:$0x3FB3] =	sst s10  }
0x35: {  	s10 =	sld [smem:$0x3FB2];
	_ =	sdelay $0x3  }
0x36: {  	p1 =	seq.s32 s10, $0x1;
	s10 =	sld [smem:$0x3FB3];
	_ =	sdelay $0x3  }
0x37: {  	[smem:$0x3FB3] =	sst s10  }
0x38: {  	s10 =	sld [smem:$0x3FB4]  }
0x39: {  	_ = 	snop;
	(pc) =	sbr.ind lr, $3  }
0x3a: {  	_ = 	snop  }
0x3b: {  	_ = 	snop  }
0x3c: {  	p2 =	seq.s32 s10, $0x1;
	s10 =	sld [smem:$0x3FB3]  }
0x3d: {  	_ =	shalt  }
0x3e: {  	_ =	shalt  }
0x3f: {  	_ =	shalt  }
0x40: {  	_ =	shalt  }
0x41: {  	_ =	shalt  }
0x42: {  	_ =	shalt  }
0x43: {  	_ =	shalt  }
0x44: {  	_ =	shalt  }
0x45: {  	_ =	shalt  }
0x46: {  	_ =	shalt  }
0x47: {  	_ =	shalt  }
0x48: {  	_ =	shalt  }
0x49: {  	_ =	shalt  }
0x4a: {  	_ =	shalt  }
0x4b: {  	_ =	shalt  }
0x4c: {  	_ =	shalt  }
0x4d: {  	_ =	shalt  }
0x4e: {  	_ =	shalt  }
0x4f: {  	_ =	shalt  }
0x50: {  	_ =	shalt  }
0x51: {  	_ =	shalt  }
0x52: {  	_ =	shalt  }
0x53: {  	_ =	shalt  }
0x54: {  	_ =	shalt  }
0x55: {  	_ =	shalt  }
0x56: {  	_ =	shalt  }
0x57: {  	_ =	shalt  }
0x58: {  	_ =	shalt  }
0x59: {  	_ =	shalt  }
0x5a: {  	_ =	shalt  }
0x5b: {  	_ =	shalt  }
0x5c: {  	_ =	shalt  }
0x5d: {  	_ =	shalt  }
0x5e: {  	_ =	shalt  }
0x5f: {  	_ =	shalt  }
0x60: {  	_ =	shalt  }
0x61: {  	_ =	shalt  }
0x62: {  	_ =	shalt  }
0x63: {  	_ =	shalt  }
0x64: {  	_ =	shalt  }
0x65: {  	_ =	shalt  }
0x66: {  	_ =	shalt  }
0x67: {  	_ =	shalt  }
0x68: {  	_ =	shalt  }
0x69: {  	_ =	shalt  }
0x6a: {  	_ =	shalt  }
0x6b: {  	_ =	shalt  }
0x6c: {  	_ =	shalt  }
0x6d: {  	_ =	shalt  }
0x6e: {  	_ =	shalt  }
0x6f: {  	_ =	shalt  }
0x70: {  	_ =	shalt  }
0x71: {  	_ =	shalt  }
0x72: {  	_ =	shalt  }
0x73: {  	_ =	shalt  }
0x74: {  	_ =	shalt  }
0x75: {  	_ =	shalt  }
0x76: {  	_ =	shalt  }
0x77: {  	_ =	shalt  }
0x78: {  	_ =	shalt  }
0x79: {  	_ =	shalt  }
0x7a: {  	_ =	shalt  }
0x7b: {  	_ =	shalt  }
0x7c: {  	_ =	shalt  }
0x7d: {  	_ =	shalt  }
0x7e: {  	_ =	shalt  }
0x7f: {  	_ =	shalt  }
0x80: {  	_ =	shalt  }
0x81: {  	_ =	shalt  }
0x82: {  	_ =	shalt  }
0x83: {  	_ =	shalt  }
0x84: {  	_ =	shalt  }
0x85: {  	_ =	shalt  }
0x86: {  	_ =	shalt  }
0x87: {  	_ =	shalt  }
.Lfunc_end0:
.L_simem_size_0:
called_computation_lowered:
.L_overlay_start_0:
0x88: {  	s2 =	sld [smem:$0x3FD9]  }
0x89: {  	s3 =	sld [smem:$0x3FFE];
	_ =	sdelay $0x1  }
0x8a: {  	s1 =	srdreg.scid  }
0x8b: {  	s0 =	sand.u32 $0x1, s1  }
0x8c: {  	s17 =	sshll.u32 s0, $0xA;
	s2 =	sadd.s32 s3, s2  }
0x8d: {  	s2 =	sadd.s32 s2, s17  }
0x8e: {  	[smem:$0x3FBF] =	sst s2  }
0x8f: {  	_ = 	snop  }
0x90: {  	s2 =	sld [smem:$0x3FC1]  }
0x91: {  	s18 =	sld [smem:$0x3FD0];
	(tm) =	ssettm $0x1  }
0x92: {  	s4 =	sld [smem:$0x3FFB];
	_ =	sdelay $0x3  }
0x93: {  	_ =	strace s4  }
0x94: {  	s4 =	sld [smem:$0x3FFC];
	_ =	sdelay $0x3  }
0x95: {  	_ =	strace s4  }
0x96: {  	s4 =	sld [smem:$0x3FFD];
	_ =	sdelay $0x3  }
0x97: {  	_ =	strace s4  }
0x98: {  	_ =	strace $0x8FFFFFFF  }
0x99: {  	s19 =	sld [smem:$0x3FDB];
	_ =	sdelay $0x1  }
0x9a: {  	s5 =	simm.s32 $_scs_section_size  }
0x9b: {  	s6 =	simm.s32 $_size__tile_overlayer_lowered;
	s7 =	simm.s32 $_tile_overlayer_lowered  }
0x9c: {  	s22 =	simm.s32 $0x1BFF;
	s21 =	sshll.u32 s7, $0x1;
	s4 =	sadd.s32 s5, s19  }
0x9d: {  	s8 =	simm.s32 $0x0;
	s20 =	sshll.u32 s6, $0x1;
	s6 =	sadd.s32 s21, s4  }
0x9e: {  	[timem:s8], [sflag:s22] =	dma.local [hbm:s6], s20  }
0x9f: {  	_ =	swait.ge [sflag:s22], s20  }
0xa0: {  	s5 =	ssub.s32 $0x0, s20;
	[sflag:s22] =	ssyncset.done $0x0  }
0xa1: {  	[sflag:s22] =	ssyncadd.s32 s5;
	_ =	sdelay $0x1  }
0xa2: {  	s23 =	simm.s32 $0x1B8B  }
0xa3: {  	_ =	swait.ge [sflag:s23], $0x1  }
0xa4: {  	[sflag:s23] =	ssyncset.done $0x0  }
0xa5: {  	s25 =	simm.s32 $0x1B8E;
	s24 =	sld [smem:$0x3FFE];
	[sflag:s23] =	ssyncadd.s32 $0xFFFFFFFF  }
0xa6: {  	s26 =	simm.s32 $execute0_lowered;
	[smem:$0x3FD2] =	sst s25  }
0xa7: {  	s6 =	sshll.u32 s26, $0x1;
	_ =	strace $0x80000046;
	[dreg:$0x1] =	wrdreg $0xFFFFFFFF  }
0xa8: {  	s28 =	simm.s32 $_size_execute0_lowered;
	s4 =	sadd.s32 s4, s6;
	[dreg:$0x0] =	wrdreg $0x0  }
0xa9: {  	s6 =	sshll.u32 s28, $0x1;
	[dreg:$0x2] =	wrdreg s4  }
0xaa: {  	[dreg:$0x3] =	wrdreg s6  }
0xab: {  	[dreg:$0x4] =	wrdreg $0xC0  }
0xac: {  	_ =	task [dreg:s8], $0x5FFFF  }
0xad: {  	[dreg:$0x1] =	wrdreg $0xFFFFFFFF  }
0xae: {  	[dreg:$0x0] =	wrdreg $0x60  }
0xaf: {  	[dreg:$0x2] =	wrdreg s18  }
0xb0: {  	[dreg:$0x3] =	wrdreg s2  }
0xb1: {  	[dreg:$0x4] =	wrdreg s24  }
0xb2: {  	[dreg:$0x5] =	wrdreg $0x9  }
0xb3: {  	_ =	task.clear_ibuf [dreg:s8], $0x6FFFF;
	_ =	strace $0x90000046  }
0xb4: {  	s29 =	simm.s32 $0x9;
	_ =	strace $0x80000048  }
0xb5: {  	_ =	swait.ge [sflag:s29], $0x1  }
0xb6: {  	[sflag:s29] =	ssyncadd.s32 $0xFFFFFFFF  }
0xb7: {  	_ =	strace $0x90000048  }
0xb8: {  	_ =	sfence  }
0xb9: {  	s30 =	sld [smem:$0x0];
	_ =	sdelay $0x2  }
0xba: {  	s31 =	sshll.u32 s1, $0xD;
	s1 =	sshrl.u32 s1, $0x2  }
0xbb: {  	s3 =	sand.u32 $0x4000, s31;
	s1 =	sadd.s32 s1, s30  }
0xbc: {  	s0 =	sor.u32 s3, s0;
	s1 =	sshll.u32 s1, $0x11  }
0xbd: {  	s0 =	sor.u32 s1, s0  }
0xbe: {  	s0 =	sadd.s32 $0x8F2B, s0  }
0xbf: {  	[sflag:s0] =	ssyncadd.remote.s32 $0x1  }
0xc0: {  	_ =	sfence.sel $0xFFFF  }
0xc1: {  	[dreg:$0x0] =	wrdreg $0xFFFFFFFF;
	(pc) =	sbr.abs _section_cstart, $3  }
0xc2: {  	[dreg:$0x1] =	wrdreg $0xFFFFFFFF  }
0xc3: {  	_ =	task.clear_ibuf [dreg:s8], $0x2FFFF;
	_ =	strace $0x9FFFFFFF  }
0xc4: {  	(tm) =	ssettm $0x7FFFFFFF  }
0xc5: {  	_ =	shalt  }
tec
execute0_lowered:
.L_overlay_start_1:
0x0: {  	(tag) =	ssettag $0x1  }
0x1: {  	s1 =	srdreg.scid  }
0x2: {  	s1 =	sand.u32 $0x1, s1  }
0x3: {  	p0 =	seq.s32 s1, $0x1  }
.Ltmp0:
0x4: {  	s4 =	rddreg [dreg:$0x0];
	(pc) =	sbr.rel @p0 .LBB2_2-.Ltmp0, $4  }
0x5: {  	s6 =	rddreg [dreg:$0x1]  }
0x6: {  	s3 =	rddreg [dreg:$0x2];
	s2 =	simm.s32 $0x0  }
0x7: {  	[smem:$0x7FF] =	sst s2  }
0x8: {  	s0 =	rddreg [dreg:$0x3];
	_ =	strace $0x80000047;
	s1 =	stileid.u32  }
0x9: {  	s5 =	sshll.u32 s1, $0x6  }
0xa: {  	s4 =	sadd.s32 s4, s5  }
0xb: {  	[tilespmem:s2], [sflag:$0x1] =	stream.linear.gather [hbm4b:s4+s2], $0x200, $0x38;
	[tilespmem:$0x500] =	vst v63  }
0xc: {  	s4 =	simm.s32 $0x1  }
0xd: {  	_ =	swait.ge [sflag:s4], $0x200  }
0xe: {  	[sflag:s4] =	ssyncset.done $0x0  }
0xf: {  	s7 =	simm.s32 $0x400;
	[sflag:s4] =	ssyncadd.s32 $0xFFFFFE00  }
0x10: {  	[tilespmem:s7], [sflag:$0x1] =	stream.linear.gather [hbm4b:s6+s2], $0x80, $0x38;
	[tilespmem:$0x500] =	vst v63  }
0x11: {  	_ =	swait.ge [sflag:s4], $0x80  }
0x12: {  	[sflag:s4] =	ssyncset.done $0x0  }
0x13: {  	[sflag:s4] =	ssyncadd.s32 $0xFFFFFF80  }
0x14: {  	v0 =	vld [tilespmem:$0x0];
	_ =	sdelay $0x4  }
0x15: {  	v0 =	vsub.f32 $0.0e+00, v0;
	_ =	sdelay $0x1  }
0x16: {  	v0 =	vmul.f32 $1.442695020e+00, v0;
	_ =	sdelay $0x1  }
0x17: {  	(erf) = vpow2.f32 v0;
	_ =	sdelay $0x8  }
0x18: {  	v0 =	vpop (erf)  }
0x19: {  	v0 =	vadd.f32 $1.000000000e+00, v0;
	_ =	sdelay $0x1  }
0x1a: {  	(erf) = vrcp.f32 v0;
	_ =	sdelay $0x4  }
0x1b: {  	v42 =	vld [tilespmem:$0x400];
	_ =	sdelay $0x3  }
0x1c: {  	v8 =	vpop (erf)  }
0x1d: {  	v2 =	vadd.f32 v8, v42;
	_ =	sdelay $0x1  }
0x1e: {  	(xrf0) =	vmax.scan.msk.f32 $0xffff, v2;
	_ =	sdelay $0x1  }
0x1f: {  	v44 =	vld [tilespmem:$0x10];
	_ =	sdelay $0x3  }
0x20: {  	v3, _, _ =	vpop (xrf0)  }
0x21: {  	v1 =	vbroadcast v3, $0xF;
	(v2sf) =	vpush v3, $0xF;
	v3 =	vsub.f32 $0.0e+00, v44;
	_ =	sdelay $0x1  }
0x22: {  	v3 =	vmul.f32 $1.442695020e+00, v3;
	_ =	sdelay $0x1  }
0x23: {  	(erf) = vpow2.f32 v3;
	_ =	sdelay $0x3  }
0x24: {  	v45 =	vld [tilespmem:$0x20];
	_ =	sdelay $0x2  }
0x25: {  	v0 =	vlaneseq.u32  }
0x26: {  	vm0 =	veq.f32 v2, v1;
	v1 =	vor.u32 $0x80000000, v0  }
0x27: {  	v4 =	vnsel vm0, $0x80000040, v1;
	v3 =	vsub.f32 $0.0e+00, v45;
	v46 =	vpop (erf)  }
0x28: {  	(xrf0) =	vmin.scan.msk.u32 $0xffff, v4;
	v4 =	vadd.f32 $1.000000000e+00, v46  }
0x29: {  	v3 =	vmul.f32 $1.442695020e+00, v3  }
0x2a: {  	(erf) = vrcp.f32 v4  }
0x2b: {  	(erf) = vpow2.f32 v3;
	_ =	sdelay $0x3  }
0x2c: {  	v47 =	vld [tilespmem:$0x30];
	_ =	sdelay $0x1  }
0x2d: {  	v48 =	vld [tilespmem:$0x410];
	_ =	sdelay $0x1  }
0x2e: {  	v9 =	vpop (erf)  }
0x2f: {  	v3 =	vsub.f32 $0.0e+00, v47;
	v5 =	vpop (erf)  }
0x30: {  	v5 =	vadd.f32 $1.000000000e+00, v5  }
0x31: {  	v3 =	vmul.f32 $1.442695020e+00, v3;
	v7 =	vadd.f32 v9, v48  }
0x32: {  	(erf) = vrcp.f32 v5  }
0x33: {  	v43, _, _ =	vpop (xrf0);
	(xrf0) =	vmax.scan.msk.f32 $0xffff, v7;
	(erf) = vpow2.f32 v3;
	_ =	sdelay $0x4  }
0x34: {  	v49 =	vld [tilespmem:$0x420]  }
0x35: {  	v50, _, _ =	vpop (xrf0)  }
0x36: {  	v51 =	vbroadcast v50, $0xF  }
0x37: {  	v10 =	vpop (erf)  }
0x38: {  	v4 =	vor.u32 $0x80000010, v0;
	vm6 =	veq.f32 v7, v51;
	v6 =	vpop (erf)  }
0x39: {  	v11 =	vnsel vm6, $0x80000040, v4;
	v12 =	vadd.f32 v10, v49;
	v52 =	vadd.f32 $1.000000000e+00, v6  }
0x3a: {  	(xrf0) =	vmin.scan.msk.u32 $0xffff, v11  }
0x3b: {  	(xrf0) =	vmax.scan.msk.f32 $0xffff, v12;
	(erf) = vrcp.f32 v52;
	_ =	sdelay $0x4  }
0x3c: {  	v13 =	vld [tilespmem:$0x430];
	v53, _, _ =	vpop (xrf0)  }
0x3d: {  	v14, _, _ =	vpop (xrf0)  }
0x3e: {  	v54 =	vbroadcast v14, $0xF;
	_ =	sdelay $0x1  }
0x3f: {  	v6 =	vor.u32 $0x80000020, v0;
	vm7 =	veq.f32 v12, v54;
	v55 =	vpop (erf)  }
0x40: {  	v15 =	vnsel vm7, $0x80000040, v6;
	v13 =	vadd.f32 v55, v13  }
0x41: {  	(xrf0) =	vmin.scan.msk.u32 $0xffff, v15  }
0x42: {  	(xrf0) =	vmax.scan.msk.f32 $0xffff, v13  }
0x43: {  	(v2sf) =	vpush v43, $0xF;
	_ =	sdelay $0x3  }
0x44: {  	v15, _, _ =	vpop (xrf0)  }
0x45: {  	(v2sf) =	vpush v50, $0xF;
	v16, _, _ =	vpop (xrf0)  }
0x46: {  	(v2sf) =	vpush v53, $0xF;
	v56 =	vbroadcast v16, $0xF;
	_ =	sdelay $0x1  }
0x47: {  	v5 =	vor.u32 $0x80000030, v0;
	vm8 =	veq.f32 v13, v56  }
0x48: {  	v3 =	vnsel vm8, $0x80000040, v5  }
0x49: {  	(xrf0) =	vmin.scan.msk.u32 $0xffff, v3  }
0x4a: {  	(v2sf) =	vpush v14, $0xF  }
0x4b: {  	(v2sf) =	vpush v15, $0xF;
	_ =	sdelay $0x1  }
0x4c: {  	s6 =	spop (v2sf)  }
0x4d: {  	s29 =	spop (v2sf);
	(v2sf) =	vpush v16, $0xF  }
0x4e: {  	v3, _, _ =	vpop (xrf0)  }
0x4f: {  	(v2sf) =	vpush v3, $0xF;
	_ =	sdelay $0x2  }
0x50: {  	s8 =	spop (v2sf)  }
0x51: {  	s9 =	spop (v2sf)  }
0x52: {  	s7 =	sxor.u32 $0x80000000, s29;
	p0 =	seq.f32 s8, s6;
	s9 =	sxor.u32 $0x80000000, s9  }
0x53: {  	p1 =	slt.s32 s9, s7  }
0x54: {  	p2 =	sgt.f32 s8, s6;
	p0 =	por !p0, !p1  }
0x55: {  	p0 =	por !p0, !p0  }
0x56: {  	s10 =	spop (v2sf);
	p0 =	por p2, p0  }
0x57: {  	s11 =	spop (v2sf);
	s6 =	smov.u32 @p0 s8  }
0x58: {  	s8 =	sxor.u32 $0x80000000, s11;
	s7 =	smov.u32 @p0 s9;
	p4 =	seq.f32 s10, s6  }
0x59: {  	p5 =	slt.s32 s8, s7  }
0x5a: {  	p6 =	sgt.f32 s10, s6;
	p0 =	por !p4, !p5  }
0x5b: {  	s30 =	spop (v2sf);
	p0 =	por !p0, !p0  }
0x5c: {  	p0 =	por p6, p0;
	s31 =	spop (v2sf)  }
0x5d: {  	s6 =	smov.u32 @p0 s10;
	s7 =	smov.u32 @p0 s8;
	s11 =	sxor.u32 $0x80000000, s31  }
0x5e: {  	p0 =	seq.f32 s30, s6;
	s8 =	smov.u32 s7;
	p1 =	slt.s32 s11, s7  }
0x5f: {  	p2 =	sgt.f32 s30, s6;
	s8 =	smov.u32 @p1 s11  }
0x60: {  	s7 =	smov.u32 @p0 s8  }
0x61: {  	s7 =	smov.u32 @p2 s11  }
0x62: {  	v57 =	vmov s7  }
0x63: {  	vm1 =	veq.s32 v57, v0  }
0x64: {  	v2 =	vsel vm1, $0xFF61B1E6, v2  }
0x65: {  	(xrf0) =	vmax.scan.msk.f32 $0xffff, v2;
	_ =	sdelay $0x5  }
0x66: {  	v59, _, _ =	vpop (xrf0)  }
0x67: {  	v60 =	vbroadcast v59, $0xF  }
0x68: {  	v58 =	vimm.s32 $0x0  }
0x69: {  	v3 =	vsel vm1, $0xFFFFFFFF, v58;
	vm9 =	veq.f32 v2, v60;
	v2 =	vor.u32 $0x10, v0  }
0x6a: {  	[tilespmem:$0x1FEF0] =	vst v3;
	v3 =	vnsel vm9, $0x80000040, v1;
	vm2 =	veq.s32 v57, v2  }
0x6b: {  	(xrf0) =	vmin.scan.msk.u32 $0xffff, v3;
	v61 =	vsel vm2, $0xFF61B1E6, v7  }
0x6c: {  	(xrf0) =	vmax.scan.msk.f32 $0xffff, v61;
	_ =	sdelay $0x4  }
0x6d: {  	v63, _, _ =	vpop (xrf0)  }
0x6e: {  	v17, _, _ =	vpop (xrf0)  }
0x6f: {  	v20 =	vbroadcast v17, $0xF  }
0x70: {  	v62 =	vimm.s32 $0x0  }
0x71: {  	v7 =	vsel vm2, $0xFFFFFFFF, v62;
	v3 =	vor.u32 $0x20, v0;
	vm10 =	veq.f32 v61, v20  }
0x72: {  	[tilespmem:$0x1FF10] =	vst v7;
	vm3 =	veq.s32 v57, v3;
	v7 =	vnsel vm10, $0x80000040, v4  }
0x73: {  	v21 =	vsel vm3, $0xFF61B1E6, v12;
	(xrf0) =	vmin.scan.msk.u32 $0xffff, v7  }
0x74: {  	(xrf0) =	vmax.scan.msk.f32 $0xffff, v21;
	_ =	sdelay $0x4  }
0x75: {  	v23, _, _ =	vpop (xrf0)  }
0x76: {  	v18, _, _ =	vpop (xrf0)  }
0x77: {  	v19 =	vbroadcast v18, $0xF;
	_ =	sdelay $0x1  }
0x78: {  	v7 =	vor.u32 $0x30, v0;
	vm11 =	veq.f32 v21, v19  }
0x79: {  	vm4 =	veq.s32 v57, v7;
	v19 =	vnsel vm11, $0x80000040, v6  }
0x7a: {  	v13 =	vsel vm4, $0xFF61B1E6, v13;
	(xrf0) =	vmin.scan.msk.u32 $0xffff, v19  }
0x7b: {  	(v2sf) =	vpush v59, $0xF;
	(xrf0) =	vmax.scan.msk.f32 $0xffff, v13  }
0x7c: {  	(v2sf) =	vpush v63, $0xF;
	_ =	sdelay $0x3  }
0x7d: {  	v25, _, _ =	vpop (xrf0)  }
0x7e: {  	(v2sf) =	vpush v17, $0xF;
	v26, _, _ =	vpop (xrf0)  }
0x7f: {  	(v2sf) =	vpush v23, $0xF;
	v27 =	vbroadcast v26, $0xF  }
0x80: {  	v22 =	vimm.s32 $0x0  }
0x81: {  	v12 =	vsel vm3, $0xFFFFFFFF, v22;
	vm12 =	veq.f32 v13, v27  }
0x82: {  	[tilespmem:$0x1FF30] =	vst v12;
	v12 =	vnsel vm12, $0x80000040, v5  }
0x83: {  	(xrf0) =	vmin.scan.msk.u32 $0xffff, v12  }
0x84: {  	(v2sf) =	vpush v18, $0xF  }
0x85: {  	(v2sf) =	vpush v25, $0xF;
	_ =	sdelay $0x1  }
0x86: {  	s6 =	spop (v2sf)  }
0x87: {  	s9 =	spop (v2sf)  }
0x88: {  	p1 =	seq.f32 s6, $-3.000000010e+38;
	s7 =	sxor.u32 $0x80000000, s9;
	(v2sf) =	vpush v26, $0xF;
	v12, _, _ =	vpop (xrf0)  }
0x89: {  	p2 =	slt.s32 s7, $0x40;
	(v2sf) =	vpush v12, $0xF  }
0x8a: {  	p3 =	sgt.f32 s6, $-3.000000010e+38;
	p0 =	por !p1, !p2  }
0x8b: {  	p0 =	por !p0, !p0  }
0x8c: {  	s8 =	spop (v2sf);
	p0 =	por p3, p0  }
0x8d: {  	s6 =	simm.s32 @!p0 $0xFF61B1E6;
	s10 =	spop (v2sf)  }
0x8e: {  	s7 =	simm.s32 @!p0 $0x40;
	p4 =	seq.f32 s8, s6;
	s9 =	sxor.u32 $0x80000000, s10  }
0x8f: {  	p5 =	slt.s32 s9, s7  }
0x90: {  	p6 =	sgt.f32 s8, s6;
	p0 =	por !p4, !p5  }
0x91: {  	p0 =	por !p0, !p0  }
0x92: {  	s10 =	spop (v2sf);
	p0 =	por p6, p0  }
0x93: {  	s6 =	smov.u32 @p0 s8;
	s11 =	spop (v2sf)  }
0x94: {  	s7 =	smov.u32 @p0 s9;
	p1 =	seq.f32 s10, s6;
	s8 =	sxor.u32 $0x80000000, s11  }
0x95: {  	p2 =	slt.s32 s8, s7  }
0x96: {  	p3 =	sgt.f32 s10, s6;
	p0 =	por !p1, !p2  }
0x97: {  	s12 =	spop (v2sf);
	p0 =	por !p0, !p0  }
0x98: {  	p0 =	por p3, p0;
	s13 =	spop (v2sf)  }
0x99: {  	s6 =	smov.u32 @p0 s10;
	s7 =	smov.u32 @p0 s8;
	s8 =	sxor.u32 $0x80000000, s13  }
0x9a: {  	p0 =	seq.f32 s12, s6;
	s10 =	smov.u32 s7;
	p1 =	slt.s32 s8, s7  }
0x9b: {  	p2 =	sgt.f32 s12, s6;
	s10 =	smov.u32 @p1 s8  }
0x9c: {  	s7 =	smov.u32 @p0 s10  }
0x9d: {  	s7 =	smov.u32 @p2 s8  }
0x9e: {  	v28 =	vmov s7  }
0x9f: {  	v29 =	vnsel vm1, $0x0, v8;
	vm13 =	veq.s32 v28, v0  }
0xa0: {  	(xrf2) =	vadd.scan.msk.f32 $0xffff, v29;
	v8 =	vnsel vm13, $0x0, v8  }
0xa1: {  	v31 =	vnsel vm2, $0x0, v9;
	vm14 =	veq.s32 v28, v2;
	(xrf2) =	vadd.scan.msk.f32 $0xffff, v8  }
0xa2: {  	v33 =	vnsel vm14, $0x0, v9;
	(xrf2) =	vadd.scan.msk.f32 $0xffff, v31  }
0xa3: {  	v34 =	vnsel vm3, $0x0, v10;
	vm15 =	veq.s32 v28, v3;
	(xrf2) =	vadd.scan.msk.f32 $0xffff, v33  }
0xa4: {  	v24 =	vimm.s32 $0x0;
	v36 =	vnsel vm15, $0x0, v10;
	(xrf2) =	vadd.scan.msk.f32 $0xffff, v34  }
0xa5: {  	v14 =	vsel vm4, $0xFFFFFFFF, v24;
	v37 =	vnsel vm4, $0x0, v55;
	vm4 =	veq.s32 v28, v7;
	(xrf2) =	vadd.scan.msk.f32 $0xffff, v36  }
0xa6: {  	v39 =	vnsel vm4, $0x0, v55;
	(xrf2) =	vadd.scan.msk.f32 $0xffff, v37  }
0xa7: {  	(xrf2) =	vadd.scan.msk.f32 $0xffff, v39;
	_ =	sdelay $0x2  }
0xa8: {  	v40, _, _ =	vpop (xrf2)  }
0xa9: {  	(v2sf) =	vpush v40, $0xF;
	v41, _, _ =	vpop (xrf2)  }
0xaa: {  	(v2sf) =	vpush v41, $0xF;
	v42, _, _ =	vpop (xrf2)  }
0xab: {  	(v2sf) =	vpush v42, $0xF;
	v43, _, _ =	vpop (xrf2)  }
0xac: {  	(v2sf) =	vpush v43, $0xF;
	v44, _, _ =	vpop (xrf2)  }
0xad: {  	(v2sf) =	vpush v44, $0xF;
	v45, _, _ =	vpop (xrf2)  }
0xae: {  	(v2sf) =	vpush v45, $0xF;
	v46, _, _ =	vpop (xrf2)  }
0xaf: {  	(v2sf) =	vpush v46, $0xF;
	v47, _, _ =	vpop (xrf2)  }
0xb0: {  	(v2sf) =	vpush v47, $0xF;
	_ =	sdelay $0x7  }
0xb1: {  	s14 =	spop (v2sf)  }
0xb2: {  	s6 =	sadd.f32 $0.0e+00, s14;
	s15 =	spop (v2sf)  }
0xb3: {  	s7 =	sadd.f32 $0.0e+00, s15;
	s16 =	spop (v2sf)  }
0xb4: {  	s6 =	sadd.f32 s6, s16;
	s17 =	spop (v2sf)  }
0xb5: {  	s7 =	sadd.f32 s7, s17;
	s18 =	spop (v2sf)  }
0xb6: {  	v48 =	vld [tilespmem:$0x80];
	s6 =	sadd.f32 s6, s18;
	s19 =	spop (v2sf)  }
0xb7: {  	s7 =	sadd.f32 s7, s19;
	s20 =	spop (v2sf)  }
0xb8: {  	s6 =	sadd.f32 s6, s20;
	s21 =	spop (v2sf)  }
0xb9: {  	s7 =	sadd.f32 s7, s21;
	_ =	sdelay $0x1  }
0xba: {  	v8 =	vsub.f32 $0.0e+00, v48;
	s8 =	sadd.f32 s7, s6;
	_ =	sdelay $0x1  }
0xbb: {  	v8 =	vmul.f32 $1.442695020e+00, v8;
	v49 =	vmov s8  }
0xbc: {  	(erf) = vrcp.f32 v49  }
0xbd: {  	(erf) = vpow2.f32 v8;
	_ =	sdelay $0x3  }
0xbe: {  	v50 =	vld [tilespmem:$0x90];
	_ =	sdelay $0x1  }
0xbf: {  	v35 =	vimm.s32 $0x0  }
0xc0: {  	v38 =	vimm.s32 $0x0;
	v9 =	vsel vm15, $0xFFFFFFFF, v35  }
0xc1: {  	[tilespmem:$0x1FF40] =	vst v9;
	v9 =	vsel vm4, $0xFFFFFFFF, v38;
	v8 =	vpop (erf)  }
0xc2: {  	[tilespmem:$0x1FF60] =	vst v9;
	v9 =	vsub.f32 $0.0e+00, v50;
	v51 =	vpop (erf)  }
0xc3: {  	v10 =	vadd.f32 $1.000000000e+00, v51  }
0xc4: {  	v9 =	vmul.f32 $1.442695020e+00, v9  }
0xc5: {  	(erf) = vrcp.f32 v10  }
0xc6: {  	(erf) = vpow2.f32 v9;
	_ =	sdelay $0x3  }
0xc7: {  	v52 =	vld [tilespmem:$0xA0];
	_ =	sdelay $0x2  }
0xc8: {  	v53 =	vld [tilespmem:$0x400]  }
0xc9: {  	v9 =	vpop (erf)  }
0xca: {  	v10 =	vsub.f32 $0.0e+00, v52;
	v54 =	vpop (erf)  }
0xcb: {  	v12 =	vadd.f32 $1.000000000e+00, v54  }
0xcc: {  	v10 =	vmul.f32 $1.442695020e+00, v10  }
0xcd: {  	v55 =	vadd.f32 v9, v53;
	(erf) = vrcp.f32 v12  }
0xce: {  	(erf) = vpow2.f32 v10  }
0xcf: {  	(xrf0) =	vmax.scan.msk.f32 $0xffff, v55;
	_ =	sdelay $0x2  }
0xd0: {  	v56 =	vld [tilespmem:$0xB0];
	_ =	sdelay $0x1  }
0xd1: {  	v57 =	vld [tilespmem:$0x410]  }
0xd2: {  	v58, _, _ =	vpop (xrf0)  }
0xd3: {  	v59 =	vbroadcast v58, $0xF;
	v10 =	vpop (erf)  }
0xd4: {  	v11 =	vsub.f32 $0.0e+00, v56;
	v60 =	vpop (erf)  }
0xd5: {  	vm5 =	veq.f32 v55, v59;
	v61 =	vadd.f32 $1.000000000e+00, v60  }
0xd6: {  	v11 =	vmul.f32 $1.442695020e+00, v11;
	v62 =	vnsel vm5, $0x80000040, v1;
	v63 =	vadd.f32 v10, v57  }
0xd7: {  	(xrf0) =	vmin.scan.msk.u32 $0xffff, v62;
	(erf) = vrcp.f32 v61  }
0xd8: {  	(xrf0) =	vmax.scan.msk.f32 $0xffff, v63;
	(erf) = vpow2.f32 v11;
	_ =	sdelay $0x4  }
0xd9: {  	v25 =	vld [tilespmem:$0x420];
	v24, _, _ =	vpop (xrf0)  }
0xda: {  	v26, _, _ =	vpop (xrf0)  }
0xdb: {  	v27 =	vbroadcast v26, $0xF  }
0xdc: {  	v30 =	vimm.s32 $0x0;
	v28 =	vpop (erf)  }
0xdd: {  	[tilespmem:$0x1FF50] =	vst v14;
	v14 =	vsel vm13, $0xFFFFFFFF, v30;
	vm6 =	veq.f32 v63, v27;
	v29 =	vpop (erf)  }
0xde: {  	v30 =	vnsel vm6, $0x80000040, v4;
	v20 =	vadd.f32 v28, v25;
	v31 =	vadd.f32 $1.000000000e+00, v29  }
0xdf: {  	(xrf0) =	vmin.scan.msk.u32 $0xffff, v30  }
0xe0: {  	(xrf0) =	vmax.scan.msk.f32 $0xffff, v20;
	(erf) = vrcp.f32 v31;
	_ =	sdelay $0x1  }
0xe1: {  	v32 =	vimm.s32 $0x0;
	_ =	sdelay $0x2  }
0xe2: {  	v13 =	vsel vm14, $0xFFFFFFFF, v32;
	v33 =	vld [tilespmem:$0x430];
	v32, _, _ =	vpop (xrf0)  }
0xe3: {  	v21, _, _ =	vpop (xrf0)  }
0xe4: {  	v34 =	vbroadcast v21, $0xF;
	_ =	sdelay $0x1  }
0xe5: {  	vm7 =	veq.f32 v20, v34;
	v35 =	vpop (erf)  }
0xe6: {  	v22 =	vnsel vm7, $0x80000040, v6;
	v19 =	vadd.f32 v35, v33  }
0xe7: {  	(xrf0) =	vmin.scan.msk.u32 $0xffff, v22  }
0xe8: {  	(xrf0) =	vmax.scan.msk.f32 $0xffff, v19;
	_ =	sdelay $0x3  }
0xe9: {  	(v2sf) =	vpush v58, $0xF  }
0xea: {  	(v2sf) =	vpush v24, $0xF;
	v36, _, _ =	vpop (xrf0)  }
0xeb: {  	(v2sf) =	vpush v26, $0xF;
	v37, _, _ =	vpop (xrf0)  }
0xec: {  	(v2sf) =	vpush v32, $0xF;
	v38 =	vbroadcast v37, $0xF;
	_ =	sdelay $0x1  }
0xed: {  	vm8 =	veq.f32 v19, v38  }
0xee: {  	v16 =	vnsel vm8, $0x80000040, v5  }
0xef: {  	(xrf0) =	vmin.scan.msk.u32 $0xffff, v16  }
0xf0: {  	(v2sf) =	vpush v21, $0xF  }
0xf1: {  	(v2sf) =	vpush v36, $0xF;
	_ =	sdelay $0x3  }
0xf2: {  	(v2sf) =	vpush v37, $0xF;
	v39, _, _ =	vpop (xrf0)  }
0xf3: {  	(v2sf) =	vpush v39, $0xF  }
0xf4: {  	s8 =	spop (v2sf)  }
0xf5: {  	s22 =	spop (v2sf)  }
0xf6: {  	s10 =	spop (v2sf)  }
0xf7: {  	s23 =	spop (v2sf)  }
0xf8: {  	s9 =	sxor.u32 $0x80000000, s22;
	p4 =	seq.f32 s10, s8;
	s11 =	sxor.u32 $0x80000000, s23  }
0xf9: {  	p5 =	slt.s32 s11, s9  }
0xfa: {  	p6 =	sgt.f32 s10, s8;
	p0 =	por !p4, !p5  }
0xfb: {  	p0 =	por !p0, !p0  }
0xfc: {  	s12 =	spop (v2sf);
	p0 =	por p6, p0  }
0xfd: {  	s8 =	smov.u32 @p0 s10;
	s13 =	spop (v2sf)  }
0xfe: {  	s9 =	smov.u32 @p0 s11;
	p1 =	seq.f32 s12, s8;
	s10 =	sxor.u32 $0x80000000, s13  }
0xff: {  	p2 =	slt.s32 s10, s9  }
0x100: {  	p3 =	sgt.f32 s12, s8;
	p0 =	por !p1, !p2  }
0x101: {  	s24 =	spop (v2sf);
	p0 =	por !p0, !p0  }
0x102: {  	p0 =	por p3, p0;
	s25 =	spop (v2sf)  }
0x103: {  	s8 =	smov.u32 @p0 s12;
	s9 =	smov.u32 @p0 s10;
	s13 =	sxor.u32 $0x80000000, s25  }
0x104: {  	p0 =	seq.f32 s24, s8;
	s10 =	smov.u32 s9;
	p1 =	slt.s32 s13, s9  }
0x105: {  	p2 =	sgt.f32 s24, s8;
	s10 =	smov.u32 @p1 s13  }
0x106: {  	s9 =	smov.u32 @p0 s10  }
0x107: {  	s9 =	smov.u32 @p2 s13  }
0x108: {  	v40 =	vmov s9  }
0x109: {  	vm9 =	veq.s32 v40, v0  }
0x10a: {  	[tilespmem:$0x1FF20] =	vst v13;
	v13 =	vsel vm9, $0xFF61B1E6, v55  }
0x10b: {  	(xrf0) =	vmax.scan.msk.f32 $0xffff, v13;
	_ =	sdelay $0x5  }
0x10c: {  	v42, _, _ =	vpop (xrf0)  }
0x10d: {  	v43 =	vbroadcast v42, $0xF;
	_ =	sdelay $0x1  }
0x10e: {  	vm10 =	veq.f32 v13, v43  }
0x10f: {  	vm11 =	veq.s32 v40, v2;
	v13 =	vnsel vm10, $0x80000040, v1  }
0x110: {  	v44 =	vsel vm11, $0xFF61B1E6, v63;
	(xrf0) =	vmin.scan.msk.u32 $0xffff, v13  }
0x111: {  	(xrf0) =	vmax.scan.msk.f32 $0xffff, v44;
	_ =	sdelay $0x4  }
0x112: {  	v46, _, _ =	vpop (xrf0)  }
0x113: {  	v47, _, _ =	vpop (xrf0)  }
0x114: {  	v48 =	vbroadcast v47, $0xF;
	_ =	sdelay $0x1  }
0x115: {  	vm12 =	veq.f32 v44, v48  }
0x116: {  	vm13 =	veq.s32 v40, v3;
	v13 =	vnsel vm12, $0x80000040, v4  }
0x117: {  	v49 =	vsel vm13, $0xFF61B1E6, v20;
	(xrf0) =	vmin.scan.msk.u32 $0xffff, v13  }
0x118: {  	(xrf0) =	vmax.scan.msk.f32 $0xffff, v49;
	_ =	sdelay $0x4  }
0x119: {  	v51, _, _ =	vpop (xrf0)  }
0x11a: {  	v52, _, _ =	vpop (xrf0)  }
0x11b: {  	v53 =	vbroadcast v52, $0xF;
	_ =	sdelay $0x1  }
0x11c: {  	vm14 =	veq.f32 v49, v53  }
0x11d: {  	vm15 =	veq.s32 v40, v7;
	v13 =	vnsel vm14, $0x80000040, v6  }
0x11e: {  	v54 =	vsel vm15, $0xFF61B1E6, v19;
	(xrf0) =	vmin.scan.msk.u32 $0xffff, v13  }
0x11f: {  	(v2sf) =	vpush v42, $0xF;
	(xrf0) =	vmax.scan.msk.f32 $0xffff, v54  }
0x120: {  	(v2sf) =	vpush v46, $0xF;
	_ =	sdelay $0x3  }
0x121: {  	v56, _, _ =	vpop (xrf0)  }
0x122: {  	(v2sf) =	vpush v47, $0xF;
	v57, _, _ =	vpop (xrf0)  }
0x123: {  	(v2sf) =	vpush v51, $0xF;
	v58 =	vbroadcast v57, $0xF;
	_ =	sdelay $0x1  }
0x124: {  	vm6 =	veq.f32 v54, v58  }
0x125: {  	v13 =	vnsel vm6, $0x80000040, v5  }
0x126: {  	(xrf0) =	vmin.scan.msk.u32 $0xffff, v13  }
0x127: {  	(v2sf) =	vpush v52, $0xF  }
0x128: {  	(v2sf) =	vpush v56, $0xF;
	_ =	sdelay $0x1  }
0x129: {  	s8 =	spop (v2sf)  }
0x12a: {  	s26 =	spop (v2sf)  }
0x12b: {  	p4 =	seq.f32 s8, $-3.000000010e+38;
	s9 =	sxor.u32 $0x80000000, s26;
	(v2sf) =	vpush v57, $0xF;
	v13, _, _ =	vpop (xrf0)  }
0x12c: {  	p5 =	slt.s32 s9, $0x40;
	(v2sf) =	vpush v13, $0xF  }
0x12d: {  	p6 =	sgt.f32 s8, $-3.000000010e+38;
	p0 =	por !p4, !p5  }
0x12e: {  	p0 =	por !p0, !p0  }
0x12f: {  	s10 =	spop (v2sf);
	p0 =	por p6, p0  }
0x130: {  	s8 =	simm.s32 @!p0 $0xFF61B1E6;
	s28 =	spop (v2sf)  }
0x131: {  	s9 =	simm.s32 @!p0 $0x40;
	p1 =	seq.f32 s10, s8;
	s11 =	sxor.u32 $0x80000000, s28  }
0x132: {  	p2 =	slt.s32 s11, s9  }
0x133: {  	p3 =	sgt.f32 s10, s8;
	p0 =	por !p1, !p2  }
0x134: {  	p0 =	por !p0, !p0  }
0x135: {  	s12 =	spop (v2sf);
	p0 =	por p3, p0  }
0x136: {  	s8 =	smov.u32 @p0 s10;
	s29 =	spop (v2sf)  }
0x137: {  	s9 =	smov.u32 @p0 s11;
	p4 =	seq.f32 s12, s8;
	s10 =	sxor.u32 $0x80000000, s29  }
0x138: {  	p5 =	slt.s32 s10, s9  }
0x139: {  	p6 =	sgt.f32 s12, s8;
	p0 =	por !p4, !p5  }
0x13a: {  	s30 =	spop (v2sf);
	p0 =	por !p0, !p0  }
0x13b: {  	p0 =	por p6, p0;
	s31 =	spop (v2sf)  }
0x13c: {  	s8 =	smov.u32 @p0 s12;
	s9 =	smov.u32 @p0 s10;
	s10 =	sxor.u32 $0x80000000, s31  }
0x13d: {  	p0 =	seq.f32 s30, s8;
	s12 =	smov.u32 s9;
	p1 =	slt.s32 s10, s9  }
0x13e: {  	p2 =	sgt.f32 s30, s8;
	s12 =	smov.u32 @p1 s10  }
0x13f: {  	s9 =	smov.u32 @p0 s12  }
0x140: {  	v50 =	vimm.s32 $0x0;
	v41 =	vimm.s32 $0x0;
	v61 =	vimm.s32 $0x0;
	s9 =	smov.u32 @p2 s10  }
0x141: {  	[tilespmem:$0x1FF00] =	vst v14;
	v15 =	vsel vm9, $0xFFFFFFFF, v41;
	v55 =	vimm.s32 $0x0;
	v59 =	vmov s9  }
0x142: {  	v60 =	vnsel vm9, $0x0, v9;
	v63 =	vimm.s32 $0x0;
	[tilespmem:$0x1FF70] =	vst v15;
	vm7 =	veq.s32 v59, v0  }
0x143: {  	v14 =	vsel vm15, $0xFFFFFFFF, v55;
	(xrf2) =	vadd.scan.msk.f32 $0xffff, v60;
	vm8 =	veq.s32 v59, v2;
	v9 =	vnsel vm7, $0x0, v9  }
0x144: {  	v62 =	vnsel vm11, $0x0, v10;
	[tilespmem:$0x1FFD0] =	vst v14;
	v14 =	vsel vm8, $0xFFFFFFFF, v63;
	(xrf2) =	vadd.scan.msk.f32 $0xffff, v9  }
0x145: {  	v15 =	vsel vm7, $0xFFFFFFFF, v61;
	[tilespmem:$0x1FFA0] =	vst v14;
	v14 =	vnsel vm8, $0x0, v10;
	(xrf2) =	vadd.scan.msk.f32 $0xffff, v62  }
0x146: {  	vm9 =	veq.s32 v59, v3;
	[tilespmem:$0x1FF80] =	vst v15;
	v15 =	vnsel vm13, $0x0, v28;
	(xrf2) =	vadd.scan.msk.f32 $0xffff, v14  }
0x147: {  	v18 =	vsel vm13, $0xFFFFFFFF, v50;
	v17 =	vnsel vm9, $0x0, v28;
	(xrf2) =	vadd.scan.msk.f32 $0xffff, v15  }
0x148: {  	[tilespmem:$0x1FFB0] =	vst v18;
	v18 =	vnsel vm15, $0x0, v35;
	vm10 =	veq.s32 v59, v7;
	(xrf2) =	vadd.scan.msk.f32 $0xffff, v17  }
0x149: {  	v20 =	vnsel vm10, $0x0, v35;
	(xrf2) =	vadd.scan.msk.f32 $0xffff, v18  }
0x14a: {  	(xrf2) =	vadd.scan.msk.f32 $0xffff, v20;
	_ =	sdelay $0x2  }
0x14b: {  	v21, _, _ =	vpop (xrf2)  }
0x14c: {  	(v2sf) =	vpush v21, $0xF;
	v22, _, _ =	vpop (xrf2)  }
0x14d: {  	(v2sf) =	vpush v22, $0xF;
	v23, _, _ =	vpop (xrf2)  }
0x14e: {  	(v2sf) =	vpush v23, $0xF;
	v24, _, _ =	vpop (xrf2)  }
0x14f: {  	(v2sf) =	vpush v24, $0xF;
	v25, _, _ =	vpop (xrf2)  }
0x150: {  	(v2sf) =	vpush v25, $0xF;
	v26, _, _ =	vpop (xrf2)  }
0x151: {  	(v2sf) =	vpush v26, $0xF;
	v27, _, _ =	vpop (xrf2)  }
0x152: {  	(v2sf) =	vpush v27, $0xF;
	v28, _, _ =	vpop (xrf2)  }
0x153: {  	(v2sf) =	vpush v28, $0xF;
	_ =	sdelay $0x7  }
0x154: {  	s14 =	spop (v2sf)  }
0x155: {  	s8 =	sadd.f32 $0.0e+00, s14;
	s15 =	spop (v2sf)  }
0x156: {  	s9 =	sadd.f32 $0.0e+00, s15;
	s16 =	spop (v2sf)  }
0x157: {  	s8 =	sadd.f32 s8, s16;
	s17 =	spop (v2sf)  }
0x158: {  	s9 =	sadd.f32 s9, s17;
	s18 =	spop (v2sf)  }
0x159: {  	v29 =	vld [tilespmem:$0x100];
	s8 =	sadd.f32 s8, s18;
	s19 =	spop (v2sf)  }
0x15a: {  	s9 =	sadd.f32 s9, s19;
	s20 =	spop (v2sf)  }
0x15b: {  	s8 =	sadd.f32 s8, s20;
	s21 =	spop (v2sf)  }
0x15c: {  	s9 =	sadd.f32 s9, s21;
	_ =	sdelay $0x1  }
0x15d: {  	v9 =	vsub.f32 $0.0e+00, v29;
	s10 =	sadd.f32 s9, s8;
	_ =	sdelay $0x1  }
0x15e: {  	v9 =	vmul.f32 $1.442695020e+00, v9;
	v30 =	vmov s10  }
0x15f: {  	(erf) = vrcp.f32 v30  }
0x160: {  	(erf) = vpow2.f32 v9;
	_ =	sdelay $0x3  }
0x161: {  	v45 =	vimm.s32 $0x0;
	v31 =	vld [tilespmem:$0x110]  }
0x162: {  	v16 =	vsel vm11, $0xFFFFFFFF, v45  }
0x163: {  	[tilespmem:$0x1FF90] =	vst v16;
	v16 =	vimm.s32 $0x0  }
0x164: {  	v19 =	vimm.s32 $0x0;
	v10 =	vsel vm9, $0xFFFFFFFF, v16  }
0x165: {  	[tilespmem:$0x1FFC0] =	vst v10;
	v10 =	vsel vm10, $0xFFFFFFFF, v19;
	v9 =	vpop (erf)  }
0x166: {  	[tilespmem:$0x1FFE0] =	vst v10;
	v10 =	vsub.f32 $0.0e+00, v31;
	v32 =	vpop (erf)  }
0x167: {  	v11 =	vadd.f32 $1.000000000e+00, v32  }
0x168: {  	v10 =	vmul.f32 $1.442695020e+00, v10  }
0x169: {  	(erf) = vrcp.f32 v11  }
0x16a: {  	(erf) = vpow2.f32 v10;
	_ =	sdelay $0x3  }
0x16b: {  	v33 =	vld [tilespmem:$0x120];
	_ =	sdelay $0x2  }
0x16c: {  	v34 =	vld [tilespmem:$0x400]  }
0x16d: {  	v35 =	vpop (erf)  }
0x16e: {  	v11 =	vsub.f32 $0.0e+00, v33;
	v36 =	vpop (erf)  }
0x16f: {  	v13 =	vadd.f32 $1.000000000e+00, v36  }
0x170: {  	v11 =	vmul.f32 $1.442695020e+00, v11  }
0x171: {  	v37 =	vadd.f32 v35, v34;
	(erf) = vrcp.f32 v13  }
0x172: {  	(erf) = vpow2.f32 v11  }
0x173: {  	(xrf0) =	vmax.scan.msk.f32 $0xffff, v37;
	_ =	sdelay $0x2  }
0x174: {  	v38 =	vld [tilespmem:$0x130];
	_ =	sdelay $0x1  }
0x175: {  	v39 =	vld [tilespmem:$0x410]  }
0x176: {  	v40, _, _ =	vpop (xrf0)  }
0x177: {  	v41 =	vbroadcast v40, $0xF;
	v42 =	vpop (erf)  }
0x178: {  	v12 =	vsub.f32 $0.0e+00, v38;
	v43 =	vpop (erf)  }
0x179: {  	vm11 =	veq.f32 v37, v41;
	v17 =	vadd.f32 $1.000000000e+00, v43  }
0x17a: {  	v12 =	vmul.f32 $1.442695020e+00, v12;
	v16 =	vnsel vm11, $0x80000040, v1;
	v44 =	vadd.f32 v42, v39  }
0x17b: {  	(xrf0) =	vmin.scan.msk.u32 $0xffff, v16;
	(erf) = vrcp.f32 v17  }
0x17c: {  	(xrf0) =	vmax.scan.msk.f32 $0xffff, v44;
	(erf) = vpow2.f32 v12;
	_ =	sdelay $0x4  }
0x17d: {  	v45 =	vld [tilespmem:$0x420];
	v16, _, _ =	vpop (xrf0)  }
0x17e: {  	v46, _, _ =	vpop (xrf0)  }
0x17f: {  	v47 =	vbroadcast v46, $0xF  }
0x180: {  	v48 =	vpop (erf)  }
0x181: {  	vm12 =	veq.f32 v44, v47;
	v49 =	vpop (erf)  }
0x182: {  	v19 =	vnsel vm12, $0x80000040, v4;
	v50 =	vadd.f32 v48, v45;
	v51 =	vadd.f32 $1.000000000e+00, v49  }
0x183: {  	(xrf0) =	vmin.scan.msk.u32 $0xffff, v19  }
0x184: {  	(xrf0) =	vmax.scan.msk.f32 $0xffff, v50;
	(erf) = vrcp.f32 v51;
	_ =	sdelay $0x4  }
0x185: {  	v52 =	vld [tilespmem:$0x430];
	v19, _, _ =	vpop (xrf0)  }
0x186: {  	v53, _, _ =	vpop (xrf0)  }
0x187: {  	v23 =	vbroadcast v53, $0xF;
	_ =	sdelay $0x1  }
0x188: {  	vm13 =	veq.f32 v50, v23;
	v13 =	vpop (erf)  }
0x189: {  	v23 =	vnsel vm13, $0x80000040, v6;
	v20 =	vadd.f32 v13, v52  }
0x18a: {  	(xrf0) =	vmin.scan.msk.u32 $0xffff, v23  }
0x18b: {  	(xrf0) =	vmax.scan.msk.f32 $0xffff, v20;
	_ =	sdelay $0x3  }
0x18c: {  	(v2sf) =	vpush v40, $0xF  }
0x18d: {  	(v2sf) =	vpush v16, $0xF;
	v54, _, _ =	vpop (xrf0)  }
0x18e: {  	(v2sf) =	vpush v46, $0xF;
	v55, _, _ =	vpop (xrf0)  }
0x18f: {  	(v2sf) =	vpush v19, $0xF;
	v56 =	vbroadcast v55, $0xF;
	_ =	sdelay $0x1  }
0x190: {  	vm14 =	veq.f32 v20, v56  }
0x191: {  	v17 =	vnsel vm14, $0x80000040, v5  }
0x192: {  	(xrf0) =	vmin.scan.msk.u32 $0xffff, v17  }
0x193: {  	(v2sf) =	vpush v53, $0xF  }
0x194: {  	(v2sf) =	vpush v54, $0xF;
	_ =	sdelay $0x3  }
0x195: {  	(v2sf) =	vpush v55, $0xF;
	v57, _, _ =	vpop (xrf0)  }
0x196: {  	(v2sf) =	vpush v57, $0xF  }
0x197: {  	s10 =	spop (v2sf)  }
0x198: {  	s22 =	spop (v2sf)  }
0x199: {  	s12 =	spop (v2sf)  }
0x19a: {  	s23 =	spop (v2sf)  }
0x19b: {  	s11 =	sxor.u32 $0x80000000, s22;
	p1 =	seq.f32 s12, s10;
	s13 =	sxor.u32 $0x80000000, s23  }
0x19c: {  	p2 =	slt.s32 s13, s11  }
0x19d: {  	p3 =	sgt.f32 s12, s10;
	p0 =	por !p1, !p2  }
0x19e: {  	p0 =	por !p0, !p0  }
0x19f: {  	s14 =	spop (v2sf);
	p0 =	por p3, p0  }
0x1a0: {  	s10 =	smov.u32 @p0 s12;
	s15 =	spop (v2sf)  }
0x1a1: {  	s11 =	smov.u32 @p0 s13;
	p4 =	seq.f32 s14, s10;
	s12 =	sxor.u32 $0x80000000, s15  }
0x1a2: {  	p5 =	slt.s32 s12, s11  }
0x1a3: {  	p6 =	sgt.f32 s14, s10;
	p0 =	por !p4, !p5  }
0x1a4: {  	s24 =	spop (v2sf);
	p0 =	por !p0, !p0  }
0x1a5: {  	p0 =	por p6, p0;
	s25 =	spop (v2sf)  }
0x1a6: {  	s10 =	smov.u32 @p0 s14;
	s11 =	smov.u32 @p0 s12;
	s15 =	sxor.u32 $0x80000000, s25  }
0x1a7: {  	p0 =	seq.f32 s24, s10;
	s12 =	smov.u32 s11;
	p1 =	slt.s32 s15, s11  }
0x1a8: {  	p2 =	sgt.f32 s24, s10;
	s12 =	smov.u32 @p1 s15  }
0x1a9: {  	s11 =	smov.u32 @p0 s12  }
0x1aa: {  	s11 =	smov.u32 @p2 s15  }
0x1ab: {  	v58 =	vmov s11  }
0x1ac: {  	vm11 =	veq.s32 v58, v0  }
0x1ad: {  	v14 =	vsel vm11, $0xFF61B1E6, v37  }
0x1ae: {  	(xrf0) =	vmax.scan.msk.f32 $0xffff, v14;
	_ =	sdelay $0x5  }
0x1af: {  	v59, _, _ =	vpop (xrf0)  }
0x1b0: {  	v60 =	vbroadcast v59, $0xF;
	_ =	sdelay $0x1  }
0x1b1: {  	vm15 =	veq.f32 v14, v60  }
0x1b2: {  	vm10 =	veq.s32 v58, v2;
	v14 =	vnsel vm15, $0x80000040, v1  }
0x1b3: {  	v61 =	vsel vm10, $0xFF61B1E6, v44;
	(xrf0) =	vmin.scan.msk.u32 $0xffff, v14  }
0x1b4: {  	(xrf0) =	vmax.scan.msk.f32 $0xffff, v61;
	_ =	sdelay $0x4  }
0x1b5: {  	v62, _, _ =	vpop (xrf0)  }
0x1b6: {  	v63, _, _ =	vpop (xrf0)  }
0x1b7: {  	v23 =	vbroadcast v63, $0xF;
	_ =	sdelay $0x1  }
0x1b8: {  	vm4 =	veq.f32 v61, v23  }
0x1b9: {  	vm9 =	veq.s32 v58, v3;
	v14 =	vnsel vm4, $0x80000040, v4  }
0x1ba: {  	v24 =	vsel vm9, $0xFF61B1E6, v50;
	(xrf0) =	vmin.scan.msk.u32 $0xffff, v14  }
0x1bb: {  	(xrf0) =	vmax.scan.msk.f32 $0xffff, v24;
	_ =	sdelay $0x4  }
0x1bc: {  	v25, _, _ =	vpop (xrf0)  }
0x1bd: {  	v26, _, _ =	vpop (xrf0)  }
0x1be: {  	v27 =	vbroadcast v26, $0xF;
	_ =	sdelay $0x1  }
0x1bf: {  	vm5 =	veq.f32 v24, v27  }
0x1c0: {  	vm8 =	veq.s32 v58, v7;
	v14 =	vnsel vm5, $0x80000040, v6  }
0x1c1: {  	v28 =	vsel vm8, $0xFF61B1E6, v20;
	(xrf0) =	vmin.scan.msk.u32 $0xffff, v14  }
0x1c2: {  	(v2sf) =	vpush v59, $0xF;
	(xrf0) =	vmax.scan.msk.f32 $0xffff, v28  }
0x1c3: {  	(v2sf) =	vpush v62, $0xF;
	_ =	sdelay $0x3  }
0x1c4: {  	v29, _, _ =	vpop (xrf0)  }
0x1c5: {  	(v2sf) =	vpush v63, $0xF;
	v30, _, _ =	vpop (xrf0)  }
0x1c6: {  	(v2sf) =	vpush v25, $0xF;
	v31 =	vbroadcast v30, $0xF;
	_ =	sdelay $0x1  }
0x1c7: {  	vm6 =	veq.f32 v28, v31  }
0x1c8: {  	v14 =	vnsel vm6, $0x80000040, v5  }
0x1c9: {  	(xrf0) =	vmin.scan.msk.u32 $0xffff, v14  }
0x1ca: {  	(v2sf) =	vpush v26, $0xF  }
0x1cb: {  	(v2sf) =	vpush v29, $0xF;
	_ =	sdelay $0x1  }
0x1cc: {  	s10 =	spop (v2sf)  }
0x1cd: {  	s26 =	spop (v2sf)  }
0x1ce: {  	p1 =	seq.f32 s10, $-3.000000010e+38;
	s11 =	sxor.u32 $0x80000000, s26;
	(v2sf) =	vpush v30, $0xF;
	v14, _, _ =	vpop (xrf0)  }
0x1cf: {  	p2 =	slt.s32 s11, $0x40;
	(v2sf) =	vpush v14, $0xF  }
0x1d0: {  	p3 =	sgt.f32 s10, $-3.000000010e+38;
	p0 =	por !p1, !p2  }
0x1d1: {  	p0 =	por !p0, !p0  }
0x1d2: {  	s12 =	spop (v2sf);
	p0 =	por p3, p0  }
0x1d3: {  	s10 =	simm.s32 @!p0 $0xFF61B1E6;
	s28 =	spop (v2sf)  }
0x1d4: {  	s11 =	simm.s32 @!p0 $0x40;
	p4 =	seq.f32 s12, s10;
	s13 =	sxor.u32 $0x80000000, s28  }
0x1d5: {  	p5 =	slt.s32 s13, s11  }
0x1d6: {  	p6 =	sgt.f32 s12, s10;
	p0 =	por !p4, !p5  }
0x1d7: {  	p0 =	por !p0, !p0  }
0x1d8: {  	s14 =	spop (v2sf);
	p0 =	por p6, p0  }
0x1d9: {  	s10 =	smov.u32 @p0 s12;
	s29 =	spop (v2sf)  }
0x1da: {  	s11 =	smov.u32 @p0 s13;
	p1 =	seq.f32 s14, s10;
	s12 =	sxor.u32 $0x80000000, s29  }
0x1db: {  	p2 =	slt.s32 s12, s11  }
0x1dc: {  	p3 =	sgt.f32 s14, s10;
	p0 =	por !p1, !p2  }
0x1dd: {  	s30 =	spop (v2sf);
	p0 =	por !p0, !p0  }
0x1de: {  	p0 =	por p3, p0;
	s31 =	spop (v2sf)  }
0x1df: {  	s10 =	smov.u32 @p0 s14;
	s11 =	smov.u32 @p0 s12;
	s12 =	sxor.u32 $0x80000000, s31  }
0x1e0: {  	p0 =	seq.f32 s30, s10;
	s14 =	smov.u32 s11;
	p1 =	slt.s32 s12, s11  }
0x1e1: {  	p2 =	sgt.f32 s30, s10;
	s14 =	smov.u32 @p1 s12  }
0x1e2: {  	s11 =	smov.u32 @p0 s14  }
0x1e3: {  	s11 =	smov.u32 @p2 s12  }
0x1e4: {  	v32 =	vmov s11  }
0x1e5: {  	v33 =	vnsel vm11, $0x0, v35;
	vm14 =	veq.s32 v32, v0  }
0x1e6: {  	(xrf2) =	vadd.scan.msk.f32 $0xffff, v33;
	v10 =	vnsel vm14, $0x0, v35  }
0x1e7: {  	v34 =	vnsel vm10, $0x0, v42;
	vm13 =	veq.s32 v32, v2;
	(xrf2) =	vadd.scan.msk.f32 $0xffff, v10  }
0x1e8: {  	v35 =	vnsel vm13, $0x0, v42;
	(xrf2) =	vadd.scan.msk.f32 $0xffff, v34  }
0x1e9: {  	v36 =	vnsel vm9, $0x0, v48;
	vm12 =	veq.s32 v32, v3;
	(xrf2) =	vadd.scan.msk.f32 $0xffff, v35  }
0x1ea: {  	v37 =	vnsel vm12, $0x0, v48;
	(xrf2) =	vadd.scan.msk.f32 $0xffff, v36  }
0x1eb: {  	v38 =	vnsel vm8, $0x0, v13;
	vm7 =	veq.s32 v32, v7;
	(xrf2) =	vadd.scan.msk.f32 $0xffff, v37  }
0x1ec: {  	v40 =	vnsel vm7, $0x0, v13;
	(xrf2) =	vadd.scan.msk.f32 $0xffff, v38  }
0x1ed: {  	(xrf2) =	vadd.scan.msk.f32 $0xffff, v40;
	_ =	sdelay $0x2  }
0x1ee: {  	v41, _, _ =	vpop (xrf2)  }
0x1ef: {  	(v2sf) =	vpush v41, $0xF;
	v42, _, _ =	vpop (xrf2)  }
0x1f0: {  	(v2sf) =	vpush v42, $0xF;
	v43, _, _ =	vpop (xrf2)  }
0x1f1: {  	(v2sf) =	vpush v43, $0xF;
	v44, _, _ =	vpop (xrf2)  }
0x1f2: {  	(v2sf) =	vpush v44, $0xF;
	v45, _, _ =	vpop (xrf2)  }
0x1f3: {  	(v2sf) =	vpush v45, $0xF;
	v46, _, _ =	vpop (xrf2)  }
0x1f4: {  	(v2sf) =	vpush v46, $0xF;
	v47, _, _ =	vpop (xrf2)  }
0x1f5: {  	(v2sf) =	vpush v47, $0xF;
	v48, _, _ =	vpop (xrf2)  }
0x1f6: {  	(v2sf) =	vpush v48, $0xF;
	_ =	sdelay $0x7  }
0x1f7: {  	s14 =	spop (v2sf)  }
0x1f8: {  	s10 =	sadd.f32 $0.0e+00, s14;
	s15 =	spop (v2sf)  }
0x1f9: {  	s11 =	sadd.f32 $0.0e+00, s15;
	s16 =	spop (v2sf)  }
0x1fa: {  	s10 =	sadd.f32 s10, s16;
	s17 =	spop (v2sf)  }
0x1fb: {  	s11 =	sadd.f32 s11, s17;
	s18 =	spop (v2sf)  }
0x1fc: {  	v49 =	vld [tilespmem:$0x180];
	s10 =	sadd.f32 s10, s18;
	s19 =	spop (v2sf)  }
0x1fd: {  	s12 =	sadd.f32 s11, s19;
	s20 =	spop (v2sf)  }
0x1fe: {  	s11 =	sadd.f32 s10, s20;
	s21 =	spop (v2sf)  }
0x1ff: {  	s10 =	sadd.f32 s12, s21;
	_ =	sdelay $0x1  }
0x200: {  	v10 =	vsub.f32 $0.0e+00, v49;
	s12 =	sadd.f32 s10, s11;
	_ =	sdelay $0x1  }
0x201: {  	v10 =	vmul.f32 $1.442695020e+00, v10;
	v50 =	vmov s12  }
0x202: {  	(erf) = vrcp.f32 v50  }
0x203: {  	(erf) = vpow2.f32 v10;
	_ =	sdelay $0x3  }
0x204: {  	v51 =	vld [tilespmem:$0x190];
	_ =	sdelay $0x2  }
0x205: {  	v39 =	vimm.s32 $0x0  }
0x206: {  	v11 =	vsel vm7, $0xFFFFFFFF, v39;
	v10 =	vpop (erf)  }
0x207: {  	[tilespmem:$0x1FFF0] =	vst v11;
	v11 =	vsub.f32 $0.0e+00, v51;
	v52 =	vpop (erf)  }
0x208: {  	v12 =	vadd.f32 $1.000000000e+00, v52  }
0x209: {  	v11 =	vmul.f32 $1.442695020e+00, v11  }
0x20a: {  	(erf) = vrcp.f32 v12  }
0x20b: {  	(erf) = vpow2.f32 v11;
	_ =	sdelay $0x3  }
0x20c: {  	v53 =	vld [tilespmem:$0x1A0];
	_ =	sdelay $0x2  }
0x20d: {  	v54 =	vld [tilespmem:$0x400]  }
0x20e: {  	v11 =	vpop (erf)  }
0x20f: {  	v12 =	vsub.f32 $0.0e+00, v53;
	v55 =	vpop (erf)  }
0x210: {  	v14 =	vadd.f32 $1.000000000e+00, v55  }
0x211: {  	v12 =	vmul.f32 $1.442695020e+00, v12  }
0x212: {  	v56 =	vadd.f32 v11, v54;
	(erf) = vrcp.f32 v14  }
0x213: {  	(erf) = vpow2.f32 v12  }
0x214: {  	(xrf0) =	vmax.scan.msk.f32 $0xffff, v56;
	_ =	sdelay $0x2  }
0x215: {  	v57 =	vld [tilespmem:$0x1B0];
	_ =	sdelay $0x1  }
0x216: {  	v58 =	vld [tilespmem:$0x410]  }
0x217: {  	v59, _, _ =	vpop (xrf0)  }
0x218: {  	v60 =	vbroadcast v59, $0xF;
	v61 =	vpop (erf)  }
0x219: {  	v13 =	vsub.f32 $0.0e+00, v57;
	v62 =	vpop (erf)  }
0x21a: {  	vm15 =	veq.f32 v56, v60;
	v18 =	vadd.f32 $1.000000000e+00, v62  }
0x21b: {  	v13 =	vmul.f32 $1.442695020e+00, v13;
	v17 =	vnsel vm15, $0x80000040, v1;
	v63 =	vadd.f32 v61, v58  }
0x21c: {  	(xrf0) =	vmin.scan.msk.u32 $0xffff, v17;
	(erf) = vrcp.f32 v18  }
0x21d: {  	(xrf0) =	vmax.scan.msk.f32 $0xffff, v63;
	(erf) = vpow2.f32 v13;
	_ =	sdelay $0x4  }
0x21e: {  	v28 =	vld [tilespmem:$0x420];
	v17, _, _ =	vpop (xrf0)  }
0x21f: {  	v29, _, _ =	vpop (xrf0)  }
0x220: {  	v30 =	vbroadcast v29, $0xF  }
0x221: {  	v31 =	vpop (erf)  }
0x222: {  	vm4 =	veq.f32 v63, v30;
	v32 =	vpop (erf)  }
0x223: {  	v20 =	vnsel vm4, $0x80000040, v4;
	v33 =	vadd.f32 v31, v28;
	v34 =	vadd.f32 $1.000000000e+00, v32  }
0x224: {  	(xrf0) =	vmin.scan.msk.u32 $0xffff, v20  }
0x225: {  	(xrf0) =	vmax.scan.msk.f32 $0xffff, v33;
	(erf) = vrcp.f32 v34;
	_ =	sdelay $0x4  }
0x226: {  	v35 =	vld [tilespmem:$0x430];
	v20, _, _ =	vpop (xrf0)  }
0x227: {  	v36, _, _ =	vpop (xrf0)  }
0x228: {  	v24 =	vbroadcast v36, $0xF;
	_ =	sdelay $0x1  }
0x229: {  	vm5 =	veq.f32 v33, v24;
	v14 =	vpop (erf)  }
0x22a: {  	v24 =	vnsel vm5, $0x80000040, v6;
	v21 =	vadd.f32 v14, v35  }
0x22b: {  	(xrf0) =	vmin.scan.msk.u32 $0xffff, v24  }
0x22c: {  	(xrf0) =	vmax.scan.msk.f32 $0xffff, v21;
	_ =	sdelay $0x3  }
0x22d: {  	(v2sf) =	vpush v59, $0xF  }
0x22e: {  	(v2sf) =	vpush v17, $0xF;
	v37, _, _ =	vpop (xrf0)  }
0x22f: {  	(v2sf) =	vpush v29, $0xF;
	v38, _, _ =	vpop (xrf0)  }
0x230: {  	(v2sf) =	vpush v20, $0xF;
	v39 =	vbroadcast v38, $0xF;
	_ =	sdelay $0x1  }
0x231: {  	vm6 =	veq.f32 v21, v39  }
0x232: {  	v18 =	vnsel vm6, $0x80000040, v5  }
0x233: {  	(xrf0) =	vmin.scan.msk.u32 $0xffff, v18  }
0x234: {  	(v2sf) =	vpush v36, $0xF  }
0x235: {  	(v2sf) =	vpush v37, $0xF;
	_ =	sdelay $0x3  }
0x236: {  	(v2sf) =	vpush v38, $0xF;
	v40, _, _ =	vpop (xrf0)  }
0x237: {  	(v2sf) =	vpush v40, $0xF  }
0x238: {  	s12 =	spop (v2sf)  }
0x239: {  	s22 =	spop (v2sf)  }
0x23a: {  	s14 =	spop (v2sf)  }
0x23b: {  	s23 =	spop (v2sf)  }
0x23c: {  	s13 =	sxor.u32 $0x80000000, s22;
	p4 =	seq.f32 s14, s12;
	s15 =	sxor.u32 $0x80000000, s23  }
0x23d: {  	p5 =	slt.s32 s15, s13  }
0x23e: {  	p6 =	sgt.f32 s14, s12;
	p0 =	por !p4, !p5  }
0x23f: {  	p0 =	por !p0, !p0  }
0x240: {  	s16 =	spop (v2sf);
	p0 =	por p6, p0  }
0x241: {  	s12 =	smov.u32 @p0 s14;
	s17 =	spop (v2sf)  }
0x242: {  	s13 =	smov.u32 @p0 s15;
	p1 =	seq.f32 s16, s12;
	s14 =	sxor.u32 $0x80000000, s17  }
0x243: {  	p2 =	slt.s32 s14, s13  }
0x244: {  	p3 =	sgt.f32 s16, s12;
	p0 =	por !p1, !p2  }
0x245: {  	s24 =	spop (v2sf);
	p0 =	por !p0, !p0  }
0x246: {  	p0 =	por p3, p0;
	s25 =	spop (v2sf)  }
0x247: {  	s12 =	smov.u32 @p0 s16;
	s13 =	smov.u32 @p0 s14;
	s17 =	sxor.u32 $0x80000000, s25  }
0x248: {  	p0 =	seq.f32 s24, s12;
	s14 =	smov.u32 s13;
	p1 =	slt.s32 s17, s13  }
0x249: {  	p2 =	sgt.f32 s24, s12;
	s14 =	smov.u32 @p1 s17  }
0x24a: {  	s13 =	smov.u32 @p0 s14  }
0x24b: {  	s13 =	smov.u32 @p2 s17  }
0x24c: {  	v41 =	vmov s13  }
0x24d: {  	vm6 =	veq.s32 v41, v0  }
0x24e: {  	v15 =	vsel vm6, $0xFF61B1E6, v56  }
0x24f: {  	(xrf0) =	vmax.scan.msk.f32 $0xffff, v15;
	_ =	sdelay $0x5  }
0x250: {  	v42, _, _ =	vpop (xrf0)  }
0x251: {  	v43 =	vbroadcast v42, $0xF;
	_ =	sdelay $0x1  }
0x252: {  	vm7 =	veq.f32 v15, v43  }
0x253: {  	v1 =	vnsel vm7, $0x80000040, v1;
	vm7 =	veq.s32 v41, v2  }
0x254: {  	(xrf0) =	vmin.scan.msk.u32 $0xffff, v1;
	v44 =	vsel vm7, $0xFF61B1E6, v63  }
0x255: {  	(xrf0) =	vmax.scan.msk.f32 $0xffff, v44;
	_ =	sdelay $0x4  }
0x256: {  	v45, _, _ =	vpop (xrf0)  }
0x257: {  	v46, _, _ =	vpop (xrf0)  }
0x258: {  	v47 =	vbroadcast v46, $0xF;
	_ =	sdelay $0x1  }
0x259: {  	vm15 =	veq.f32 v44, v47  }
0x25a: {  	vm5 =	veq.s32 v41, v3;
	v1 =	vnsel vm15, $0x80000040, v4  }
0x25b: {  	v48 =	vsel vm5, $0xFF61B1E6, v33;
	(xrf0) =	vmin.scan.msk.u32 $0xffff, v1  }
0x25c: {  	(xrf0) =	vmax.scan.msk.f32 $0xffff, v48;
	_ =	sdelay $0x4  }
0x25d: {  	v49, _, _ =	vpop (xrf0)  }
0x25e: {  	v50, _, _ =	vpop (xrf0)  }
0x25f: {  	v51 =	vbroadcast v50, $0xF;
	_ =	sdelay $0x1  }
0x260: {  	vm4 =	veq.f32 v48, v51  }
0x261: {  	v1 =	vnsel vm4, $0x80000040, v6;
	vm4 =	veq.s32 v41, v7  }
0x262: {  	(xrf0) =	vmin.scan.msk.u32 $0xffff, v1;
	v52 =	vsel vm4, $0xFF61B1E6, v21  }
0x263: {  	(v2sf) =	vpush v42, $0xF;
	(xrf0) =	vmax.scan.msk.f32 $0xffff, v52  }
0x264: {  	(v2sf) =	vpush v45, $0xF;
	_ =	sdelay $0x3  }
0x265: {  	v53, _, _ =	vpop (xrf0)  }
0x266: {  	(v2sf) =	vpush v46, $0xF;
	v54, _, _ =	vpop (xrf0)  }
0x267: {  	(v2sf) =	vpush v49, $0xF;
	v55 =	vbroadcast v54, $0xF;
	_ =	sdelay $0x1  }
0x268: {  	vm15 =	veq.f32 v52, v55  }
0x269: {  	v1 =	vnsel vm15, $0x80000040, v5  }
0x26a: {  	(xrf0) =	vmin.scan.msk.u32 $0xffff, v1  }
0x26b: {  	(v2sf) =	vpush v50, $0xF  }
0x26c: {  	(v2sf) =	vpush v53, $0xF;
	_ =	sdelay $0x1  }
0x26d: {  	s12 =	spop (v2sf)  }
0x26e: {  	s26 =	spop (v2sf)  }
0x26f: {  	p4 =	seq.f32 s12, $-3.000000010e+38;
	s13 =	sxor.u32 $0x80000000, s26;
	(v2sf) =	vpush v54, $0xF;
	v1, _, _ =	vpop (xrf0)  }
0x270: {  	p5 =	slt.s32 s13, $0x40;
	(v2sf) =	vpush v1, $0xF  }
0x271: {  	p6 =	sgt.f32 s12, $-3.000000010e+38;
	p0 =	por !p4, !p5  }
0x272: {  	p0 =	por !p0, !p0  }
0x273: {  	s14 =	spop (v2sf);
	p0 =	por p6, p0  }
0x274: {  	s12 =	simm.s32 @!p0 $0xFF61B1E6;
	s28 =	spop (v2sf)  }
0x275: {  	s13 =	simm.s32 @!p0 $0x40;
	p1 =	seq.f32 s14, s12;
	s15 =	sxor.u32 $0x80000000, s28  }
0x276: {  	p2 =	slt.s32 s15, s13  }
0x277: {  	p3 =	sgt.f32 s14, s12;
	p0 =	por !p1, !p2  }
0x278: {  	p0 =	por !p0, !p0  }
0x279: {  	s16 =	spop (v2sf);
	p0 =	por p3, p0  }
0x27a: {  	s12 =	smov.u32 @p0 s14;
	s29 =	spop (v2sf)  }
0x27b: {  	s13 =	smov.u32 @p0 s15;
	p4 =	seq.f32 s16, s12;
	s14 =	sxor.u32 $0x80000000, s29  }
0x27c: {  	p5 =	slt.s32 s14, s13  }
0x27d: {  	p6 =	sgt.f32 s16, s12;
	p0 =	por !p4, !p5  }
0x27e: {  	s30 =	spop (v2sf);
	p0 =	por !p0, !p0  }
0x27f: {  	p0 =	por p6, p0;
	s31 =	spop (v2sf)  }
0x280: {  	s12 =	smov.u32 @p0 s16;
	s13 =	smov.u32 @p0 s14;
	s14 =	sxor.u32 $0x80000000, s31  }
0x281: {  	p0 =	seq.f32 s30, s12;
	s16 =	smov.u32 s13;
	p1 =	slt.s32 s14, s13  }
0x282: {  	p2 =	sgt.f32 s30, s12;
	s16 =	smov.u32 @p1 s14  }
0x283: {  	s13 =	smov.u32 @p0 s16  }
0x284: {  	s13 =	smov.u32 @p2 s14  }
0x285: {  	v56 =	vmov s13  }
0x286: {  	v57 =	vnsel vm6, $0x0, v11;
	vm0 =	veq.s32 v56, v0  }
0x287: {  	(xrf2) =	vadd.scan.msk.f32 $0xffff, v57;
	v0 =	vnsel vm0, $0x0, v11  }
0x288: {  	v58 =	vnsel vm7, $0x0, v61;
	vm3 =	veq.s32 v56, v2;
	(xrf2) =	vadd.scan.msk.f32 $0xffff, v0  }
0x289: {  	v59 =	vnsel vm3, $0x0, v61;
	(xrf2) =	vadd.scan.msk.f32 $0xffff, v58  }
0x28a: {  	v60 =	vnsel vm5, $0x0, v31;
	vm2 =	veq.s32 v56, v3;
	(xrf2) =	vadd.scan.msk.f32 $0xffff, v59  }
0x28b: {  	v61 =	vnsel vm2, $0x0, v31;
	(xrf2) =	vadd.scan.msk.f32 $0xffff, v60  }
0x28c: {  	v62 =	vnsel vm4, $0x0, v14;
	vm1 =	veq.s32 v56, v7;
	(xrf2) =	vadd.scan.msk.f32 $0xffff, v61  }
0x28d: {  	v63 =	vnsel vm1, $0x0, v14;
	(xrf2) =	vadd.scan.msk.f32 $0xffff, v62  }
0x28e: {  	(xrf2) =	vadd.scan.msk.f32 $0xffff, v63;
	_ =	sdelay $0x2  }
0x28f: {  	v4, _, _ =	vpop (xrf2)  }
0x290: {  	(v2sf) =	vpush v4, $0xF;
	v5, _, _ =	vpop (xrf2)  }
0x291: {  	v6, _, _ =	vpop (xrf2);
	(v2sf) =	vpush v5, $0xF  }
0x292: {  	v7, _, _ =	vpop (xrf2);
	(v2sf) =	vpush v6, $0xF  }
0x293: {  	v11, _, _ =	vpop (xrf2);
	(v2sf) =	vpush v7, $0xF  }
0x294: {  	v12, _, _ =	vpop (xrf2);
	(v2sf) =	vpush v11, $0xF  }
0x295: {  	v13, _, _ =	vpop (xrf2);
	(v2sf) =	vpush v12, $0xF  }
0x296: {  	(v2sf) =	vpush v13, $0xF;
	v14, _, _ =	vpop (xrf2)  }
0x297: {  	v17 =	vld [tilespmem:$0x1FEF0];
	(v2sf) =	vpush v14, $0xF  }
0x298: {  	v18 =	vld [tilespmem:$0x1FF00]  }
0x299: {  	v16 =	vmov s7;
	v19 =	vld [tilespmem:$0x1FF10]  }
0x29a: {  	v25 =	vmov s9;
	v34 =	vmov s11;
	v20 =	vld [tilespmem:$0x1FF20];
	v37 =	vmov s10  }
0x29b: {  	v36 =	vnsel vm11, $0x0, v34;
	v24 =	vmov s8;
	v38 =	vnsel vm14, $0x0, v37;
	v21 =	vld [tilespmem:$0x1FF30]  }
0x29c: {  	v22 =	vld [tilespmem:$0x1FF40];
	v39 =	vnsel vm10, $0x0, v34;
	v15 =	vmov s6;
	vm15 =	vnez.u8 v17  }
0x29d: {  	v23 =	vld [tilespmem:$0x1FF50];
	v40 =	vnsel vm13, $0x0, v37;
	v2 =	vnsel vm15, $0x0, v15;
	vm15 =	vnez.u8 v18  }
0x29e: {  	v26 =	vld [tilespmem:$0x1FF60];
	v49 =	vadd.f32 v38, v36;
	v3 =	vnsel vm15, $0x0, v16;
	vm15 =	vnez.u8 v19  }
0x29f: {  	v27 =	vld [tilespmem:$0x1FF70];
	v50 =	vadd.f32 v40, v39;
	s17 =	spop (v2sf);
	v4 =	vnsel vm15, $0x0, v15;
	vm15 =	vnez.u8 v20  }
0x2a0: {  	v28 =	vld [tilespmem:$0x1FF80];
	s12 =	sadd.f32 $0.0e+00, s17;
	v2 =	vadd.f32 v3, v2;
	v5 =	vnsel vm15, $0x0, v16;
	vm15 =	vnez.u8 v21;
	s18 =	spop (v2sf)  }
0x2a1: {  	v29 =	vld [tilespmem:$0x1FF90];
	v41 =	vnsel vm8, $0x0, v34;
	v6 =	vnsel vm15, $0x0, v15;
	vm15 =	vnez.u8 v22;
	s19 =	spop (v2sf);
	s20 =	sadd.f32 $0.0e+00, s18  }
0x2a2: {  	v30 =	vld [tilespmem:$0x1FFA0];
	v2 =	vmul.f32 v8, v2;
	v7 =	vnsel vm15, $0x0, v16;
	vm15 =	vnez.u8 v23;
	s21 =	spop (v2sf);
	s6 =	sadd.f32 s12, s19  }
0x2a3: {  	v31 =	vld [tilespmem:$0x1FFB0];
	v4 =	vadd.f32 v5, v4;
	v0 =	vnsel vm15, $0x0, v15;
	vm15 =	vnez.u8 v26;
	s22 =	spop (v2sf);
	s7 =	sadd.f32 s20, s21  }
0x2a4: {  	v26 =	vnsel vm12, $0x0, v37;
	v1 =	vnsel vm15, $0x0, v16;
	vm15 =	vnez.u8 v27;
	s23 =	spop (v2sf);
	s6 =	sadd.f32 s6, s22  }
0x2a5: {  	v32 =	vld [tilespmem:$0x1FFC0];
	v6 =	vadd.f32 v7, v6;
	v13 =	vnsel vm15, $0x0, v24;
	vm15 =	vnez.u8 v28;
	s24 =	spop (v2sf);
	s7 =	sadd.f32 s7, s23  }
0x2a6: {  	v33 =	vld [tilespmem:$0x1FFD0];
	v4 =	vmul.f32 v8, v4;
	v14 =	vnsel vm15, $0x0, v25;
	vm15 =	vnez.u8 v29;
	s6 =	sadd.f32 s6, s24;
	s25 =	spop (v2sf)  }
0x2a7: {  	v35 =	vld [tilespmem:$0x1FFE0];
	v0 =	vadd.f32 v1, v0;
	v15 =	vnsel vm15, $0x0, v24;
	vm15 =	vnez.u8 v30;
	s7 =	sadd.f32 s7, s25  }
0x2a8: {  	v43 =	vadd.f32 v14, v13;
	v16 =	vnsel vm15, $0x0, v25;
	vm15 =	vnez.u8 v31  }
0x2a9: {  	v48 =	vld [tilespmem:$0x1FFF0];
	v44 =	vmul.f32 v8, v6;
	v0 =	vmul.f32 v8, v0;
	v17 =	vnsel vm15, $0x0, v24;
	s8 =	sadd.f32 s7, s6  }
0x2aa: {  	vm15 =	vnez.u8 v32;
	v45 =	vadd.f32 v16, v15;
	v1 =	vmul.f32 v9, v43  }
0x2ab: {  	v18 =	vnsel vm15, $0x0, v25;
	vm15 =	vnez.u8 v33;
	v42 =	vmov s8  }
0x2ac: {  	[tilespmem:$0x200] =	vst v2;
	v11 =	vnsel vm15, $0x0, v24;
	vm15 =	vnez.u8 v35;
	(erf) = vrcp.f32 v42  }
0x2ad: {  	[tilespmem:$0x210] =	vst v4;
	v46 =	vadd.f32 v18, v17;
	v6 =	vmul.f32 v9, v45;
	v12 =	vnsel vm15, $0x0, v25  }
0x2ae: {  	[tilespmem:$0x220] =	vst v44;
	v25 =	vnsel vm9, $0x0, v34;
	vm15 =	vnez.u8 v48;
	v47 =	vadd.f32 v12, v11  }
0x2af: {  	[tilespmem:$0x230] =	vst v0;
	v11 =	vnsel vm15, $0x0, v37;
	v7 =	vmul.f32 v9, v46;
	v51 =	vadd.f32 v26, v25  }
0x2b0: {  	[tilespmem:$0x280] =	vst v1;
	v12 =	vmul.f32 v10, v50;
	v3 =	vadd.f32 v11, v41;
	v8 =	vmul.f32 v9, v47  }
0x2b1: {  	[tilespmem:$0x290] =	vst v6;
	v9 =	vmul.f32 v10, v49;
	v13 =	vmul.f32 v10, v51  }
0x2b2: {  	[tilespmem:$0x2A0] =	vst v7;
	v3 =	vmul.f32 v10, v3;
	v52 =	vmov s6;
	v53 =	vmov s7  }
0x2b3: {  	[tilespmem:$0x310] =	vst v12;
	v54 =	vnsel vm6, $0x0, v52;
	v57 =	vnsel vm7, $0x0, v52;
	v55 =	vnsel vm0, $0x0, v53  }
0x2b4: {  	[tilespmem:$0x2B0] =	vst v8;
	v59 =	vnsel vm5, $0x0, v52;
	v58 =	vnsel vm3, $0x0, v53;
	v11 =	vadd.f32 v55, v54  }
0x2b5: {  	[tilespmem:$0x300] =	vst v9;
	v14 =	vnsel vm4, $0x0, v52;
	v60 =	vnsel vm2, $0x0, v53;
	v16 =	vadd.f32 v58, v57;
	v56 =	vpop (erf)  }
0x2b6: {  	[tilespmem:$0x320] =	vst v13;
	v15 =	vnsel vm1, $0x0, v53;
	v17 =	vadd.f32 v60, v59;
	v11 =	vmul.f32 v56, v11  }
0x2b7: {  	[tilespmem:$0x330] =	vst v3;
	v14 =	vadd.f32 v15, v14;
	v16 =	vmul.f32 v56, v16  }
0x2b8: {  	v61 =	vmul.f32 v56, v17;
	[tilespmem:$0x380] =	vst v11  }
0x2b9: {  	v10 =	vmul.f32 v56, v14;
	[tilespmem:$0x390] =	vst v16  }
0x2ba: {  	s26 =	sadd.s32 $0x1C00, s3;
	[tilespmem:$0x3A0] =	vst v61  }
0x2bb: {  	s5 =	sadd.s32 s26, s5;
	s28 =	simm.s32 $0x200;
	[tilespmem:$0x3B0] =	vst v10  }
0x2bc: {  	v2 =	vmax.f32 v2, $0.0e+00;
	[hbm4b:s5+s2] =	stream.linear.scatter [tilespmem:s28], [sflag:$0x1], $0x200, $0x38;
	[tilespmem:$0x500] =	vst v63  }
0x2bd: {  	v4 =	vmax.f32 v4, $0.0e+00;
	v62 =	vmax.f32 v44, $0.0e+00;
	v1 =	vmax.f32 v2, v1;
	_ =	swait.ge [sflag:s4], $0x200  }
0x2be: {  	v0 =	vmax.f32 v0, $0.0e+00;
	v4 =	vmax.f32 v4, v6;
	v1 =	vmax.f32 v1, v9;
	[sflag:s4] =	ssyncset.done $0x0  }
0x2bf: {  	v2 =	vmax.f32 v62, v7;
	v4 =	vmax.f32 v4, v12;
	v1 =	vmax.f32 v1, v11;
	[sflag:s4] =	ssyncadd.s32 $0xFFFFFE00  }
0x2c0: {  	v0 =	vmax.f32 v0, v8;
	v2 =	vmax.f32 v2, v13;
	v4 =	vmax.f32 v4, v16;
	[tilespmem:$0x480] =	vst v1  }
0x2c1: {  	v0 =	vmax.f32 v0, v3;
	v63 =	vmax.f32 v2, v61;
	[tilespmem:$0x490] =	vst v4  }
0x2c2: {  	s29 =	sadd.s32 $0x1A00, s3;
	s30 =	sshll.u32 s1, $0x4;
	v0 =	vmax.f32 v0, v10;
	[tilespmem:$0x4A0] =	vst v63  }
0x2c3: {  	s3 =	sadd.s32 s29, s30;
	s31 =	simm.s32 $0x480;
	[tilespmem:$0x4B0] =	vst v0  }
0x2c4: {  	[hbm4b:s3+s2] =	stream.linear.scatter [tilespmem:s31], [sflag:$0x1], $0x80, $0x38;
	[tilespmem:$0x500] =	vst v63  }
0x2c5: {  	_ =	swait.ge [sflag:s4], $0x80  }
0x2c6: {  	[sflag:s4] =	ssyncset.done $0x0  }
0x2c7: {  	[sflag:s4] =	ssyncadd.s32 $0xFFFFFF80  }
.LBB2_2:
0x2c8: {  	_ =	sfence.sel $0x180000  }
0x2c9: {  	[bflag:$0x0] =	sbarrier.arrive $0xFFFF  }
0x2ca: {  	p0 =	sne.s32 s1, $0x0;
	_ =	strace $0x90000047  }
0x2cb: {  	s0 =	sadd.s32 @!p0 $0x100000, s0;
	[bflag:$0x2] =	sbarrier.arrive $0xFFFF  }
0x2cc: {  	[sflag:s0] =	ssyncadd.tile.s32 @!p0 $0x1;
	_ =	shalt  }
.Lfunc_end2:
_tile_overlayer_lowered:
.L_overlay_start_2:
0x2cd: {  	(tag) =	ssettag $0x2  }
0x2ce: {  	s0 =	rddreg [dreg:$0x0];
	s2 =	stileid.u32  }
0x2cf: {  	s1 =	rddreg [dreg:$0x1];
	p0 =	sne.s32 s2, $0x0  }
0x2d0: {  	s3 =	rddreg [dreg:$0x2];
	[bflag:$0x3] =	sbarrier.arrive $0xFFFF;
	s2 =	simm.s32 @!p0 $0x1C01  }
0x2d1: {  	[timem:s3], [sflag:s2] =	dma.local @!p0 [hbm:s0], s1  }
0x2d2: {  	s0 =	simm.s32 @!p0 $0x1  }
0x2d3: {  	_ =	swait.ge @!p0 [sflag:s0], s1  }
0x2d4: {  	s1 =	ssub.s32 @!p0 $0x0, s1;
	[sflag:s0] =	ssyncset.done @!p0 $0x0  }
0x2d5: {  	[sflag:s0] =	ssyncadd.s32 @!p0 s1  }
0x2d6: {  	[bflag:$0x3] =	sbarrier.arrive $0xFFFF  }
0x2d7: {  	_ =	shalt  }

</sc_bundles>
